<compile_context>
chip_gen: v7x
topology: tpu7x:2x2x1
jax: 0.10.2.dev20260603
libtpu: 0.0.44.dev20260713+nightly
codegen_flags: <defaults>
</compile_context>

<pallas_src>
import math

import jax
import jax.numpy as jnp
from jax import lax
from jax.experimental import pallas as pl
from jax.experimental.pallas import tpu as pltpu
from jax.experimental.pallas import tpu_sc as plsc

N = 10000
E = 320000
NHID = 64

NC = 2
NS = 16
NW = NC * NS
EPT = E // NW
CH = 80
NITER = EPT // CH
RPT = 632
NP = NS * RPT

def _dot(a, b):
  return jax.lax.dot(a, b)


def _dotT(at, b):
  return jax.lax.dot_general(at, b, (((0,), (0,)), ((), ())))


def _elu(v):
  return jnp.where(v > 0, v, jnp.exp(jnp.minimum(v, 0.0)) - 1.0)


def _rownorm(v):
  ssq = _dot(v * v, jnp.ones((v.shape[1], 1), jnp.float32))
  return v * jax.lax.rsqrt(jnp.maximum(ssq, 1e-24))


ZR = RPT // 8
NBUF = 8
D = NHID


_SC_MESH = plsc.VectorSubcoreMesh(
    core_axis_name="c", subcore_axis_name="s", num_cores=NC, num_subcores=NS)
_SC_PARAMS = pltpu.CompilerParams(
    use_tc_tiling_on_sc=False, needs_layout_passes=False)


def _make_sc_agg(with_deg):

  def body(table, adj2d, *refs):
    if with_deg:
      out, dout, srcv, dstv, rows, zbuf, degp, acc, gsem, ssem = refs
    else:
      out, srcv, dstv, rows, zbuf, acc, gsem, ssem = refs
    c = lax.axis_index("c")
    s = lax.axis_index("s")
    wid = c * NS + s

    zeros = jnp.zeros((16,), jnp.float32)

    def zinit(r, carry):
      for k in range(D // 16):
        zbuf[r, pl.ds(k * 16, 16)] = zeros
      return carry

    lax.fori_loop(0, ZR, zinit, 0)
    if with_deg:
      def dzinit(r, carry):
        degp[pl.ds(r * 16, 16)] = zeros
        return carry

      lax.fori_loop(0, NP // 16, dzinit, 0)
    for z in range(RPT // ZR):
      pltpu.sync_copy(zbuf, acc.at[pl.ds(s * RPT + z * ZR, ZR)])
    plsc.subcore_barrier()

    pltpu.sync_copy(adj2d.at[pl.ds(wid * NITER, NITER)], srcv)
    pltpu.sync_copy(adj2d.at[pl.ds(E // CH + wid * NITER, NITER)], dstv)

    ones = jnp.full((16,), 1.0, jnp.float32)
    for j in range(NBUF - 1):
      pltpu.async_copy(table.at[srcv.at[j]], rows.at[j], gsem.at[j])

    def eloop(i, carry):
      b = lax.rem(i, NBUF)
      pb = lax.rem(i + NBUF - 1, NBUF)
      g = i + NBUF - 1

      @pl.when(jnp.logical_and(i >= 1, g < NITER))
      def _():
        pltpu.make_async_copy(
            rows.at[pb], acc.at[dstv.at[i - 1]], ssem.at[pb]).wait()

      @pl.when(g < NITER)
      def _():
        pltpu.async_copy(table.at[srcv.at[g]], rows.at[pb], gsem.at[pb])

      if with_deg:
        for k in range(CH // 16):
          plsc.addupdate_scatter(degp, [dstv[i, pl.ds(k * 16, 16)]], ones)

      pltpu.make_async_copy(table.at[srcv.at[i]], rows.at[b], gsem.at[b]).wait()
      pltpu.async_copy(rows.at[b], acc.at[dstv.at[i]], ssem.at[b], add=True)
      return carry

    lax.fori_loop(0, NITER, eloop, 0)
    for k in range(NBUF):
      ci = NITER - NBUF + k
      pltpu.make_async_copy(
          rows.at[ci % NBUF], acc.at[dstv.at[ci]], ssem.at[ci % NBUF]).wait()
    plsc.subcore_barrier()

    pltpu.sync_copy(acc.at[pl.ds(s * RPT, RPT)], out.at[c, pl.ds(s * RPT, RPT)])
    if with_deg:
      pltpu.sync_copy(degp, dout.at[wid])

  out_types = [jax.ShapeDtypeStruct((NC, NP, D), jnp.float32)]
  scratch = [
      pltpu.VMEM((NITER, CH), jnp.int32),
      pltpu.VMEM((NITER, CH), jnp.int32),
      pltpu.VMEM((NBUF, CH, D), jnp.float32),
      pltpu.VMEM((ZR, D), jnp.float32),
  ]
  if with_deg:
    out_types.append(jax.ShapeDtypeStruct((NW, NP), jnp.float32))
    scratch.append(pltpu.VMEM((NP,), jnp.float32))
  scratch += [
      pltpu.VMEM_SHARED((NP, D), jnp.float32),
      pltpu.SemaphoreType.DMA((NBUF,)),
      pltpu.SemaphoreType.DMA((NBUF,)),
  ]
  return pl.kernel(
      body,
      out_type=out_types,
      mesh=_SC_MESH,
      scratch_types=scratch,
      compiler_params=_SC_PARAMS,
  )


_sc_agg_deg = _make_sc_agg(True)
_sc_agg = _make_sc_agg(False)


RB = 2560
GRID = (N + RB - 1) // RB


def _ka1_body(x_ref, qt_ref, Wl0x, Wl0q, T0_ref):
  T0_ref[...] = _dot(x_ref[...], Wl0x[...]) + _dotT(qt_ref[...], Wl0q[...])


def _ka2_body(t_ref, x_ref, qt_ref, freq_ref, Wt1, bt1, Wt2, bt2,
              Wr0x, Wr0q, R0_ref, temb_ref):
  emb = (t_ref[...] * 4.0) * freq_ref[...]
  temb0 = jnp.concatenate([jnp.sin(emb), jnp.cos(emb)], axis=1)
  hmid = _elu(_dot(temb0, Wt1[...]) + bt1[...])
  temb_ref[...] = _dot(hmid, Wt2[...]) + bt2[...]
  R0_ref[...] = _dot(x_ref[...], Wr0x[...]) + _dotT(qt_ref[...], Wr0q[...])


def _kb_body(agg_ref, deg_ref, R0_ref, temb_ref, qt_ref, bl0,
             Wl1x, Wl1q, Wr1x, Wr1q, T1_ref, R1_ref, rdeg_ref):
  a = agg_ref[0] + agg_ref[1]
  deg = jnp.sum(deg_ref[...], axis=0)
  rdeg = (1.0 / jnp.maximum(deg, 1.0)).reshape(RB, 1)
  out0 = a * rdeg + bl0[...] + R0_ref[...]
  h = jnp.maximum(_rownorm(out0) + temb_ref[...], 0.0)
  qt = qt_ref[...]
  T1_ref[...] = _dot(h, Wl1x[...]) + _dotT(qt, Wl1q[...])
  R1_ref[...] = _dot(h, Wr1x[...]) + _dotT(qt, Wr1q[...])
  rdeg_ref[...] = rdeg


def _kc_body(agg_ref, rdeg_ref, R1_ref, temb_ref, qt_ref, bl1,
             Wf1h, Wf1q, bf1, Wf2, bf2, out_ref):
  a = agg_ref[0] + agg_ref[1]
  out1 = a * rdeg_ref[...] + bl1[...] + R1_ref[...]
  h = jnp.maximum(_rownorm(out1) + temb_ref[...], 0.0)
  f = _elu(_dot(h, Wf1h[...]) + _dotT(qt_ref[...], Wf1q[...]) + bf1[...])
  out_ref[...] = _dot(f, Wf2[...]) + bf2[...]


def _row_spec(d):
  return pl.BlockSpec((RB, d), lambda i: (i, 0))


def _full_spec(shape):
  nd = len(shape)
  return pl.BlockSpec(shape, lambda i, _n=nd: (0,) * _n)


def _agg_spec(d):
  return pl.BlockSpec((NC, RB, d), lambda i: (0, i, 0))


def kernel(x, q_Y_sample, adj, t, num_steps, W_t1, b_t1, W_t2, b_t2,
           Wl0, bl0, Wr0, Wl1, bl1, Wr1, Wf1, bf1, Wf2, bf2):
  del num_steps
  adj2d = adj.astype(jnp.int32).reshape(2 * (E // CH), CH)
  f32 = jnp.float32
  half = NHID // 2
  freq = jnp.exp(
      jnp.arange(half, dtype=f32) * (-math.log(10000.0) / (half - 1)))
  freq = freq.reshape(1, half)

  nfeat = x.shape[1]
  q = q_Y_sample
  nlbl = q.shape[1]
  qt = q.T
  _qt_spec = pl.BlockSpec((nlbl, RB), lambda i: (0, i))

  ka1 = pl.pallas_call(
      _ka1_body,
      grid=(GRID,),
      in_specs=[
          _row_spec(nfeat), _qt_spec,
          _full_spec((nfeat, NHID)), _full_spec((nlbl, NHID)),
      ],
      out_specs=[_row_spec(NHID)],
      out_shape=[jax.ShapeDtypeStruct((N, NHID), f32)],
  )
  (T0,) = ka1(x, qt, Wl0[:nfeat], Wl0[nfeat:])

  agg0, degp = _sc_agg_deg(T0, adj2d)

  ka2 = pl.pallas_call(
      _ka2_body,
      grid=(GRID,),
      in_specs=[
          _row_spec(1), _row_spec(nfeat), _qt_spec,
          _full_spec(freq.shape),
          _full_spec(W_t1.shape), _full_spec((1, b_t1.shape[0])),
          _full_spec(W_t2.shape), _full_spec((1, b_t2.shape[0])),
          _full_spec((nfeat, NHID)), _full_spec((nlbl, NHID)),
      ],
      out_specs=[_row_spec(NHID), _row_spec(NHID)],
      out_shape=[
          jax.ShapeDtypeStruct((N, NHID), f32),
          jax.ShapeDtypeStruct((N, NHID), f32),
      ],
  )
  R0, temb = ka2(
      t.reshape(N, 1), x, qt, freq,
      W_t1, b_t1.reshape(1, -1), W_t2, b_t2.reshape(1, -1),
      Wr0[:nfeat], Wr0[nfeat:])

  kb = pl.pallas_call(
      _kb_body,
      grid=(GRID,),
      in_specs=[
          _agg_spec(NHID), pl.BlockSpec((NW, RB), lambda i: (0, i)),
          _row_spec(NHID), _row_spec(NHID),
          _qt_spec, _full_spec((1, NHID)),
          _full_spec((NHID, NHID)), _full_spec((nlbl, NHID)),
          _full_spec((NHID, NHID)), _full_spec((nlbl, NHID)),
      ],
      out_specs=[_row_spec(NHID), _row_spec(NHID), _row_spec(1)],
      out_shape=[
          jax.ShapeDtypeStruct((N, NHID), f32),
          jax.ShapeDtypeStruct((N, NHID), f32),
          jax.ShapeDtypeStruct((N, 1), f32),
      ],
  )
  T1, R1, rdeg = kb(
      agg0, degp, R0, temb, qt, bl0.reshape(1, -1),
      Wl1[:NHID], Wl1[NHID:], Wr1[:NHID], Wr1[NHID:])

  agg1, = _sc_agg(T1, adj2d)

  nout = bf2.shape[0]
  f1 = bf1.shape[0]
  kc = pl.pallas_call(
      _kc_body,
      grid=(GRID,),
      in_specs=[
          _agg_spec(NHID), _row_spec(1), _row_spec(NHID), _row_spec(NHID),
          _qt_spec, _full_spec((1, NHID)),
          _full_spec((NHID, f1)), _full_spec((nlbl, f1)),
          _full_spec((1, f1)), _full_spec((f1, nout)), _full_spec((1, nout)),
      ],
      out_specs=[_row_spec(nout)],
      out_shape=[jax.ShapeDtypeStruct((N, nout), f32)],
  )
  (out,) = kc(
      agg1, rdeg, R1, temb, qt, bl1.reshape(1, -1),
      Wf1[:NHID], Wf1[NHID:], bf1.reshape(1, -1), Wf2, bf2.reshape(1, -1))
  return out

# --- scband reference (transcript-rebuilt; emitter-appended) ---
"""Pipeline reference for scband-denoising-model-24764781429264 (READ-ONLY COPY).

The authoritative reference and input builder live on the scoring server;
editing this copy changes nothing except your own understanding.
"""

import jax, jax.numpy as jnp
import numpy as np
import math

N = 10000
E = 320000
NFEAT = 128
NLABEL = 10
NHID = 64
FDIM = NHID + NLABEL


def sinusoidal_pos_emb(x, num_steps, dim, rescale=4):
    x = x / num_steps * num_steps * rescale
    half_dim = dim // 2
    emb = math.log(10000) / (half_dim - 1)
    emb = jnp.exp(jnp.arange(half_dim, dtype=jnp.float32) * -emb)
    emb = x[:, None] * emb[None, :]
    return jnp.concatenate([jnp.sin(emb), jnp.cos(emb)], axis=-1)


def sage_conv(h, src, dst, Wl, bl, Wr, n_nodes):
    # PyG SAGEConv: out = lin_l(mean_{j in N(i)} x_j) + lin_r(x_i); normalize=True -> L2 row norm
    msg = h[src]  # gather over edges
    agg = jax.ops.segment_sum(msg, dst, num_segments=n_nodes)
    deg = jax.ops.segment_sum(jnp.ones((src.shape[0],), h.dtype), dst, num_segments=n_nodes)
    mean = agg / jnp.clip(deg, 1.0, None)[:, None]
    out = mean @ Wl + bl + h @ Wr
    norm = jnp.linalg.norm(out, axis=-1, keepdims=True)
    return out / jnp.maximum(norm, 1e-12)


def _init_linear(key, fan_in, fan_out):
    k1, k2 = jax.random.split(key)
    bound = 1.0 / math.sqrt(fan_in)
    W = jax.random.uniform(k1, (fan_in, fan_out), jnp.float32, -bound, bound)
    b = jax.random.uniform(k2, (fan_out,), jnp.float32, -bound, bound)
    return W, b


def setup_inputs(seed: int = 0) -> dict:
    key = jax.random.key(seed)
    ks = jax.random.split(key, 16)
    inp = {}
    inp["x"] = jax.random.normal(ks[0], (N, NFEAT), jnp.float32)
    inp["q_Y_sample"] = jax.random.normal(ks[1], (N, NLABEL), jnp.float32)
    inp["adj"] = jax.random.randint(ks[2], (2, E), 0, N).astype(jnp.int64)
    inp["t"] = jax.random.uniform(ks[3], (N,), jnp.float32) * 1000.0
    inp["num_steps"] = 1000
    # time_mlp: Linear(nhid, 2*nhid) -> ELU -> Linear(2*nhid, nhid)
    inp["W_t1"], inp["b_t1"] = _init_linear(ks[4], NHID, 2 * NHID)
    inp["W_t2"], inp["b_t2"] = _init_linear(ks[5], 2 * NHID, NHID)
    # SAGEConv layer 0: in = nfeat + nlabel
    inp["Wl0"], inp["bl0"] = _init_linear(ks[6], NFEAT + NLABEL, NHID)
    inp["Wr0"], _ = _init_linear(ks[7], NFEAT + NLABEL, NHID)
    # SAGEConv layer 1: in = nhid + nlabel
    inp["Wl1"], inp["bl1"] = _init_linear(ks[8], NHID + NLABEL, NHID)
    inp["Wr1"], _ = _init_linear(ks[9], NHID + NLABEL, NHID)
    # final MLP: fdim -> 2*fdim -> nlabel (elu between, no act at end)
    inp["Wf1"], inp["bf1"] = _init_linear(ks[10], FDIM, 2 * FDIM)
    inp["Wf2"], inp["bf2"] = _init_linear(ks[11], 2 * FDIM, NLABEL)
    return inp


def reference(x, q_Y_sample, adj, t, num_steps, W_t1, b_t1, W_t2, b_t2, Wl0, bl0, Wr0, Wl1, bl1, Wr1, Wf1, bf1, Wf2, bf2):
    src = adj[0]
    dst = adj[1]
    temb = sinusoidal_pos_emb(t, num_steps, NHID)
    temb = jax.nn.elu(temb @ W_t1 + b_t1) @ W_t2 + b_t2
    h = jnp.concatenate([x, q_Y_sample], axis=-1)
    h = jax.nn.relu(sage_conv(h, src, dst, Wl0, bl0, Wr0, N) + temb)
    h = jnp.concatenate([h, q_Y_sample], axis=-1)
    h = jax.nn.relu(sage_conv(h, src, dst, Wl1, bl1, Wr1, N) + temb)
    h = jnp.concatenate([h, q_Y_sample], axis=-1)
    out = jax.nn.elu(h @ Wf1 + bf1) @ Wf2 + bf2
    return out.reshape(q_Y_sample.shape[0], -1)

if __name__ == "__main__":
    import jax
    _d = setup_inputs()
    print(jax.jit(kernel)(*tuple(_d.values())))

</pallas_src>

<mosaic_0001>
#map = affine_map<(d0, d1) -> (0, 0)>
#map1 = affine_map<(d0, d1) -> (0, 0, 0)>
module attributes {stable_mosaic.version = 14 : i64} {
  func.func @body(%arg0: i32, %arg1: i32, %arg2: memref<10000x64xf32, #tpu.memory_space<hbm>>, %arg3: memref<8000x80xi32, #tpu.memory_space<hbm>>, %arg4: memref<2x10112x64xf32, #tpu.memory_space<hbm>>, %arg5: memref<32x10112xf32, #tpu.memory_space<hbm>>, %arg6: memref<125x80xi32, #tpu.memory_space<vmem>>, %arg7: memref<125x80xi32, #tpu.memory_space<vmem>>, %arg8: memref<8x80x64xf32, #tpu.memory_space<vmem>>, %arg9: memref<79x64xf32, #tpu.memory_space<vmem>>, %arg10: memref<10112xf32, #tpu.memory_space<vmem>>, %arg11: memref<10112x64xf32, #tpu.memory_space<vmem_shared>>, %arg12: memref<8x!tpu.dma_semaphore, #tpu.memory_space<semaphore_mem>>, %arg13: memref<8x!tpu.dma_semaphore, #tpu.memory_space<semaphore_mem>>) attributes {dimension_semantics = [#tpu.dimension_semantics<core_parallel>, #tpu.dimension_semantics<subcore_parallel>], iteration_bounds = array<i64: 2, 16>, scalar_prefetch = 0 : i64, scratch_operands = 8 : i64, tpu.core_type = #tpu.core_type<sc_vector_subcore>, window_params = [{transform_indices = #map}, {transform_indices = #map}, {transform_indices = #map1}, {transform_indices = #map}]} {
    %mul3A = arith.constant 16 : i32
    %mul3A_0 = arith.muli %arg0, %mul3A : i32
    %add3A = arith.addi %mul3A_0, %arg1 : i32
    %broadcast_in_dim3A = arith.constant 0.000000e+00 : f32
    %broadcast_in_dim3A_1 = vector.broadcast %broadcast_in_dim3A : f32 to vector<16xf32>
    %scan3A = arith.constant 0 : i32
    %scan3A_2 = arith.constant 0 : i32
    %scan3A_3 = arith.constant 79 : i32
    %scan3A_4 = arith.addi %scan3A_2, %scan3A_3 : i32
    %scan3A_5 = arith.constant 1 : i32
    scf.for %scan3A_287 = %scan3A_2 to %scan3A_4 step %scan3A_5  : i32 {
      %swap3A = arith.index_cast %scan3A_287 : i32 to index
      %swap3A_288 = arith.constant 0 : index
      %swap3A_289 = tpu.vector_load %arg9[%swap3A, %swap3A_288] {strides = array<i32>} : memref<79x64xf32, #tpu.memory_space<vmem>>, vector<16xf32>,
      tpu.vector_store %arg9[%swap3A, %swap3A_288], %broadcast_in_dim3A_1 {strides = array<i32>} : memref<79x64xf32, #tpu.memory_space<vmem>>, vector<16xf32>,
      %swap3A_290 = arith.index_cast %scan3A_287 : i32 to index
      %swap3A_291 = arith.constant 16 : index
      %swap3A_292 = tpu.vector_load %arg9[%swap3A_290, %swap3A_291] {strides = array<i32>} : memref<79x64xf32, #tpu.memory_space<vmem>>, vector<16xf32>,
      tpu.vector_store %arg9[%swap3A_290, %swap3A_291], %broadcast_in_dim3A_1 {strides = array<i32>} : memref<79x64xf32, #tpu.memory_space<vmem>>, vector<16xf32>,
      %swap3A_293 = arith.index_cast %scan3A_287 : i32 to index
      %swap3A_294 = arith.constant 32 : index
      %swap3A_295 = tpu.vector_load %arg9[%swap3A_293, %swap3A_294] {strides = array<i32>} : memref<79x64xf32, #tpu.memory_space<vmem>>, vector<16xf32>,
      tpu.vector_store %arg9[%swap3A_293, %swap3A_294], %broadcast_in_dim3A_1 {strides = array<i32>} : memref<79x64xf32, #tpu.memory_space<vmem>>, vector<16xf32>,
      %swap3A_296 = arith.index_cast %scan3A_287 : i32 to index
      %swap3A_297 = arith.constant 48 : index
      %swap3A_298 = tpu.vector_load %arg9[%swap3A_296, %swap3A_297] {strides = array<i32>} : memref<79x64xf32, #tpu.memory_space<vmem>>, vector<16xf32>,
      tpu.vector_store %arg9[%swap3A_296, %swap3A_297], %broadcast_in_dim3A_1 {strides = array<i32>} : memref<79x64xf32, #tpu.memory_space<vmem>>, vector<16xf32>,
    }
    %scan3A_6 = arith.constant 79 : i32
    %scan3A_7 = arith.constant 0 : i32
    %scan3A_8 = arith.constant 0 : i32
    %scan3A_9 = arith.constant 632 : i32
    %scan3A_10 = arith.addi %scan3A_8, %scan3A_9 : i32
    %scan3A_11 = arith.constant 1 : i32
    scf.for %scan3A_287 = %scan3A_8 to %scan3A_10 step %scan3A_11  : i32 {
      %mul3A_288 = arith.constant 16 : i32
      %mul3A_289 = arith.muli %scan3A_287, %mul3A_288 : i32
      %swap3A = arith.index_cast %mul3A_289 : i32 to index
      %swap3A_290 = tpu.vector_load %arg10[%swap3A] {strides = array<i32>} : memref<10112xf32, #tpu.memory_space<vmem>>, vector<16xf32>,
      tpu.vector_store %arg10[%swap3A], %broadcast_in_dim3A_1 {strides = array<i32>} : memref<10112xf32, #tpu.memory_space<vmem>>, vector<16xf32>,
    }
    %scan3A_12 = arith.constant 632 : i32
    %mul3A_13 = arith.constant 632 : i32
    %mul3A_14 = arith.muli %arg1, %mul3A_13 : i32
    %add3A_15 = arith.constant 0 : i32
    %add3A_16 = arith.addi %mul3A_14, %add3A_15 : i32
    "tpu.region"() ({
      %run_scoped3A = tpu.sem_alloc : memref<!tpu.dma_semaphore, #tpu.memory_space<semaphore_mem>>
      %dma_start3A_287 = arith.constant 0 : i32
      %dma_start3A_288 = tpu.memref_slice %arg11[%add3A_16, %dma_start3A_287] : memref<10112x64xf32, #tpu.memory_space<vmem_shared>> -> memref<79x64xf32, #tpu.memory_space<vmem_shared>>
      %dma_start3A_289 = arith.constant 0 : i32
      %dma_start3A_290 = tpu.memref_slice %arg11[%add3A_16, %dma_start3A_289] : memref<10112x64xf32, #tpu.memory_space<vmem_shared>> -> memref<79x64xf32, #tpu.memory_space<vmem_shared>>
      tpu.enqueue_dma source(%arg9 : memref<79x64xf32, #tpu.memory_space<vmem>>) target(%dma_start3A_290 : memref<79x64xf32, #tpu.memory_space<vmem_shared>>) target_semaphore(%run_scoped3A : memref<!tpu.dma_semaphore, #tpu.memory_space<semaphore_mem>>)
      %dma_wait3A_291 = arith.constant 0 : i32
      %dma_wait3A_292 = tpu.memref_slice %arg11[%add3A_16, %dma_wait3A_291] : memref<10112x64xf32, #tpu.memory_space<vmem_shared>> -> memref<79x64xf32, #tpu.memory_space<vmem_shared>>
      %dma_wait3A_293 = arith.constant 0 : i32
      %dma_wait3A_294 = tpu.memref_slice %arg11[%add3A_16, %dma_wait3A_293] : memref<10112x64xf32, #tpu.memory_space<vmem_shared>> -> memref<79x64xf32, #tpu.memory_space<vmem_shared>>
      tpu.wait_dma2 semaphore(%run_scoped3A : memref<!tpu.dma_semaphore, #tpu.memory_space<semaphore_mem>>) src(%arg9 : memref<79x64xf32, #tpu.memory_space<vmem>>) dst(%dma_wait3A_294 : memref<79x64xf32, #tpu.memory_space<vmem_shared>>)
      tpu.yield
    }) : () -> ()
    %mul3A_17 = arith.constant 632 : i32
    %mul3A_18 = arith.muli %arg1, %mul3A_17 : i32
    %add3A_19 = arith.constant 79 : i32
    %add3A_20 = arith.addi %mul3A_18, %add3A_19 : i32
    "tpu.region"() ({
      %run_scoped3A = tpu.sem_alloc : memref<!tpu.dma_semaphore, #tpu.memory_space<semaphore_mem>>
      %dma_start3A_287 = arith.constant 0 : i32
      %dma_start3A_288 = tpu.memref_slice %arg11[%add3A_20, %dma_start3A_287] : memref<10112x64xf32, #tpu.memory_space<vmem_shared>> -> memref<79x64xf32, #tpu.memory_space<vmem_shared>>
      %dma_start3A_289 = arith.constant 0 : i32
      %dma_start3A_290 = tpu.memref_slice %arg11[%add3A_20, %dma_start3A_289] : memref<10112x64xf32, #tpu.memory_space<vmem_shared>> -> memref<79x64xf32, #tpu.memory_space<vmem_shared>>
      tpu.enqueue_dma source(%arg9 : memref<79x64xf32, #tpu.memory_space<vmem>>) target(%dma_start3A_290 : memref<79x64xf32, #tpu.memory_space<vmem_shared>>) target_semaphore(%run_scoped3A : memref<!tpu.dma_semaphore, #tpu.memory_space<semaphore_mem>>)
      %dma_wait3A_291 = arith.constant 0 : i32
      %dma_wait3A_292 = tpu.memref_slice %arg11[%add3A_20, %dma_wait3A_291] : memref<10112x64xf32, #tpu.memory_space<vmem_shared>> -> memref<79x64xf32, #tpu.memory_space<vmem_shared>>
      %dma_wait3A_293 = arith.constant 0 : i32
      %dma_wait3A_294 = tpu.memref_slice %arg11[%add3A_20, %dma_wait3A_293] : memref<10112x64xf32, #tpu.memory_space<vmem_shared>> -> memref<79x64xf32, #tpu.memory_space<vmem_shared>>
      tpu.wait_dma2 semaphore(%run_scoped3A : memref<!tpu.dma_semaphore, #tpu.memory_space<semaphore_mem>>) src(%arg9 : memref<79x64xf32, #tpu.memory_space<vmem>>) dst(%dma_wait3A_294 : memref<79x64xf32, #tpu.memory_space<vmem_shared>>)
      tpu.yield
    }) : () -> ()
    %mul3A_21 = arith.constant 632 : i32
    %mul3A_22 = arith.muli %arg1, %mul3A_21 : i32
    %add3A_23 = arith.constant 158 : i32
    %add3A_24 = arith.addi %mul3A_22, %add3A_23 : i32
    "tpu.region"() ({
      %run_scoped3A = tpu.sem_alloc : memref<!tpu.dma_semaphore, #tpu.memory_space<semaphore_mem>>
      %dma_start3A_287 = arith.constant 0 : i32
      %dma_start3A_288 = tpu.memref_slice %arg11[%add3A_24, %dma_start3A_287] : memref<10112x64xf32, #tpu.memory_space<vmem_shared>> -> memref<79x64xf32, #tpu.memory_space<vmem_shared>>
      %dma_start3A_289 = arith.constant 0 : i32
      %dma_start3A_290 = tpu.memref_slice %arg11[%add3A_24, %dma_start3A_289] : memref<10112x64xf32, #tpu.memory_space<vmem_shared>> -> memref<79x64xf32, #tpu.memory_space<vmem_shared>>
      tpu.enqueue_dma source(%arg9 : memref<79x64xf32, #tpu.memory_space<vmem>>) target(%dma_start3A_290 : memref<79x64xf32, #tpu.memory_space<vmem_shared>>) target_semaphore(%run_scoped3A : memref<!tpu.dma_semaphore, #tpu.memory_space<semaphore_mem>>)
      %dma_wait3A_291 = arith.constant 0 : i32
      %dma_wait3A_292 = tpu.memref_slice %arg11[%add3A_24, %dma_wait3A_291] : memref<10112x64xf32, #tpu.memory_space<vmem_shared>> -> memref<79x64xf32, #tpu.memory_space<vmem_shared>>
      %dma_wait3A_293 = arith.constant 0 : i32
      %dma_wait3A_294 = tpu.memref_slice %arg11[%add3A_24, %dma_wait3A_293] : memref<10112x64xf32, #tpu.memory_space<vmem_shared>> -> memref<79x64xf32, #tpu.memory_space<vmem_shared>>
      tpu.wait_dma2 semaphore(%run_scoped3A : memref<!tpu.dma_semaphore, #tpu.memory_space<semaphore_mem>>) src(%arg9 : memref<79x64xf32, #tpu.memory_space<vmem>>) dst(%dma_wait3A_294 : memref<79x64xf32, #tpu.memory_space<vmem_shared>>)
      tpu.yield
    }) : () -> ()
    %mul3A_25 = arith.constant 632 : i32
    %mul3A_26 = arith.muli %arg1, %mul3A_25 : i32
    %add3A_27 = arith.constant 237 : i32
    %add3A_28 = arith.addi %mul3A_26, %add3A_27 : i32
    "tpu.region"() ({
      %run_scoped3A = tpu.sem_alloc : memref<!tpu.dma_semaphore, #tpu.memory_space<semaphore_mem>>
      %dma_start3A_287 = arith.constant 0 : i32
      %dma_start3A_288 = tpu.memref_slice %arg11[%add3A_28, %dma_start3A_287] : memref<10112x64xf32, #tpu.memory_space<vmem_shared>> -> memref<79x64xf32, #tpu.memory_space<vmem_shared>>
      %dma_start3A_289 = arith.constant 0 : i32
      %dma_start3A_290 = tpu.memref_slice %arg11[%add3A_28, %dma_start3A_289] : memref<10112x64xf32, #tpu.memory_space<vmem_shared>> -> memref<79x64xf32, #tpu.memory_space<vmem_shared>>
      tpu.enqueue_dma source(%arg9 : memref<79x64xf32, #tpu.memory_space<vmem>>) target(%dma_start3A_290 : memref<79x64xf32, #tpu.memory_space<vmem_shared>>) target_semaphore(%run_scoped3A : memref<!tpu.dma_semaphore, #tpu.memory_space<semaphore_mem>>)
      %dma_wait3A_291 = arith.constant 0 : i32
      %dma_wait3A_292 = tpu.memref_slice %arg11[%add3A_28, %dma_wait3A_291] : memref<10112x64xf32, #tpu.memory_space<vmem_shared>> -> memref<79x64xf32, #tpu.memory_space<vmem_shared>>
      %dma_wait3A_293 = arith.constant 0 : i32
      %dma_wait3A_294 = tpu.memref_slice %arg11[%add3A_28, %dma_wait3A_293] : memref<10112x64xf32, #tpu.memory_space<vmem_shared>> -> memref<79x64xf32, #tpu.memory_space<vmem_shared>>
      tpu.wait_dma2 semaphore(%run_scoped3A : memref<!tpu.dma_semaphore, #tpu.memory_space<semaphore_mem>>) src(%arg9 : memref<79x64xf32, #tpu.memory_space<vmem>>) dst(%dma_wait3A_294 : memref<79x64xf32, #tpu.memory_space<vmem_shared>>)
      tpu.yield
    }) : () -> ()
    %mul3A_29 = arith.constant 632 : i32
    %mul3A_30 = arith.muli %arg1, %mul3A_29 : i32
    %add3A_31 = arith.constant 316 : i32
    %add3A_32 = arith.addi %mul3A_30, %add3A_31 : i32
    "tpu.region"() ({
      %run_scoped3A = tpu.sem_alloc : memref<!tpu.dma_semaphore, #tpu.memory_space<semaphore_mem>>
      %dma_start3A_287 = arith.constant 0 : i32
      %dma_start3A_288 = tpu.memref_slice %arg11[%add3A_32, %dma_start3A_287] : memref<10112x64xf32, #tpu.memory_space<vmem_shared>> -> memref<79x64xf32, #tpu.memory_space<vmem_shared>>
      %dma_start3A_289 = arith.constant 0 : i32
      %dma_start3A_290 = tpu.memref_slice %arg11[%add3A_32, %dma_start3A_289] : memref<10112x64xf32, #tpu.memory_space<vmem_shared>> -> memref<79x64xf32, #tpu.memory_space<vmem_shared>>
      tpu.enqueue_dma source(%arg9 : memref<79x64xf32, #tpu.memory_space<vmem>>) target(%dma_start3A_290 : memref<79x64xf32, #tpu.memory_space<vmem_shared>>) target_semaphore(%run_scoped3A : memref<!tpu.dma_semaphore, #tpu.memory_space<semaphore_mem>>)
      %dma_wait3A_291 = arith.constant 0 : i32
      %dma_wait3A_292 = tpu.memref_slice %arg11[%add3A_32, %dma_wait3A_291] : memref<10112x64xf32, #tpu.memory_space<vmem_shared>> -> memref<79x64xf32, #tpu.memory_space<vmem_shared>>
      %dma_wait3A_293 = arith.constant 0 : i32
      %dma_wait3A_294 = tpu.memref_slice %arg11[%add3A_32, %dma_wait3A_293] : memref<10112x64xf32, #tpu.memory_space<vmem_shared>> -> memref<79x64xf32, #tpu.memory_space<vmem_shared>>
      tpu.wait_dma2 semaphore(%run_scoped3A : memref<!tpu.dma_semaphore, #tpu.memory_space<semaphore_mem>>) src(%arg9 : memref<79x64xf32, #tpu.memory_space<vmem>>) dst(%dma_wait3A_294 : memref<79x64xf32, #tpu.memory_space<vmem_shared>>)
      tpu.yield
    }) : () -> ()
    %mul3A_33 = arith.constant 632 : i32
    %mul3A_34 = arith.muli %arg1, %mul3A_33 : i32
    %add3A_35 = arith.constant 395 : i32
    %add3A_36 = arith.addi %mul3A_34, %add3A_35 : i32
    "tpu.region"() ({
      %run_scoped3A = tpu.sem_alloc : memref<!tpu.dma_semaphore, #tpu.memory_space<semaphore_mem>>
      %dma_start3A_287 = arith.constant 0 : i32
      %dma_start3A_288 = tpu.memref_slice %arg11[%add3A_36, %dma_start3A_287] : memref<10112x64xf32, #tpu.memory_space<vmem_shared>> -> memref<79x64xf32, #tpu.memory_space<vmem_shared>>
      %dma_start3A_289 = arith.constant 0 : i32
      %dma_start3A_290 = tpu.memref_slice %arg11[%add3A_36, %dma_start3A_289] : memref<10112x64xf32, #tpu.memory_space<vmem_shared>> -> memref<79x64xf32, #tpu.memory_space<vmem_shared>>
      tpu.enqueue_dma source(%arg9 : memref<79x64xf32, #tpu.memory_space<vmem>>) target(%dma_start3A_290 : memref<79x64xf32, #tpu.memory_space<vmem_shared>>) target_semaphore(%run_scoped3A : memref<!tpu.dma_semaphore, #tpu.memory_space<semaphore_mem>>)
      %dma_wait3A_291 = arith.constant 0 : i32
      %dma_wait3A_292 = tpu.memref_slice %arg11[%add3A_36, %dma_wait3A_291] : memref<10112x64xf32, #tpu.memory_space<vmem_shared>> -> memref<79x64xf32, #tpu.memory_space<vmem_shared>>
      %dma_wait3A_293 = arith.constant 0 : i32
      %dma_wait3A_294 = tpu.memref_slice %arg11[%add3A_36, %dma_wait3A_293] : memref<10112x64xf32, #tpu.memory_space<vmem_shared>> -> memref<79x64xf32, #tpu.memory_space<vmem_shared>>
      tpu.wait_dma2 semaphore(%run_scoped3A : memref<!tpu.dma_semaphore, #tpu.memory_space<semaphore_mem>>) src(%arg9 : memref<79x64xf32, #tpu.memory_space<vmem>>) dst(%dma_wait3A_294 : memref<79x64xf32, #tpu.memory_space<vmem_shared>>)
      tpu.yield
    }) : () -> ()
    %mul3A_37 = arith.constant 632 : i32
    %mul3A_38 = arith.muli %arg1, %mul3A_37 : i32
    %add3A_39 = arith.constant 474 : i32
    %add3A_40 = arith.addi %mul3A_38, %add3A_39 : i32
    "tpu.region"() ({
      %run_scoped3A = tpu.sem_alloc : memref<!tpu.dma_semaphore, #tpu.memory_space<semaphore_mem>>
      %dma_start3A_287 = arith.constant 0 : i32
      %dma_start3A_288 = tpu.memref_slice %arg11[%add3A_40, %dma_start3A_287] : memref<10112x64xf32, #tpu.memory_space<vmem_shared>> -> memref<79x64xf32, #tpu.memory_space<vmem_shared>>
      %dma_start3A_289 = arith.constant 0 : i32
      %dma_start3A_290 = tpu.memref_slice %arg11[%add3A_40, %dma_start3A_289] : memref<10112x64xf32, #tpu.memory_space<vmem_shared>> -> memref<79x64xf32, #tpu.memory_space<vmem_shared>>
      tpu.enqueue_dma source(%arg9 : memref<79x64xf32, #tpu.memory_space<vmem>>) target(%dma_start3A_290 : memref<79x64xf32, #tpu.memory_space<vmem_shared>>) target_semaphore(%run_scoped3A : memref<!tpu.dma_semaphore, #tpu.memory_space<semaphore_mem>>)
      %dma_wait3A_291 = arith.constant 0 : i32
      %dma_wait3A_292 = tpu.memref_slice %arg11[%add3A_40, %dma_wait3A_291] : memref<10112x64xf32, #tpu.memory_space<vmem_shared>> -> memref<79x64xf32, #tpu.memory_space<vmem_shared>>
      %dma_wait3A_293 = arith.constant 0 : i32
      %dma_wait3A_294 = tpu.memref_slice %arg11[%add3A_40, %dma_wait3A_293] : memref<10112x64xf32, #tpu.memory_space<vmem_shared>> -> memref<79x64xf32, #tpu.memory_space<vmem_shared>>
      tpu.wait_dma2 semaphore(%run_scoped3A : memref<!tpu.dma_semaphore, #tpu.memory_space<semaphore_mem>>) src(%arg9 : memref<79x64xf32, #tpu.memory_space<vmem>>) dst(%dma_wait3A_294 : memref<79x64xf32, #tpu.memory_space<vmem_shared>>)
      tpu.yield
    }) : () -> ()
    %mul3A_41 = arith.constant 632 : i32
    %mul3A_42 = arith.muli %arg1, %mul3A_41 : i32
    %add3A_43 = arith.constant 553 : i32
    %add3A_44 = arith.addi %mul3A_42, %add3A_43 : i32
    "tpu.region"() ({
      %run_scoped3A = tpu.sem_alloc : memref<!tpu.dma_semaphore, #tpu.memory_space<semaphore_mem>>
      %dma_start3A_287 = arith.constant 0 : i32
      %dma_start3A_288 = tpu.memref_slice %arg11[%add3A_44, %dma_start3A_287] : memref<10112x64xf32, #tpu.memory_space<vmem_shared>> -> memref<79x64xf32, #tpu.memory_space<vmem_shared>>
      %dma_start3A_289 = arith.constant 0 : i32
      %dma_start3A_290 = tpu.memref_slice %arg11[%add3A_44, %dma_start3A_289] : memref<10112x64xf32, #tpu.memory_space<vmem_shared>> -> memref<79x64xf32, #tpu.memory_space<vmem_shared>>
      tpu.enqueue_dma source(%arg9 : memref<79x64xf32, #tpu.memory_space<vmem>>) target(%dma_start3A_290 : memref<79x64xf32, #tpu.memory_space<vmem_shared>>) target_semaphore(%run_scoped3A : memref<!tpu.dma_semaphore, #tpu.memory_space<semaphore_mem>>)
      %dma_wait3A_291 = arith.constant 0 : i32
      %dma_wait3A_292 = tpu.memref_slice %arg11[%add3A_44, %dma_wait3A_291] : memref<10112x64xf32, #tpu.memory_space<vmem_shared>> -> memref<79x64xf32, #tpu.memory_space<vmem_shared>>
      %dma_wait3A_293 = arith.constant 0 : i32
      %dma_wait3A_294 = tpu.memref_slice %arg11[%add3A_44, %dma_wait3A_293] : memref<10112x64xf32, #tpu.memory_space<vmem_shared>> -> memref<79x64xf32, #tpu.memory_space<vmem_shared>>
      tpu.wait_dma2 semaphore(%run_scoped3A : memref<!tpu.dma_semaphore, #tpu.memory_space<semaphore_mem>>) src(%arg9 : memref<79x64xf32, #tpu.memory_space<vmem>>) dst(%dma_wait3A_294 : memref<79x64xf32, #tpu.memory_space<vmem_shared>>)
      tpu.yield
    }) : () -> ()
    %barrier3A = arith.constant 0 : index
    tpu.barrier barrier_id(%barrier3A)
    %mul3A_45 = arith.constant 125 : i32
    %mul3A_46 = arith.muli %add3A, %mul3A_45 : i32
    "tpu.region"() ({
      %run_scoped3A = tpu.sem_alloc : memref<!tpu.dma_semaphore, #tpu.memory_space<semaphore_mem>>
      %dma_start3A_287 = arith.constant 0 : i32
      %dma_start3A_288 = tpu.memref_slice %arg3[%mul3A_46, %dma_start3A_287] : memref<8000x80xi32, #tpu.memory_space<hbm>> -> memref<125x80xi32, #tpu.memory_space<hbm>>
      %dma_start3A_289 = arith.constant 0 : i32
      %dma_start3A_290 = tpu.memref_slice %arg3[%mul3A_46, %dma_start3A_289] : memref<8000x80xi32, #tpu.memory_space<hbm>> -> memref<125x80xi32, #tpu.memory_space<hbm>>
      tpu.enqueue_dma source(%dma_start3A_290 : memref<125x80xi32, #tpu.memory_space<hbm>>) target(%arg6 : memref<125x80xi32, #tpu.memory_space<vmem>>) target_semaphore(%run_scoped3A : memref<!tpu.dma_semaphore, #tpu.memory_space<semaphore_mem>>)
      %dma_wait3A_291 = arith.constant 0 : i32
      %dma_wait3A_292 = tpu.memref_slice %arg3[%mul3A_46, %dma_wait3A_291] : memref<8000x80xi32, #tpu.memory_space<hbm>> -> memref<125x80xi32, #tpu.memory_space<hbm>>
      %dma_wait3A_293 = arith.constant 0 : i32
      %dma_wait3A_294 = tpu.memref_slice %arg3[%mul3A_46, %dma_wait3A_293] : memref<8000x80xi32, #tpu.memory_space<hbm>> -> memref<125x80xi32, #tpu.memory_space<hbm>>
      tpu.wait_dma2 semaphore(%run_scoped3A : memref<!tpu.dma_semaphore, #tpu.memory_space<semaphore_mem>>) src(%dma_wait3A_294 : memref<125x80xi32, #tpu.memory_space<hbm>>) dst(%arg6 : memref<125x80xi32, #tpu.memory_space<vmem>>)
      tpu.yield
    }) : () -> ()
    %mul3A_47 = arith.constant 125 : i32
    %mul3A_48 = arith.muli %add3A, %mul3A_47 : i32
    %add3A_49 = arith.constant 4000 : i32
    %add3A_50 = arith.addi %add3A_49, %mul3A_48 : i32
    "tpu.region"() ({
      %run_scoped3A = tpu.sem_alloc : memref<!tpu.dma_semaphore, #tpu.memory_space<semaphore_mem>>
      %dma_start3A_287 = arith.constant 0 : i32
      %dma_start3A_288 = tpu.memref_slice %arg3[%add3A_50, %dma_start3A_287] : memref<8000x80xi32, #tpu.memory_space<hbm>> -> memref<125x80xi32, #tpu.memory_space<hbm>>
      %dma_start3A_289 = arith.constant 0 : i32
      %dma_start3A_290 = tpu.memref_slice %arg3[%add3A_50, %dma_start3A_289] : memref<8000x80xi32, #tpu.memory_space<hbm>> -> memref<125x80xi32, #tpu.memory_space<hbm>>
      tpu.enqueue_dma source(%dma_start3A_290 : memref<125x80xi32, #tpu.memory_space<hbm>>) target(%arg7 : memref<125x80xi32, #tpu.memory_space<vmem>>) target_semaphore(%run_scoped3A : memref<!tpu.dma_semaphore, #tpu.memory_space<semaphore_mem>>)
      %dma_wait3A_291 = arith.constant 0 : i32
      %dma_wait3A_292 = tpu.memref_slice %arg3[%add3A_50, %dma_wait3A_291] : memref<8000x80xi32, #tpu.memory_space<hbm>> -> memref<125x80xi32, #tpu.memory_space<hbm>>
      %dma_wait3A_293 = arith.constant 0 : i32
      %dma_wait3A_294 = tpu.memref_slice %arg3[%add3A_50, %dma_wait3A_293] : memref<8000x80xi32, #tpu.memory_space<hbm>> -> memref<125x80xi32, #tpu.memory_space<hbm>>
      tpu.wait_dma2 semaphore(%run_scoped3A : memref<!tpu.dma_semaphore, #tpu.memory_space<semaphore_mem>>) src(%dma_wait3A_294 : memref<125x80xi32, #tpu.memory_space<hbm>>) dst(%arg7 : memref<125x80xi32, #tpu.memory_space<vmem>>)
      tpu.yield
    }) : () -> ()
    %broadcast_in_dim3A_51 = arith.constant 1.000000e+00 : f32
    %broadcast_in_dim3A_52 = vector.broadcast %broadcast_in_dim3A_51 : f32 to vector<16xf32>
    %dma_start3A = arith.constant 0 : i32
    %dma_start3A_53 = arith.constant 0 : i32
    %dma_start3A_54 = arith.constant 0 : i32
    %dma_start3A_55 = arith.constant 0 : i32
    %dma_start3A_56 = arith.constant 0 : i32
    %dma_start3A_57 = tpu.memref_slice %arg8[%dma_start3A_53, %dma_start3A_55, %dma_start3A_56] : memref<8x80x64xf32, #tpu.memory_space<vmem>> -> memref<1x80x64xf32, #tpu.memory_space<vmem>>
    %dma_start3A_58 = tpu.memref_squeeze %dma_start3A_57 : memref<1x80x64xf32, #tpu.memory_space<vmem>> -> memref<80x64xf32, #tpu.memory_space<vmem>>
    %dma_start3A_59 = arith.constant 0 : i32
    %dma_start3A_60 = tpu.memref_slice %arg6[%dma_start3A, %dma_start3A_59] : memref<125x80xi32, #tpu.memory_space<vmem>> -> memref<1x80xi32, #tpu.memory_space<vmem>>
    %dma_start3A_61 = tpu.memref_squeeze %dma_start3A_60 : memref<1x80xi32, #tpu.memory_space<vmem>> -> memref<80xi32, #tpu.memory_space<vmem>>
    %dma_start3A_62 = arith.constant 0 : i32
    %dma_start3A_63 = arith.constant 0 : i32
    %dma_start3A_64 = tpu.memref_slice %arg2[%dma_start3A_62, %dma_start3A_63] : memref<10000x64xf32, #tpu.memory_space<hbm>> -> memref<10000x64xf32, #tpu.memory_space<hbm>>
    %dma_start3A_65 = tpu.memref_slice %arg12[%dma_start3A_54] : memref<8x!tpu.dma_semaphore, #tpu.memory_space<semaphore_mem>> -> memref<1x!tpu.dma_semaphore, #tpu.memory_space<semaphore_mem>>
    %dma_start3A_66 = tpu.memref_squeeze %dma_start3A_65 : memref<1x!tpu.dma_semaphore, #tpu.memory_space<semaphore_mem>> -> memref<!tpu.dma_semaphore, #tpu.memory_space<semaphore_mem>>
    tpu.enqueue_indirect_dma source(%dma_start3A_64 : memref<10000x64xf32, #tpu.memory_space<hbm>>) target(%dma_start3A_58 : memref<80x64xf32, #tpu.memory_space<vmem>>) offsets(%dma_start3A_61 : memref<80xi32, #tpu.memory_space<vmem>>) semaphore(%dma_start3A_66 : memref<!tpu.dma_semaphore, #tpu.memory_space<semaphore_mem>>)
    %dma_start3A_67 = arith.constant 1 : i32
    %dma_start3A_68 = arith.constant 1 : i32
    %dma_start3A_69 = arith.constant 1 : i32
    %dma_start3A_70 = arith.constant 0 : i32
    %dma_start3A_71 = arith.constant 0 : i32
    %dma_start3A_72 = tpu.memref_slice %arg8[%dma_start3A_68, %dma_start3A_70, %dma_start3A_71] : memref<8x80x64xf32, #tpu.memory_space<vmem>> -> memref<1x80x64xf32, #tpu.memory_space<vmem>>
    %dma_start3A_73 = tpu.memref_squeeze %dma_start3A_72 : memref<1x80x64xf32, #tpu.memory_space<vmem>> -> memref<80x64xf32, #tpu.memory_space<vmem>>
    %dma_start3A_74 = arith.constant 0 : i32
    %dma_start3A_75 = tpu.memref_slice %arg6[%dma_start3A_67, %dma_start3A_74] : memref<125x80xi32, #tpu.memory_space<vmem>> -> memref<1x80xi32, #tpu.memory_space<vmem>>
    %dma_start3A_76 = tpu.memref_squeeze %dma_start3A_75 : memref<1x80xi32, #tpu.memory_space<vmem>> -> memref<80xi32, #tpu.memory_space<vmem>>
    %dma_start3A_77 = arith.constant 0 : i32
    %dma_start3A_78 = arith.constant 0 : i32
    %dma_start3A_79 = tpu.memref_slice %arg2[%dma_start3A_77, %dma_start3A_78] : memref<10000x64xf32, #tpu.memory_space<hbm>> -> memref<10000x64xf32, #tpu.memory_space<hbm>>
    %dma_start3A_80 = tpu.memref_slice %arg12[%dma_start3A_69] : memref<8x!tpu.dma_semaphore, #tpu.memory_space<semaphore_mem>> -> memref<1x!tpu.dma_semaphore, #tpu.memory_space<semaphore_mem>>
    %dma_start3A_81 = tpu.memref_squeeze %dma_start3A_80 : memref<1x!tpu.dma_semaphore, #tpu.memory_space<semaphore_mem>> -> memref<!tpu.dma_semaphore, #tpu.memory_space<semaphore_mem>>
    tpu.enqueue_indirect_dma source(%dma_start3A_79 : memref<10000x64xf32, #tpu.memory_space<hbm>>) target(%dma_start3A_73 : memref<80x64xf32, #tpu.memory_space<vmem>>) offsets(%dma_start3A_76 : memref<80xi32, #tpu.memory_space<vmem>>) semaphore(%dma_start3A_81 : memref<!tpu.dma_semaphore, #tpu.memory_space<semaphore_mem>>)
    %dma_start3A_82 = arith.constant 2 : i32
    %dma_start3A_83 = arith.constant 2 : i32
    %dma_start3A_84 = arith.constant 2 : i32
    %dma_start3A_85 = arith.constant 0 : i32
    %dma_start3A_86 = arith.constant 0 : i32
    %dma_start3A_87 = tpu.memref_slice %arg8[%dma_start3A_83, %dma_start3A_85, %dma_start3A_86] : memref<8x80x64xf32, #tpu.memory_space<vmem>> -> memref<1x80x64xf32, #tpu.memory_space<vmem>>
    %dma_start3A_88 = tpu.memref_squeeze %dma_start3A_87 : memref<1x80x64xf32, #tpu.memory_space<vmem>> -> memref<80x64xf32, #tpu.memory_space<vmem>>
    %dma_start3A_89 = arith.constant 0 : i32
    %dma_start3A_90 = tpu.memref_slice %arg6[%dma_start3A_82, %dma_start3A_89] : memref<125x80xi32, #tpu.memory_space<vmem>> -> memref<1x80xi32, #tpu.memory_space<vmem>>
    %dma_start3A_91 = tpu.memref_squeeze %dma_start3A_90 : memref<1x80xi32, #tpu.memory_space<vmem>> -> memref<80xi32, #tpu.memory_space<vmem>>
    %dma_start3A_92 = arith.constant 0 : i32
    %dma_start3A_93 = arith.constant 0 : i32
    %dma_start3A_94 = tpu.memref_slice %arg2[%dma_start3A_92, %dma_start3A_93] : memref<10000x64xf32, #tpu.memory_space<hbm>> -> memref<10000x64xf32, #tpu.memory_space<hbm>>
    %dma_start3A_95 = tpu.memref_slice %arg12[%dma_start3A_84] : memref<8x!tpu.dma_semaphore, #tpu.memory_space<semaphore_mem>> -> memref<1x!tpu.dma_semaphore, #tpu.memory_space<semaphore_mem>>
    %dma_start3A_96 = tpu.memref_squeeze %dma_start3A_95 : memref<1x!tpu.dma_semaphore, #tpu.memory_space<semaphore_mem>> -> memref<!tpu.dma_semaphore, #tpu.memory_space<semaphore_mem>>
    tpu.enqueue_indirect_dma source(%dma_start3A_94 : memref<10000x64xf32, #tpu.memory_space<hbm>>) target(%dma_start3A_88 : memref<80x64xf32, #tpu.memory_space<vmem>>) offsets(%dma_start3A_91 : memref<80xi32, #tpu.memory_space<vmem>>) semaphore(%dma_start3A_96 : memref<!tpu.dma_semaphore, #tpu.memory_space<semaphore_mem>>)
    %dma_start3A_97 = arith.constant 3 : i32
    %dma_start3A_98 = arith.constant 3 : i32
    %dma_start3A_99 = arith.constant 3 : i32
    %dma_start3A_100 = arith.constant 0 : i32
    %dma_start3A_101 = arith.constant 0 : i32
    %dma_start3A_102 = tpu.memref_slice %arg8[%dma_start3A_98, %dma_start3A_100, %dma_start3A_101] : memref<8x80x64xf32, #tpu.memory_space<vmem>> -> memref<1x80x64xf32, #tpu.memory_space<vmem>>
    %dma_start3A_103 = tpu.memref_squeeze %dma_start3A_102 : memref<1x80x64xf32, #tpu.memory_space<vmem>> -> memref<80x64xf32, #tpu.memory_space<vmem>>
    %dma_start3A_104 = arith.constant 0 : i32
    %dma_start3A_105 = tpu.memref_slice %arg6[%dma_start3A_97, %dma_start3A_104] : memref<125x80xi32, #tpu.memory_space<vmem>> -> memref<1x80xi32, #tpu.memory_space<vmem>>
    %dma_start3A_106 = tpu.memref_squeeze %dma_start3A_105 : memref<1x80xi32, #tpu.memory_space<vmem>> -> memref<80xi32, #tpu.memory_space<vmem>>
    %dma_start3A_107 = arith.constant 0 : i32
    %dma_start3A_108 = arith.constant 0 : i32
    %dma_start3A_109 = tpu.memref_slice %arg2[%dma_start3A_107, %dma_start3A_108] : memref<10000x64xf32, #tpu.memory_space<hbm>> -> memref<10000x64xf32, #tpu.memory_space<hbm>>
    %dma_start3A_110 = tpu.memref_slice %arg12[%dma_start3A_99] : memref<8x!tpu.dma_semaphore, #tpu.memory_space<semaphore_mem>> -> memref<1x!tpu.dma_semaphore, #tpu.memory_space<semaphore_mem>>
    %dma_start3A_111 = tpu.memref_squeeze %dma_start3A_110 : memref<1x!tpu.dma_semaphore, #tpu.memory_space<semaphore_mem>> -> memref<!tpu.dma_semaphore, #tpu.memory_space<semaphore_mem>>
    tpu.enqueue_indirect_dma source(%dma_start3A_109 : memref<10000x64xf32, #tpu.memory_space<hbm>>) target(%dma_start3A_103 : memref<80x64xf32, #tpu.memory_space<vmem>>) offsets(%dma_start3A_106 : memref<80xi32, #tpu.memory_space<vmem>>) semaphore(%dma_start3A_111 : memref<!tpu.dma_semaphore, #tpu.memory_space<semaphore_mem>>)
    %dma_start3A_112 = arith.constant 4 : i32
    %dma_start3A_113 = arith.constant 4 : i32
    %dma_start3A_114 = arith.constant 4 : i32
    %dma_start3A_115 = arith.constant 0 : i32
    %dma_start3A_116 = arith.constant 0 : i32
    %dma_start3A_117 = tpu.memref_slice %arg8[%dma_start3A_113, %dma_start3A_115, %dma_start3A_116] : memref<8x80x64xf32, #tpu.memory_space<vmem>> -> memref<1x80x64xf32, #tpu.memory_space<vmem>>
    %dma_start3A_118 = tpu.memref_squeeze %dma_start3A_117 : memref<1x80x64xf32, #tpu.memory_space<vmem>> -> memref<80x64xf32, #tpu.memory_space<vmem>>
    %dma_start3A_119 = arith.constant 0 : i32
    %dma_start3A_120 = tpu.memref_slice %arg6[%dma_start3A_112, %dma_start3A_119] : memref<125x80xi32, #tpu.memory_space<vmem>> -> memref<1x80xi32, #tpu.memory_space<vmem>>
    %dma_start3A_121 = tpu.memref_squeeze %dma_start3A_120 : memref<1x80xi32, #tpu.memory_space<vmem>> -> memref<80xi32, #tpu.memory_space<vmem>>
    %dma_start3A_122 = arith.constant 0 : i32
    %dma_start3A_123 = arith.constant 0 : i32
    %dma_start3A_124 = tpu.memref_slice %arg2[%dma_start3A_122, %dma_start3A_123] : memref<10000x64xf32, #tpu.memory_space<hbm>> -> memref<10000x64xf32, #tpu.memory_space<hbm>>
    %dma_start3A_125 = tpu.memref_slice %arg12[%dma_start3A_114] : memref<8x!tpu.dma_semaphore, #tpu.memory_space<semaphore_mem>> -> memref<1x!tpu.dma_semaphore, #tpu.memory_space<semaphore_mem>>
    %dma_start3A_126 = tpu.memref_squeeze %dma_start3A_125 : memref<1x!tpu.dma_semaphore, #tpu.memory_space<semaphore_mem>> -> memref<!tpu.dma_semaphore, #tpu.memory_space<semaphore_mem>>
    tpu.enqueue_indirect_dma source(%dma_start3A_124 : memref<10000x64xf32, #tpu.memory_space<hbm>>) target(%dma_start3A_118 : memref<80x64xf32, #tpu.memory_space<vmem>>) offsets(%dma_start3A_121 : memref<80xi32, #tpu.memory_space<vmem>>) semaphore(%dma_start3A_126 : memref<!tpu.dma_semaphore, #tpu.memory_space<semaphore_mem>>)
    %dma_start3A_127 = arith.constant 5 : i32
    %dma_start3A_128 = arith.constant 5 : i32
    %dma_start3A_129 = arith.constant 5 : i32
    %dma_start3A_130 = arith.constant 0 : i32
    %dma_start3A_131 = arith.constant 0 : i32
    %dma_start3A_132 = tpu.memref_slice %arg8[%dma_start3A_128, %dma_start3A_130, %dma_start3A_131] : memref<8x80x64xf32, #tpu.memory_space<vmem>> -> memref<1x80x64xf32, #tpu.memory_space<vmem>>
    %dma_start3A_133 = tpu.memref_squeeze %dma_start3A_132 : memref<1x80x64xf32, #tpu.memory_space<vmem>> -> memref<80x64xf32, #tpu.memory_space<vmem>>
    %dma_start3A_134 = arith.constant 0 : i32
    %dma_start3A_135 = tpu.memref_slice %arg6[%dma_start3A_127, %dma_start3A_134] : memref<125x80xi32, #tpu.memory_space<vmem>> -> memref<1x80xi32, #tpu.memory_space<vmem>>
    %dma_start3A_136 = tpu.memref_squeeze %dma_start3A_135 : memref<1x80xi32, #tpu.memory_space<vmem>> -> memref<80xi32, #tpu.memory_space<vmem>>
    %dma_start3A_137 = arith.constant 0 : i32
    %dma_start3A_138 = arith.constant 0 : i32
    %dma_start3A_139 = tpu.memref_slice %arg2[%dma_start3A_137, %dma_start3A_138] : memref<10000x64xf32, #tpu.memory_space<hbm>> -> memref<10000x64xf32, #tpu.memory_space<hbm>>
    %dma_start3A_140 = tpu.memref_slice %arg12[%dma_start3A_129] : memref<8x!tpu.dma_semaphore, #tpu.memory_space<semaphore_mem>> -> memref<1x!tpu.dma_semaphore, #tpu.memory_space<semaphore_mem>>
    %dma_start3A_141 = tpu.memref_squeeze %dma_start3A_140 : memref<1x!tpu.dma_semaphore, #tpu.memory_space<semaphore_mem>> -> memref<!tpu.dma_semaphore, #tpu.memory_space<semaphore_mem>>
    tpu.enqueue_indirect_dma source(%dma_start3A_139 : memref<10000x64xf32, #tpu.memory_space<hbm>>) target(%dma_start3A_133 : memref<80x64xf32, #tpu.memory_space<vmem>>) offsets(%dma_start3A_136 : memref<80xi32, #tpu.memory_space<vmem>>) semaphore(%dma_start3A_141 : memref<!tpu.dma_semaphore, #tpu.memory_space<semaphore_mem>>)
    %dma_start3A_142 = arith.constant 6 : i32
    %dma_start3A_143 = arith.constant 6 : i32
    %dma_start3A_144 = arith.constant 6 : i32
    %dma_start3A_145 = arith.constant 0 : i32
    %dma_start3A_146 = arith.constant 0 : i32
    %dma_start3A_147 = tpu.memref_slice %arg8[%dma_start3A_143, %dma_start3A_145, %dma_start3A_146] : memref<8x80x64xf32, #tpu.memory_space<vmem>> -> memref<1x80x64xf32, #tpu.memory_space<vmem>>
    %dma_start3A_148 = tpu.memref_squeeze %dma_start3A_147 : memref<1x80x64xf32, #tpu.memory_space<vmem>> -> memref<80x64xf32, #tpu.memory_space<vmem>>
    %dma_start3A_149 = arith.constant 0 : i32
    %dma_start3A_150 = tpu.memref_slice %arg6[%dma_start3A_142, %dma_start3A_149] : memref<125x80xi32, #tpu.memory_space<vmem>> -> memref<1x80xi32, #tpu.memory_space<vmem>>
    %dma_start3A_151 = tpu.memref_squeeze %dma_start3A_150 : memref<1x80xi32, #tpu.memory_space<vmem>> -> memref<80xi32, #tpu.memory_space<vmem>>
    %dma_start3A_152 = arith.constant 0 : i32
    %dma_start3A_153 = arith.constant 0 : i32
    %dma_start3A_154 = tpu.memref_slice %arg2[%dma_start3A_152, %dma_start3A_153] : memref<10000x64xf32, #tpu.memory_space<hbm>> -> memref<10000x64xf32, #tpu.memory_space<hbm>>
    %dma_start3A_155 = tpu.memref_slice %arg12[%dma_start3A_144] : memref<8x!tpu.dma_semaphore, #tpu.memory_space<semaphore_mem>> -> memref<1x!tpu.dma_semaphore, #tpu.memory_space<semaphore_mem>>
    %dma_start3A_156 = tpu.memref_squeeze %dma_start3A_155 : memref<1x!tpu.dma_semaphore, #tpu.memory_space<semaphore_mem>> -> memref<!tpu.dma_semaphore, #tpu.memory_space<semaphore_mem>>
    tpu.enqueue_indirect_dma source(%dma_start3A_154 : memref<10000x64xf32, #tpu.memory_space<hbm>>) target(%dma_start3A_148 : memref<80x64xf32, #tpu.memory_space<vmem>>) offsets(%dma_start3A_151 : memref<80xi32, #tpu.memory_space<vmem>>) semaphore(%dma_start3A_156 : memref<!tpu.dma_semaphore, #tpu.memory_space<semaphore_mem>>)
    %scan3A_157 = arith.constant 0 : i32
    %scan3A_158 = arith.constant 0 : i32
    %scan3A_159 = arith.constant 125 : i32
    %scan3A_160 = arith.addi %scan3A_158, %scan3A_159 : i32
    %scan3A_161 = arith.constant 1 : i32
    scf.for %scan3A_287 = %scan3A_158 to %scan3A_160 step %scan3A_161  : i32 {
      %rem3A = arith.constant 8 : i32
      %rem3A_288 = arith.remsi %scan3A_287, %rem3A : i32
      %add3A_289 = arith.constant 8 : i32
      %add3A_290 = arith.addi %scan3A_287, %add3A_289 : i32
      %sub3A = arith.constant 1 : i32
      %sub3A_291 = arith.subi %add3A_290, %sub3A : i32
      %rem3A_292 = arith.constant 8 : i32
      %rem3A_293 = arith.remsi %sub3A_291, %rem3A_292 : i32
      %add3A_294 = arith.constant 8 : i32
      %add3A_295 = arith.addi %scan3A_287, %add3A_294 : i32
      %sub3A_296 = arith.constant 1 : i32
      %sub3A_297 = arith.subi %add3A_295, %sub3A_296 : i32
      %ge3A = arith.constant 1 : i32
      %ge3A_298 = arith.cmpi sge, %scan3A_287, %ge3A : i32
      %lt3A = arith.constant 125 : i32
      %lt3A_299 = arith.cmpi slt, %sub3A_297, %lt3A : i32
      %and3A = arith.andi %ge3A_298, %lt3A_299 : i1
      %convert_element_type3A = arith.extui %and3A : i1 to i32
      %cond3A = arith.constant 0 : i32
      %cond3A_300 = arith.cmpi ne, %convert_element_type3A, %cond3A : i32
      scf.if %cond3A_300 {
        %sub3A_344 = arith.constant 1 : i32
        %sub3A_345 = arith.subi %scan3A_287, %sub3A_344 : i32
        %dma_wait3A_346 = arith.constant 0 : i32
        %dma_wait3A_347 = arith.constant 0 : i32
        %dma_wait3A_348 = tpu.memref_slice %arg8[%rem3A_293, %dma_wait3A_346, %dma_wait3A_347] : memref<8x80x64xf32, #tpu.memory_space<vmem>> -> memref<1x80x64xf32, #tpu.memory_space<vmem>>
        %dma_wait3A_349 = tpu.memref_squeeze %dma_wait3A_348 : memref<1x80x64xf32, #tpu.memory_space<vmem>> -> memref<80x64xf32, #tpu.memory_space<vmem>>
        %dma_wait3A_350 = arith.constant 0 : i32
        %dma_wait3A_351 = tpu.memref_slice %arg7[%sub3A_345, %dma_wait3A_350] : memref<125x80xi32, #tpu.memory_space<vmem>> -> memref<1x80xi32, #tpu.memory_space<vmem>>
        %dma_wait3A_352 = tpu.memref_squeeze %dma_wait3A_351 : memref<1x80xi32, #tpu.memory_space<vmem>> -> memref<80xi32, #tpu.memory_space<vmem>>
        %dma_wait3A_353 = arith.constant 0 : i32
        %dma_wait3A_354 = arith.constant 0 : i32
        %dma_wait3A_355 = tpu.memref_slice %arg11[%dma_wait3A_353, %dma_wait3A_354] : memref<10112x64xf32, #tpu.memory_space<vmem_shared>> -> memref<10112x64xf32, #tpu.memory_space<vmem_shared>>
        %dma_wait3A_356 = tpu.memref_slice %arg13[%rem3A_293] : memref<8x!tpu.dma_semaphore, #tpu.memory_space<semaphore_mem>> -> memref<1x!tpu.dma_semaphore, #tpu.memory_space<semaphore_mem>>
        %dma_wait3A_357 = tpu.memref_squeeze %dma_wait3A_356 : memref<1x!tpu.dma_semaphore, #tpu.memory_space<semaphore_mem>> -> memref<!tpu.dma_semaphore, #tpu.memory_space<semaphore_mem>>
        tpu.wait_indirect_dma semaphore(%dma_wait3A_357 : memref<!tpu.dma_semaphore, #tpu.memory_space<semaphore_mem>>) src(%dma_wait3A_349 : memref<80x64xf32, #tpu.memory_space<vmem>>) dst(%dma_wait3A_355 : memref<10112x64xf32, #tpu.memory_space<vmem_shared>>)
      } else {
      }
      %lt3A_301 = arith.constant 125 : i32
      %lt3A_302 = arith.cmpi slt, %sub3A_297, %lt3A_301 : i32
      %convert_element_type3A_303 = arith.extui %lt3A_302 : i1 to i32
      %cond3A_304 = arith.constant 0 : i32
      %cond3A_305 = arith.cmpi ne, %convert_element_type3A_303, %cond3A_304 : i32
      scf.if %cond3A_305 {
        %dma_start3A_344 = arith.constant 0 : i32
        %dma_start3A_345 = arith.constant 0 : i32
        %dma_start3A_346 = tpu.memref_slice %arg8[%rem3A_293, %dma_start3A_344, %dma_start3A_345] : memref<8x80x64xf32, #tpu.memory_space<vmem>> -> memref<1x80x64xf32, #tpu.memory_space<vmem>>
        %dma_start3A_347 = tpu.memref_squeeze %dma_start3A_346 : memref<1x80x64xf32, #tpu.memory_space<vmem>> -> memref<80x64xf32, #tpu.memory_space<vmem>>
        %dma_start3A_348 = arith.constant 0 : i32
        %dma_start3A_349 = tpu.memref_slice %arg6[%sub3A_297, %dma_start3A_348] : memref<125x80xi32, #tpu.memory_space<vmem>> -> memref<1x80xi32, #tpu.memory_space<vmem>>
        %dma_start3A_350 = tpu.memref_squeeze %dma_start3A_349 : memref<1x80xi32, #tpu.memory_space<vmem>> -> memref<80xi32, #tpu.memory_space<vmem>>
        %dma_start3A_351 = arith.constant 0 : i32
        %dma_start3A_352 = arith.constant 0 : i32
        %dma_start3A_353 = tpu.memref_slice %arg2[%dma_start3A_351, %dma_start3A_352] : memref<10000x64xf32, #tpu.memory_space<hbm>> -> memref<10000x64xf32, #tpu.memory_space<hbm>>
        %dma_start3A_354 = tpu.memref_slice %arg12[%rem3A_293] : memref<8x!tpu.dma_semaphore, #tpu.memory_space<semaphore_mem>> -> memref<1x!tpu.dma_semaphore, #tpu.memory_space<semaphore_mem>>
        %dma_start3A_355 = tpu.memref_squeeze %dma_start3A_354 : memref<1x!tpu.dma_semaphore, #tpu.memory_space<semaphore_mem>> -> memref<!tpu.dma_semaphore, #tpu.memory_space<semaphore_mem>>
        tpu.enqueue_indirect_dma source(%dma_start3A_353 : memref<10000x64xf32, #tpu.memory_space<hbm>>) target(%dma_start3A_347 : memref<80x64xf32, #tpu.memory_space<vmem>>) offsets(%dma_start3A_350 : memref<80xi32, #tpu.memory_space<vmem>>) semaphore(%dma_start3A_355 : memref<!tpu.dma_semaphore, #tpu.memory_space<semaphore_mem>>)
      } else {
      }
      %get3A = arith.index_cast %scan3A_287 : i32 to index
      %get3A_306 = arith.constant 0 : index
      %get3A_307 = tpu.vector_load %arg7[%get3A, %get3A_306] {strides = array<i32>} : memref<125x80xi32, #tpu.memory_space<vmem>>, vector<16xi32>,
      tpu.vector_store_idx %arg10[%get3A_307], %broadcast_in_dim3A_52 {add = true} : memref<10112xf32, #tpu.memory_space<vmem>>[vector<16xi32>], vector<16xf32>,
      %get3A_308 = arith.index_cast %scan3A_287 : i32 to index
      %get3A_309 = arith.constant 16 : index
      %get3A_310 = tpu.vector_load %arg7[%get3A_308, %get3A_309] {strides = array<i32>} : memref<125x80xi32, #tpu.memory_space<vmem>>, vector<16xi32>,
      tpu.vector_store_idx %arg10[%get3A_310], %broadcast_in_dim3A_52 {add = true} : memref<10112xf32, #tpu.memory_space<vmem>>[vector<16xi32>], vector<16xf32>,
      %get3A_311 = arith.index_cast %scan3A_287 : i32 to index
      %get3A_312 = arith.constant 32 : index
      %get3A_313 = tpu.vector_load %arg7[%get3A_311, %get3A_312] {strides = array<i32>} : memref<125x80xi32, #tpu.memory_space<vmem>>, vector<16xi32>,
      tpu.vector_store_idx %arg10[%get3A_313], %broadcast_in_dim3A_52 {add = true} : memref<10112xf32, #tpu.memory_space<vmem>>[vector<16xi32>], vector<16xf32>,
      %get3A_314 = arith.index_cast %scan3A_287 : i32 to index
      %get3A_315 = arith.constant 48 : index
      %get3A_316 = tpu.vector_load %arg7[%get3A_314, %get3A_315] {strides = array<i32>} : memref<125x80xi32, #tpu.memory_space<vmem>>, vector<16xi32>,
      tpu.vector_store_idx %arg10[%get3A_316], %broadcast_in_dim3A_52 {add = true} : memref<10112xf32, #tpu.memory_space<vmem>>[vector<16xi32>], vector<16xf32>,
      %get3A_317 = arith.index_cast %scan3A_287 : i32 to index
      %get3A_318 = arith.constant 64 : index
      %get3A_319 = tpu.vector_load %arg7[%get3A_317, %get3A_318] {strides = array<i32>} : memref<125x80xi32, #tpu.memory_space<vmem>>, vector<16xi32>,
      tpu.vector_store_idx %arg10[%get3A_319], %broadcast_in_dim3A_52 {add = true} : memref<10112xf32, #tpu.memory_space<vmem>>[vector<16xi32>], vector<16xf32>,
      %dma_wait3A_320 = arith.constant 0 : i32
      %dma_wait3A_321 = arith.constant 0 : i32
      %dma_wait3A_322 = tpu.memref_slice %arg8[%rem3A_288, %dma_wait3A_320, %dma_wait3A_321] : memref<8x80x64xf32, #tpu.memory_space<vmem>> -> memref<1x80x64xf32, #tpu.memory_space<vmem>>
      %dma_wait3A_323 = tpu.memref_squeeze %dma_wait3A_322 : memref<1x80x64xf32, #tpu.memory_space<vmem>> -> memref<80x64xf32, #tpu.memory_space<vmem>>
      %dma_wait3A_324 = arith.constant 0 : i32
      %dma_wait3A_325 = tpu.memref_slice %arg6[%scan3A_287, %dma_wait3A_324] : memref<125x80xi32, #tpu.memory_space<vmem>> -> memref<1x80xi32, #tpu.memory_space<vmem>>
      %dma_wait3A_326 = tpu.memref_squeeze %dma_wait3A_325 : memref<1x80xi32, #tpu.memory_space<vmem>> -> memref<80xi32, #tpu.memory_space<vmem>>
      %dma_wait3A_327 = arith.constant 0 : i32
      %dma_wait3A_328 = arith.constant 0 : i32
      %dma_wait3A_329 = tpu.memref_slice %arg2[%dma_wait3A_327, %dma_wait3A_328] : memref<10000x64xf32, #tpu.memory_space<hbm>> -> memref<10000x64xf32, #tpu.memory_space<hbm>>
      %dma_wait3A_330 = tpu.memref_slice %arg12[%rem3A_288] : memref<8x!tpu.dma_semaphore, #tpu.memory_space<semaphore_mem>> -> memref<1x!tpu.dma_semaphore, #tpu.memory_space<semaphore_mem>>
      %dma_wait3A_331 = tpu.memref_squeeze %dma_wait3A_330 : memref<1x!tpu.dma_semaphore, #tpu.memory_space<semaphore_mem>> -> memref<!tpu.dma_semaphore, #tpu.memory_space<semaphore_mem>>
      tpu.wait_indirect_dma semaphore(%dma_wait3A_331 : memref<!tpu.dma_semaphore, #tpu.memory_space<semaphore_mem>>) src(%dma_wait3A_329 : memref<10000x64xf32, #tpu.memory_space<hbm>>) dst(%dma_wait3A_323 : memref<80x64xf32, #tpu.memory_space<vmem>>)
      %dma_start3A_332 = arith.constant 0 : i32
      %dma_start3A_333 = arith.constant 0 : i32
      %dma_start3A_334 = tpu.memref_slice %arg8[%rem3A_288, %dma_start3A_332, %dma_start3A_333] : memref<8x80x64xf32, #tpu.memory_space<vmem>> -> memref<1x80x64xf32, #tpu.memory_space<vmem>>
      %dma_start3A_335 = tpu.memref_squeeze %dma_start3A_334 : memref<1x80x64xf32, #tpu.memory_space<vmem>> -> memref<80x64xf32, #tpu.memory_space<vmem>>
      %dma_start3A_336 = arith.constant 0 : i32
      %dma_start3A_337 = tpu.memref_slice %arg7[%scan3A_287, %dma_start3A_336] : memref<125x80xi32, #tpu.memory_space<vmem>> -> memref<1x80xi32, #tpu.memory_space<vmem>>
      %dma_start3A_338 = tpu.memref_squeeze %dma_start3A_337 : memref<1x80xi32, #tpu.memory_space<vmem>> -> memref<80xi32, #tpu.memory_space<vmem>>
      %dma_start3A_339 = arith.constant 0 : i32
      %dma_start3A_340 = arith.constant 0 : i32
      %dma_start3A_341 = tpu.memref_slice %arg11[%dma_start3A_339, %dma_start3A_340] : memref<10112x64xf32, #tpu.memory_space<vmem_shared>> -> memref<10112x64xf32, #tpu.memory_space<vmem_shared>>
      %dma_start3A_342 = tpu.memref_slice %arg13[%rem3A_288] : memref<8x!tpu.dma_semaphore, #tpu.memory_space<semaphore_mem>> -> memref<1x!tpu.dma_semaphore, #tpu.memory_space<semaphore_mem>>
      %dma_start3A_343 = tpu.memref_squeeze %dma_start3A_342 : memref<1x!tpu.dma_semaphore, #tpu.memory_space<semaphore_mem>> -> memref<!tpu.dma_semaphore, #tpu.memory_space<semaphore_mem>>
      tpu.enqueue_indirect_dma source(%dma_start3A_335 : memref<80x64xf32, #tpu.memory_space<vmem>>) target(%dma_start3A_341 : memref<10112x64xf32, #tpu.memory_space<vmem_shared>>) offsets(%dma_start3A_338 : memref<80xi32, #tpu.memory_space<vmem>>) semaphore(%dma_start3A_343 : memref<!tpu.dma_semaphore, #tpu.memory_space<semaphore_mem>>) {add = true}
    }
    %scan3A_162 = arith.constant 125 : i32
    %dma_wait3A = arith.constant 5 : i32
    %dma_wait3A_163 = arith.constant 117 : i32
    %dma_wait3A_164 = arith.constant 5 : i32
    %dma_wait3A_165 = arith.constant 0 : i32
    %dma_wait3A_166 = arith.constant 0 : i32
    %dma_wait3A_167 = tpu.memref_slice %arg8[%dma_wait3A, %dma_wait3A_165, %dma_wait3A_166] : memref<8x80x64xf32, #tpu.memory_space<vmem>> -> memref<1x80x64xf32, #tpu.memory_space<vmem>>
    %dma_wait3A_168 = tpu.memref_squeeze %dma_wait3A_167 : memref<1x80x64xf32, #tpu.memory_space<vmem>> -> memref<80x64xf32, #tpu.memory_space<vmem>>
    %dma_wait3A_169 = arith.constant 0 : i32
    %dma_wait3A_170 = tpu.memref_slice %arg7[%dma_wait3A_163, %dma_wait3A_169] : memref<125x80xi32, #tpu.memory_space<vmem>> -> memref<1x80xi32, #tpu.memory_space<vmem>>
    %dma_wait3A_171 = tpu.memref_squeeze %dma_wait3A_170 : memref<1x80xi32, #tpu.memory_space<vmem>> -> memref<80xi32, #tpu.memory_space<vmem>>
    %dma_wait3A_172 = arith.constant 0 : i32
    %dma_wait3A_173 = arith.constant 0 : i32
    %dma_wait3A_174 = tpu.memref_slice %arg11[%dma_wait3A_172, %dma_wait3A_173] : memref<10112x64xf32, #tpu.memory_space<vmem_shared>> -> memref<10112x64xf32, #tpu.memory_space<vmem_shared>>
    %dma_wait3A_175 = tpu.memref_slice %arg13[%dma_wait3A_164] : memref<8x!tpu.dma_semaphore, #tpu.memory_space<semaphore_mem>> -> memref<1x!tpu.dma_semaphore, #tpu.memory_space<semaphore_mem>>
    %dma_wait3A_176 = tpu.memref_squeeze %dma_wait3A_175 : memref<1x!tpu.dma_semaphore, #tpu.memory_space<semaphore_mem>> -> memref<!tpu.dma_semaphore, #tpu.memory_space<semaphore_mem>>
    tpu.wait_indirect_dma semaphore(%dma_wait3A_176 : memref<!tpu.dma_semaphore, #tpu.memory_space<semaphore_mem>>) src(%dma_wait3A_168 : memref<80x64xf32, #tpu.memory_space<vmem>>) dst(%dma_wait3A_174 : memref<10112x64xf32, #tpu.memory_space<vmem_shared>>)
    %dma_wait3A_177 = arith.constant 6 : i32
    %dma_wait3A_178 = arith.constant 118 : i32
    %dma_wait3A_179 = arith.constant 6 : i32
    %dma_wait3A_180 = arith.constant 0 : i32
    %dma_wait3A_181 = arith.constant 0 : i32
    %dma_wait3A_182 = tpu.memref_slice %arg8[%dma_wait3A_177, %dma_wait3A_180, %dma_wait3A_181] : memref<8x80x64xf32, #tpu.memory_space<vmem>> -> memref<1x80x64xf32, #tpu.memory_space<vmem>>
    %dma_wait3A_183 = tpu.memref_squeeze %dma_wait3A_182 : memref<1x80x64xf32, #tpu.memory_space<vmem>> -> memref<80x64xf32, #tpu.memory_space<vmem>>
    %dma_wait3A_184 = arith.constant 0 : i32
    %dma_wait3A_185 = tpu.memref_slice %arg7[%dma_wait3A_178, %dma_wait3A_184] : memref<125x80xi32, #tpu.memory_space<vmem>> -> memref<1x80xi32, #tpu.memory_space<vmem>>
    %dma_wait3A_186 = tpu.memref_squeeze %dma_wait3A_185 : memref<1x80xi32, #tpu.memory_space<vmem>> -> memref<80xi32, #tpu.memory_space<vmem>>
    %dma_wait3A_187 = arith.constant 0 : i32
    %dma_wait3A_188 = arith.constant 0 : i32
    %dma_wait3A_189 = tpu.memref_slice %arg11[%dma_wait3A_187, %dma_wait3A_188] : memref<10112x64xf32, #tpu.memory_space<vmem_shared>> -> memref<10112x64xf32, #tpu.memory_space<vmem_shared>>
    %dma_wait3A_190 = tpu.memref_slice %arg13[%dma_wait3A_179] : memref<8x!tpu.dma_semaphore, #tpu.memory_space<semaphore_mem>> -> memref<1x!tpu.dma_semaphore, #tpu.memory_space<semaphore_mem>>
    %dma_wait3A_191 = tpu.memref_squeeze %dma_wait3A_190 : memref<1x!tpu.dma_semaphore, #tpu.memory_space<semaphore_mem>> -> memref<!tpu.dma_semaphore, #tpu.memory_space<semaphore_mem>>
    tpu.wait_indirect_dma semaphore(%dma_wait3A_191 : memref<!tpu.dma_semaphore, #tpu.memory_space<semaphore_mem>>) src(%dma_wait3A_183 : memref<80x64xf32, #tpu.memory_space<vmem>>) dst(%dma_wait3A_189 : memref<10112x64xf32, #tpu.memory_space<vmem_shared>>)
    %dma_wait3A_192 = arith.constant 7 : i32
    %dma_wait3A_193 = arith.constant 119 : i32
    %dma_wait3A_194 = arith.constant 7 : i32
    %dma_wait3A_195 = arith.constant 0 : i32
    %dma_wait3A_196 = arith.constant 0 : i32
    %dma_wait3A_197 = tpu.memref_slice %arg8[%dma_wait3A_192, %dma_wait3A_195, %dma_wait3A_196] : memref<8x80x64xf32, #tpu.memory_space<vmem>> -> memref<1x80x64xf32, #tpu.memory_space<vmem>>
    %dma_wait3A_198 = tpu.memref_squeeze %dma_wait3A_197 : memref<1x80x64xf32, #tpu.memory_space<vmem>> -> memref<80x64xf32, #tpu.memory_space<vmem>>
    %dma_wait3A_199 = arith.constant 0 : i32
    %dma_wait3A_200 = tpu.memref_slice %arg7[%dma_wait3A_193, %dma_wait3A_199] : memref<125x80xi32, #tpu.memory_space<vmem>> -> memref<1x80xi32, #tpu.memory_space<vmem>>
    %dma_wait3A_201 = tpu.memref_squeeze %dma_wait3A_200 : memref<1x80xi32, #tpu.memory_space<vmem>> -> memref<80xi32, #tpu.memory_space<vmem>>
    %dma_wait3A_202 = arith.constant 0 : i32
    %dma_wait3A_203 = arith.constant 0 : i32
    %dma_wait3A_204 = tpu.memref_slice %arg11[%dma_wait3A_202, %dma_wait3A_203] : memref<10112x64xf32, #tpu.memory_space<vmem_shared>> -> memref<10112x64xf32, #tpu.memory_space<vmem_shared>>
    %dma_wait3A_205 = tpu.memref_slice %arg13[%dma_wait3A_194] : memref<8x!tpu.dma_semaphore, #tpu.memory_space<semaphore_mem>> -> memref<1x!tpu.dma_semaphore, #tpu.memory_space<semaphore_mem>>
    %dma_wait3A_206 = tpu.memref_squeeze %dma_wait3A_205 : memref<1x!tpu.dma_semaphore, #tpu.memory_space<semaphore_mem>> -> memref<!tpu.dma_semaphore, #tpu.memory_space<semaphore_mem>>
    tpu.wait_indirect_dma semaphore(%dma_wait3A_206 : memref<!tpu.dma_semaphore, #tpu.memory_space<semaphore_mem>>) src(%dma_wait3A_198 : memref<80x64xf32, #tpu.memory_space<vmem>>) dst(%dma_wait3A_204 : memref<10112x64xf32, #tpu.memory_space<vmem_shared>>)
    %dma_wait3A_207 = arith.constant 0 : i32
    %dma_wait3A_208 = arith.constant 120 : i32
    %dma_wait3A_209 = arith.constant 0 : i32
    %dma_wait3A_210 = arith.constant 0 : i32
    %dma_wait3A_211 = arith.constant 0 : i32
    %dma_wait3A_212 = tpu.memref_slice %arg8[%dma_wait3A_207, %dma_wait3A_210, %dma_wait3A_211] : memref<8x80x64xf32, #tpu.memory_space<vmem>> -> memref<1x80x64xf32, #tpu.memory_space<vmem>>
    %dma_wait3A_213 = tpu.memref_squeeze %dma_wait3A_212 : memref<1x80x64xf32, #tpu.memory_space<vmem>> -> memref<80x64xf32, #tpu.memory_space<vmem>>
    %dma_wait3A_214 = arith.constant 0 : i32
    %dma_wait3A_215 = tpu.memref_slice %arg7[%dma_wait3A_208, %dma_wait3A_214] : memref<125x80xi32, #tpu.memory_space<vmem>> -> memref<1x80xi32, #tpu.memory_space<vmem>>
    %dma_wait3A_216 = tpu.memref_squeeze %dma_wait3A_215 : memref<1x80xi32, #tpu.memory_space<vmem>> -> memref<80xi32, #tpu.memory_space<vmem>>
    %dma_wait3A_217 = arith.constant 0 : i32
    %dma_wait3A_218 = arith.constant 0 : i32
    %dma_wait3A_219 = tpu.memref_slice %arg11[%dma_wait3A_217, %dma_wait3A_218] : memref<10112x64xf32, #tpu.memory_space<vmem_shared>> -> memref<10112x64xf32, #tpu.memory_space<vmem_shared>>
    %dma_wait3A_220 = tpu.memref_slice %arg13[%dma_wait3A_209] : memref<8x!tpu.dma_semaphore, #tpu.memory_space<semaphore_mem>> -> memref<1x!tpu.dma_semaphore, #tpu.memory_space<semaphore_mem>>
    %dma_wait3A_221 = tpu.memref_squeeze %dma_wait3A_220 : memref<1x!tpu.dma_semaphore, #tpu.memory_space<semaphore_mem>> -> memref<!tpu.dma_semaphore, #tpu.memory_space<semaphore_mem>>
    tpu.wait_indirect_dma semaphore(%dma_wait3A_221 : memref<!tpu.dma_semaphore, #tpu.memory_space<semaphore_mem>>) src(%dma_wait3A_213 : memref<80x64xf32, #tpu.memory_space<vmem>>) dst(%dma_wait3A_219 : memref<10112x64xf32, #tpu.memory_space<vmem_shared>>)
    %dma_wait3A_222 = arith.constant 1 : i32
    %dma_wait3A_223 = arith.constant 121 : i32
    %dma_wait3A_224 = arith.constant 1 : i32
    %dma_wait3A_225 = arith.constant 0 : i32
    %dma_wait3A_226 = arith.constant 0 : i32
    %dma_wait3A_227 = tpu.memref_slice %arg8[%dma_wait3A_222, %dma_wait3A_225, %dma_wait3A_226] : memref<8x80x64xf32, #tpu.memory_space<vmem>> -> memref<1x80x64xf32, #tpu.memory_space<vmem>>
    %dma_wait3A_228 = tpu.memref_squeeze %dma_wait3A_227 : memref<1x80x64xf32, #tpu.memory_space<vmem>> -> memref<80x64xf32, #tpu.memory_space<vmem>>
    %dma_wait3A_229 = arith.constant 0 : i32
    %dma_wait3A_230 = tpu.memref_slice %arg7[%dma_wait3A_223, %dma_wait3A_229] : memref<125x80xi32, #tpu.memory_space<vmem>> -> memref<1x80xi32, #tpu.memory_space<vmem>>
    %dma_wait3A_231 = tpu.memref_squeeze %dma_wait3A_230 : memref<1x80xi32, #tpu.memory_space<vmem>> -> memref<80xi32, #tpu.memory_space<vmem>>
    %dma_wait3A_232 = arith.constant 0 : i32
    %dma_wait3A_233 = arith.constant 0 : i32
    %dma_wait3A_234 = tpu.memref_slice %arg11[%dma_wait3A_232, %dma_wait3A_233] : memref<10112x64xf32, #tpu.memory_space<vmem_shared>> -> memref<10112x64xf32, #tpu.memory_space<vmem_shared>>
    %dma_wait3A_235 = tpu.memref_slice %arg13[%dma_wait3A_224] : memref<8x!tpu.dma_semaphore, #tpu.memory_space<semaphore_mem>> -> memref<1x!tpu.dma_semaphore, #tpu.memory_space<semaphore_mem>>
    %dma_wait3A_236 = tpu.memref_squeeze %dma_wait3A_235 : memref<1x!tpu.dma_semaphore, #tpu.memory_space<semaphore_mem>> -> memref<!tpu.dma_semaphore, #tpu.memory_space<semaphore_mem>>
    tpu.wait_indirect_dma semaphore(%dma_wait3A_236 : memref<!tpu.dma_semaphore, #tpu.memory_space<semaphore_mem>>) src(%dma_wait3A_228 : memref<80x64xf32, #tpu.memory_space<vmem>>) dst(%dma_wait3A_234 : memref<10112x64xf32, #tpu.memory_space<vmem_shared>>)
    %dma_wait3A_237 = arith.constant 2 : i32
    %dma_wait3A_238 = arith.constant 122 : i32
    %dma_wait3A_239 = arith.constant 2 : i32
    %dma_wait3A_240 = arith.constant 0 : i32
    %dma_wait3A_241 = arith.constant 0 : i32
    %dma_wait3A_242 = tpu.memref_slice %arg8[%dma_wait3A_237, %dma_wait3A_240, %dma_wait3A_241] : memref<8x80x64xf32, #tpu.memory_space<vmem>> -> memref<1x80x64xf32, #tpu.memory_space<vmem>>
    %dma_wait3A_243 = tpu.memref_squeeze %dma_wait3A_242 : memref<1x80x64xf32, #tpu.memory_space<vmem>> -> memref<80x64xf32, #tpu.memory_space<vmem>>
    %dma_wait3A_244 = arith.constant 0 : i32
    %dma_wait3A_245 = tpu.memref_slice %arg7[%dma_wait3A_238, %dma_wait3A_244] : memref<125x80xi32, #tpu.memory_space<vmem>> -> memref<1x80xi32, #tpu.memory_space<vmem>>
    %dma_wait3A_246 = tpu.memref_squeeze %dma_wait3A_245 : memref<1x80xi32, #tpu.memory_space<vmem>> -> memref<80xi32, #tpu.memory_space<vmem>>
    %dma_wait3A_247 = arith.constant 0 : i32
    %dma_wait3A_248 = arith.constant 0 : i32
    %dma_wait3A_249 = tpu.memref_slice %arg11[%dma_wait3A_247, %dma_wait3A_248] : memref<10112x64xf32, #tpu.memory_space<vmem_shared>> -> memref<10112x64xf32, #tpu.memory_space<vmem_shared>>
    %dma_wait3A_250 = tpu.memref_slice %arg13[%dma_wait3A_239] : memref<8x!tpu.dma_semaphore, #tpu.memory_space<semaphore_mem>> -> memref<1x!tpu.dma_semaphore, #tpu.memory_space<semaphore_mem>>
    %dma_wait3A_251 = tpu.memref_squeeze %dma_wait3A_250 : memref<1x!tpu.dma_semaphore, #tpu.memory_space<semaphore_mem>> -> memref<!tpu.dma_semaphore, #tpu.memory_space<semaphore_mem>>
    tpu.wait_indirect_dma semaphore(%dma_wait3A_251 : memref<!tpu.dma_semaphore, #tpu.memory_space<semaphore_mem>>) src(%dma_wait3A_243 : memref<80x64xf32, #tpu.memory_space<vmem>>) dst(%dma_wait3A_249 : memref<10112x64xf32, #tpu.memory_space<vmem_shared>>)
    %dma_wait3A_252 = arith.constant 3 : i32
    %dma_wait3A_253 = arith.constant 123 : i32
    %dma_wait3A_254 = arith.constant 3 : i32
    %dma_wait3A_255 = arith.constant 0 : i32
    %dma_wait3A_256 = arith.constant 0 : i32
    %dma_wait3A_257 = tpu.memref_slice %arg8[%dma_wait3A_252, %dma_wait3A_255, %dma_wait3A_256] : memref<8x80x64xf32, #tpu.memory_space<vmem>> -> memref<1x80x64xf32, #tpu.memory_space<vmem>>
    %dma_wait3A_258 = tpu.memref_squeeze %dma_wait3A_257 : memref<1x80x64xf32, #tpu.memory_space<vmem>> -> memref<80x64xf32, #tpu.memory_space<vmem>>
    %dma_wait3A_259 = arith.constant 0 : i32
    %dma_wait3A_260 = tpu.memref_slice %arg7[%dma_wait3A_253, %dma_wait3A_259] : memref<125x80xi32, #tpu.memory_space<vmem>> -> memref<1x80xi32, #tpu.memory_space<vmem>>
    %dma_wait3A_261 = tpu.memref_squeeze %dma_wait3A_260 : memref<1x80xi32, #tpu.memory_space<vmem>> -> memref<80xi32, #tpu.memory_space<vmem>>
    %dma_wait3A_262 = arith.constant 0 : i32
    %dma_wait3A_263 = arith.constant 0 : i32
    %dma_wait3A_264 = tpu.memref_slice %arg11[%dma_wait3A_262, %dma_wait3A_263] : memref<10112x64xf32, #tpu.memory_space<vmem_shared>> -> memref<10112x64xf32, #tpu.memory_space<vmem_shared>>
    %dma_wait3A_265 = tpu.memref_slice %arg13[%dma_wait3A_254] : memref<8x!tpu.dma_semaphore, #tpu.memory_space<semaphore_mem>> -> memref<1x!tpu.dma_semaphore, #tpu.memory_space<semaphore_mem>>
    %dma_wait3A_266 = tpu.memref_squeeze %dma_wait3A_265 : memref<1x!tpu.dma_semaphore, #tpu.memory_space<semaphore_mem>> -> memref<!tpu.dma_semaphore, #tpu.memory_space<semaphore_mem>>
    tpu.wait_indirect_dma semaphore(%dma_wait3A_266 : memref<!tpu.dma_semaphore, #tpu.memory_space<semaphore_mem>>) src(%dma_wait3A_258 : memref<80x64xf32, #tpu.memory_space<vmem>>) dst(%dma_wait3A_264 : memref<10112x64xf32, #tpu.memory_space<vmem_shared>>)
    %dma_wait3A_267 = arith.constant 4 : i32
    %dma_wait3A_268 = arith.constant 124 : i32
    %dma_wait3A_269 = arith.constant 4 : i32
    %dma_wait3A_270 = arith.constant 0 : i32
    %dma_wait3A_271 = arith.constant 0 : i32
    %dma_wait3A_272 = tpu.memref_slice %arg8[%dma_wait3A_267, %dma_wait3A_270, %dma_wait3A_271] : memref<8x80x64xf32, #tpu.memory_space<vmem>> -> memref<1x80x64xf32, #tpu.memory_space<vmem>>
    %dma_wait3A_273 = tpu.memref_squeeze %dma_wait3A_272 : memref<1x80x64xf32, #tpu.memory_space<vmem>> -> memref<80x64xf32, #tpu.memory_space<vmem>>
    %dma_wait3A_274 = arith.constant 0 : i32
    %dma_wait3A_275 = tpu.memref_slice %arg7[%dma_wait3A_268, %dma_wait3A_274] : memref<125x80xi32, #tpu.memory_space<vmem>> -> memref<1x80xi32, #tpu.memory_space<vmem>>
    %dma_wait3A_276 = tpu.memref_squeeze %dma_wait3A_275 : memref<1x80xi32, #tpu.memory_space<vmem>> -> memref<80xi32, #tpu.memory_space<vmem>>
    %dma_wait3A_277 = arith.constant 0 : i32
    %dma_wait3A_278 = arith.constant 0 : i32
    %dma_wait3A_279 = tpu.memref_slice %arg11[%dma_wait3A_277, %dma_wait3A_278] : memref<10112x64xf32, #tpu.memory_space<vmem_shared>> -> memref<10112x64xf32, #tpu.memory_space<vmem_shared>>
    %dma_wait3A_280 = tpu.memref_slice %arg13[%dma_wait3A_269] : memref<8x!tpu.dma_semaphore, #tpu.memory_space<semaphore_mem>> -> memref<1x!tpu.dma_semaphore, #tpu.memory_space<semaphore_mem>>
    %dma_wait3A_281 = tpu.memref_squeeze %dma_wait3A_280 : memref<1x!tpu.dma_semaphore, #tpu.memory_space<semaphore_mem>> -> memref<!tpu.dma_semaphore, #tpu.memory_space<semaphore_mem>>
    tpu.wait_indirect_dma semaphore(%dma_wait3A_281 : memref<!tpu.dma_semaphore, #tpu.memory_space<semaphore_mem>>) src(%dma_wait3A_273 : memref<80x64xf32, #tpu.memory_space<vmem>>) dst(%dma_wait3A_279 : memref<10112x64xf32, #tpu.memory_space<vmem_shared>>)
    %barrier3A_282 = arith.constant 0 : index
    tpu.barrier barrier_id(%barrier3A_282)
    %mul3A_283 = arith.constant 632 : i32
    %mul3A_284 = arith.muli %arg1, %mul3A_283 : i32
    %mul3A_285 = arith.constant 632 : i32
    %mul3A_286 = arith.muli %arg1, %mul3A_285 : i32
    "tpu.region"() ({
      %run_scoped3A = tpu.sem_alloc : memref<!tpu.dma_semaphore, #tpu.memory_space<semaphore_mem>>
      %dma_start3A_287 = arith.constant 0 : i32
      %dma_start3A_288 = tpu.memref_slice %arg4[%arg0, %mul3A_286, %dma_start3A_287] : memref<2x10112x64xf32, #tpu.memory_space<hbm>> -> memref<1x632x64xf32, #tpu.memory_space<hbm>>
      %dma_start3A_289 = tpu.memref_squeeze %dma_start3A_288 : memref<1x632x64xf32, #tpu.memory_space<hbm>> -> memref<632x64xf32, #tpu.memory_space<hbm>>
      %dma_start3A_290 = arith.constant 0 : i32
      %dma_start3A_291 = tpu.memref_slice %arg11[%mul3A_284, %dma_start3A_290] : memref<10112x64xf32, #tpu.memory_space<vmem_shared>> -> memref<632x64xf32, #tpu.memory_space<vmem_shared>>
      tpu.enqueue_dma source(%dma_start3A_291 : memref<632x64xf32, #tpu.memory_space<vmem_shared>>) target(%dma_start3A_289 : memref<632x64xf32, #tpu.memory_space<hbm>>) target_semaphore(%run_scoped3A : memref<!tpu.dma_semaphore, #tpu.memory_space<semaphore_mem>>)
      %dma_wait3A_292 = arith.constant 0 : i32
      %dma_wait3A_293 = tpu.memref_slice %arg4[%arg0, %mul3A_286, %dma_wait3A_292] : memref<2x10112x64xf32, #tpu.memory_space<hbm>> -> memref<1x632x64xf32, #tpu.memory_space<hbm>>
      %dma_wait3A_294 = tpu.memref_squeeze %dma_wait3A_293 : memref<1x632x64xf32, #tpu.memory_space<hbm>> -> memref<632x64xf32, #tpu.memory_space<hbm>>
      %dma_wait3A_295 = arith.constant 0 : i32
      %dma_wait3A_296 = tpu.memref_slice %arg11[%mul3A_284, %dma_wait3A_295] : memref<10112x64xf32, #tpu.memory_space<vmem_shared>> -> memref<632x64xf32, #tpu.memory_space<vmem_shared>>
      tpu.wait_dma2 semaphore(%run_scoped3A : memref<!tpu.dma_semaphore, #tpu.memory_space<semaphore_mem>>) src(%dma_wait3A_296 : memref<632x64xf32, #tpu.memory_space<vmem_shared>>) dst(%dma_wait3A_294 : memref<632x64xf32, #tpu.memory_space<hbm>>)
      tpu.yield
    }) : () -> ()
    "tpu.region"() ({
      %run_scoped3A = tpu.sem_alloc : memref<!tpu.dma_semaphore, #tpu.memory_space<semaphore_mem>>
      %dma_start3A_287 = arith.constant 0 : i32
      %dma_start3A_288 = tpu.memref_slice %arg5[%add3A, %dma_start3A_287] : memref<32x10112xf32, #tpu.memory_space<hbm>> -> memref<1x10112xf32, #tpu.memory_space<hbm>>
      %dma_start3A_289 = tpu.memref_squeeze %dma_start3A_288 : memref<1x10112xf32, #tpu.memory_space<hbm>> -> memref<10112xf32, #tpu.memory_space<hbm>>
      %dma_start3A_290 = arith.constant 0 : i32
      %dma_start3A_291 = tpu.memref_slice %arg5[%add3A, %dma_start3A_290] : memref<32x10112xf32, #tpu.memory_space<hbm>> -> memref<1x10112xf32, #tpu.memory_space<hbm>>
      %dma_start3A_292 = tpu.memref_squeeze %dma_start3A_291 : memref<1x10112xf32, #tpu.memory_space<hbm>> -> memref<10112xf32, #tpu.memory_space<hbm>>
      tpu.enqueue_dma source(%arg10 : memref<10112xf32, #tpu.memory_space<vmem>>) target(%dma_start3A_292 : memref<10112xf32, #tpu.memory_space<hbm>>) target_semaphore(%run_scoped3A : memref<!tpu.dma_semaphore, #tpu.memory_space<semaphore_mem>>)
      %dma_wait3A_293 = arith.constant 0 : i32
      %dma_wait3A_294 = tpu.memref_slice %arg5[%add3A, %dma_wait3A_293] : memref<32x10112xf32, #tpu.memory_space<hbm>> -> memref<1x10112xf32, #tpu.memory_space<hbm>>
      %dma_wait3A_295 = tpu.memref_squeeze %dma_wait3A_294 : memref<1x10112xf32, #tpu.memory_space<hbm>> -> memref<10112xf32, #tpu.memory_space<hbm>>
      %dma_wait3A_296 = arith.constant 0 : i32
      %dma_wait3A_297 = tpu.memref_slice %arg5[%add3A, %dma_wait3A_296] : memref<32x10112xf32, #tpu.memory_space<hbm>> -> memref<1x10112xf32, #tpu.memory_space<hbm>>
      %dma_wait3A_298 = tpu.memref_squeeze %dma_wait3A_297 : memref<1x10112xf32, #tpu.memory_space<hbm>> -> memref<10112xf32, #tpu.memory_space<hbm>>
      tpu.wait_dma2 semaphore(%run_scoped3A : memref<!tpu.dma_semaphore, #tpu.memory_space<semaphore_mem>>) src(%arg10 : memref<10112xf32, #tpu.memory_space<vmem>>) dst(%dma_wait3A_298 : memref<10112xf32, #tpu.memory_space<hbm>>)
      tpu.yield
    }) : () -> ()
    return
  }
}

#map = affine_map<(d0, d1) -> (0, 0)>
#map1 = affine_map<(d0, d1) -> (0, 0, 0)>
module attributes {stable_mosaic.version = 14 : i64} {
  func.func @body(%arg0: i32, %arg1: i32, %arg2: memref<10000x64xf32, #tpu.memory_space<hbm>>, %arg3: memref<8000x80xi32, #tpu.memory_space<hbm>>, %arg4: memref<2x10112x64xf32, #tpu.memory_space<hbm>>, %arg5: memref<125x80xi32, #tpu.memory_space<vmem>>, %arg6: memref<125x80xi32, #tpu.memory_space<vmem>>, %arg7: memref<8x80x64xf32, #tpu.memory_space<vmem>>, %arg8: memref<79x64xf32, #tpu.memory_space<vmem>>, %arg9: memref<10112x64xf32, #tpu.memory_space<vmem_shared>>, %arg10: memref<8x!tpu.dma_semaphore, #tpu.memory_space<semaphore_mem>>, %arg11: memref<8x!tpu.dma_semaphore, #tpu.memory_space<semaphore_mem>>) attributes {dimension_semantics = [#tpu.dimension_semantics<core_parallel>, #tpu.dimension_semantics<subcore_parallel>], iteration_bounds = array<i64: 2, 16>, scalar_prefetch = 0 : i64, scratch_operands = 7 : i64, tpu.core_type = #tpu.core_type<sc_vector_subcore>, window_params = [{transform_indices = #map}, {transform_indices = #map}, {transform_indices = #map1}]} {
    %mul3A = arith.constant 16 : i32
    %mul3A_0 = arith.muli %arg0, %mul3A : i32
    %add3A = arith.addi %mul3A_0, %arg1 : i32
    %broadcast_in_dim3A = arith.constant 0.000000e+00 : f32
    %broadcast_in_dim3A_1 = vector.broadcast %broadcast_in_dim3A : f32 to vector<16xf32>
    %scan3A = arith.constant 0 : i32
    %scan3A_2 = arith.constant 0 : i32
    %scan3A_3 = arith.constant 79 : i32
    %scan3A_4 = arith.addi %scan3A_2, %scan3A_3 : i32
    %scan3A_5 = arith.constant 1 : i32
    scf.for %scan3A_281 = %scan3A_2 to %scan3A_4 step %scan3A_5  : i32 {
      %swap3A = arith.index_cast %scan3A_281 : i32 to index
      %swap3A_282 = arith.constant 0 : index
      %swap3A_283 = tpu.vector_load %arg8[%swap3A, %swap3A_282] {strides = array<i32>} : memref<79x64xf32, #tpu.memory_space<vmem>>, vector<16xf32>,
      tpu.vector_store %arg8[%swap3A, %swap3A_282], %broadcast_in_dim3A_1 {strides = array<i32>} : memref<79x64xf32, #tpu.memory_space<vmem>>, vector<16xf32>,
      %swap3A_284 = arith.index_cast %scan3A_281 : i32 to index
      %swap3A_285 = arith.constant 16 : index
      %swap3A_286 = tpu.vector_load %arg8[%swap3A_284, %swap3A_285] {strides = array<i32>} : memref<79x64xf32, #tpu.memory_space<vmem>>, vector<16xf32>,
      tpu.vector_store %arg8[%swap3A_284, %swap3A_285], %broadcast_in_dim3A_1 {strides = array<i32>} : memref<79x64xf32, #tpu.memory_space<vmem>>, vector<16xf32>,
      %swap3A_287 = arith.index_cast %scan3A_281 : i32 to index
      %swap3A_288 = arith.constant 32 : index
      %swap3A_289 = tpu.vector_load %arg8[%swap3A_287, %swap3A_288] {strides = array<i32>} : memref<79x64xf32, #tpu.memory_space<vmem>>, vector<16xf32>,
      tpu.vector_store %arg8[%swap3A_287, %swap3A_288], %broadcast_in_dim3A_1 {strides = array<i32>} : memref<79x64xf32, #tpu.memory_space<vmem>>, vector<16xf32>,
      %swap3A_290 = arith.index_cast %scan3A_281 : i32 to index
      %swap3A_291 = arith.constant 48 : index
      %swap3A_292 = tpu.vector_load %arg8[%swap3A_290, %swap3A_291] {strides = array<i32>} : memref<79x64xf32, #tpu.memory_space<vmem>>, vector<16xf32>,
      tpu.vector_store %arg8[%swap3A_290, %swap3A_291], %broadcast_in_dim3A_1 {strides = array<i32>} : memref<79x64xf32, #tpu.memory_space<vmem>>, vector<16xf32>,
    }
    %scan3A_6 = arith.constant 79 : i32
    %mul3A_7 = arith.constant 632 : i32
    %mul3A_8 = arith.muli %arg1, %mul3A_7 : i32
    %add3A_9 = arith.constant 0 : i32
    %add3A_10 = arith.addi %mul3A_8, %add3A_9 : i32
    "tpu.region"() ({
      %run_scoped3A = tpu.sem_alloc : memref<!tpu.dma_semaphore, #tpu.memory_space<semaphore_mem>>
      %dma_start3A_281 = arith.constant 0 : i32
      %dma_start3A_282 = tpu.memref_slice %arg9[%add3A_10, %dma_start3A_281] : memref<10112x64xf32, #tpu.memory_space<vmem_shared>> -> memref<79x64xf32, #tpu.memory_space<vmem_shared>>
      %dma_start3A_283 = arith.constant 0 : i32
      %dma_start3A_284 = tpu.memref_slice %arg9[%add3A_10, %dma_start3A_283] : memref<10112x64xf32, #tpu.memory_space<vmem_shared>> -> memref<79x64xf32, #tpu.memory_space<vmem_shared>>
      tpu.enqueue_dma source(%arg8 : memref<79x64xf32, #tpu.memory_space<vmem>>) target(%dma_start3A_284 : memref<79x64xf32, #tpu.memory_space<vmem_shared>>) target_semaphore(%run_scoped3A : memref<!tpu.dma_semaphore, #tpu.memory_space<semaphore_mem>>)
      %dma_wait3A_285 = arith.constant 0 : i32
      %dma_wait3A_286 = tpu.memref_slice %arg9[%add3A_10, %dma_wait3A_285] : memref<10112x64xf32, #tpu.memory_space<vmem_shared>> -> memref<79x64xf32, #tpu.memory_space<vmem_shared>>
      %dma_wait3A_287 = arith.constant 0 : i32
      %dma_wait3A_288 = tpu.memref_slice %arg9[%add3A_10, %dma_wait3A_287] : memref<10112x64xf32, #tpu.memory_space<vmem_shared>> -> memref<79x64xf32, #tpu.memory_space<vmem_shared>>
      tpu.wait_dma2 semaphore(%run_scoped3A : memref<!tpu.dma_semaphore, #tpu.memory_space<semaphore_mem>>) src(%arg8 : memref<79x64xf32, #tpu.memory_space<vmem>>) dst(%dma_wait3A_288 : memref<79x64xf32, #tpu.memory_space<vmem_shared>>)
      tpu.yield
    }) : () -> ()
    %mul3A_11 = arith.constant 632 : i32
    %mul3A_12 = arith.muli %arg1, %mul3A_11 : i32
    %add3A_13 = arith.constant 79 : i32
    %add3A_14 = arith.addi %mul3A_12, %add3A_13 : i32
    "tpu.region"() ({
      %run_scoped3A = tpu.sem_alloc : memref<!tpu.dma_semaphore, #tpu.memory_space<semaphore_mem>>
      %dma_start3A_281 = arith.constant 0 : i32
      %dma_start3A_282 = tpu.memref_slice %arg9[%add3A_14, %dma_start3A_281] : memref<10112x64xf32, #tpu.memory_space<vmem_shared>> -> memref<79x64xf32, #tpu.memory_space<vmem_shared>>
      %dma_start3A_283 = arith.constant 0 : i32
      %dma_start3A_284 = tpu.memref_slice %arg9[%add3A_14, %dma_start3A_283] : memref<10112x64xf32, #tpu.memory_space<vmem_shared>> -> memref<79x64xf32, #tpu.memory_space<vmem_shared>>
      tpu.enqueue_dma source(%arg8 : memref<79x64xf32, #tpu.memory_space<vmem>>) target(%dma_start3A_284 : memref<79x64xf32, #tpu.memory_space<vmem_shared>>) target_semaphore(%run_scoped3A : memref<!tpu.dma_semaphore, #tpu.memory_space<semaphore_mem>>)
      %dma_wait3A_285 = arith.constant 0 : i32
      %dma_wait3A_286 = tpu.memref_slice %arg9[%add3A_14, %dma_wait3A_285] : memref<10112x64xf32, #tpu.memory_space<vmem_shared>> -> memref<79x64xf32, #tpu.memory_space<vmem_shared>>
      %dma_wait3A_287 = arith.constant 0 : i32
      %dma_wait3A_288 = tpu.memref_slice %arg9[%add3A_14, %dma_wait3A_287] : memref<10112x64xf32, #tpu.memory_space<vmem_shared>> -> memref<79x64xf32, #tpu.memory_space<vmem_shared>>
      tpu.wait_dma2 semaphore(%run_scoped3A : memref<!tpu.dma_semaphore, #tpu.memory_space<semaphore_mem>>) src(%arg8 : memref<79x64xf32, #tpu.memory_space<vmem>>) dst(%dma_wait3A_288 : memref<79x64xf32, #tpu.memory_space<vmem_shared>>)
      tpu.yield
    }) : () -> ()
    %mul3A_15 = arith.constant 632 : i32
    %mul3A_16 = arith.muli %arg1, %mul3A_15 : i32
    %add3A_17 = arith.constant 158 : i32
    %add3A_18 = arith.addi %mul3A_16, %add3A_17 : i32
    "tpu.region"() ({
      %run_scoped3A = tpu.sem_alloc : memref<!tpu.dma_semaphore, #tpu.memory_space<semaphore_mem>>
      %dma_start3A_281 = arith.constant 0 : i32
      %dma_start3A_282 = tpu.memref_slice %arg9[%add3A_18, %dma_start3A_281] : memref<10112x64xf32, #tpu.memory_space<vmem_shared>> -> memref<79x64xf32, #tpu.memory_space<vmem_shared>>
      %dma_start3A_283 = arith.constant 0 : i32
      %dma_start3A_284 = tpu.memref_slice %arg9[%add3A_18, %dma_start3A_283] : memref<10112x64xf32, #tpu.memory_space<vmem_shared>> -> memref<79x64xf32, #tpu.memory_space<vmem_shared>>
      tpu.enqueue_dma source(%arg8 : memref<79x64xf32, #tpu.memory_space<vmem>>) target(%dma_start3A_284 : memref<79x64xf32, #tpu.memory_space<vmem_shared>>) target_semaphore(%run_scoped3A : memref<!tpu.dma_semaphore, #tpu.memory_space<semaphore_mem>>)
      %dma_wait3A_285 = arith.constant 0 : i32
      %dma_wait3A_286 = tpu.memref_slice %arg9[%add3A_18, %dma_wait3A_285] : memref<10112x64xf32, #tpu.memory_space<vmem_shared>> -> memref<79x64xf32, #tpu.memory_space<vmem_shared>>
      %dma_wait3A_287 = arith.constant 0 : i32
      %dma_wait3A_288 = tpu.memref_slice %arg9[%add3A_18, %dma_wait3A_287] : memref<10112x64xf32, #tpu.memory_space<vmem_shared>> -> memref<79x64xf32, #tpu.memory_space<vmem_shared>>
      tpu.wait_dma2 semaphore(%run_scoped3A : memref<!tpu.dma_semaphore, #tpu.memory_space<semaphore_mem>>) src(%arg8 : memref<79x64xf32, #tpu.memory_space<vmem>>) dst(%dma_wait3A_288 : memref<79x64xf32, #tpu.memory_space<vmem_shared>>)
      tpu.yield
    }) : () -> ()
    %mul3A_19 = arith.constant 632 : i32
    %mul3A_20 = arith.muli %arg1, %mul3A_19 : i32
    %add3A_21 = arith.constant 237 : i32
    %add3A_22 = arith.addi %mul3A_20, %add3A_21 : i32
    "tpu.region"() ({
      %run_scoped3A = tpu.sem_alloc : memref<!tpu.dma_semaphore, #tpu.memory_space<semaphore_mem>>
      %dma_start3A_281 = arith.constant 0 : i32
      %dma_start3A_282 = tpu.memref_slice %arg9[%add3A_22, %dma_start3A_281] : memref<10112x64xf32, #tpu.memory_space<vmem_shared>> -> memref<79x64xf32, #tpu.memory_space<vmem_shared>>
      %dma_start3A_283 = arith.constant 0 : i32
      %dma_start3A_284 = tpu.memref_slice %arg9[%add3A_22, %dma_start3A_283] : memref<10112x64xf32, #tpu.memory_space<vmem_shared>> -> memref<79x64xf32, #tpu.memory_space<vmem_shared>>
      tpu.enqueue_dma source(%arg8 : memref<79x64xf32, #tpu.memory_space<vmem>>) target(%dma_start3A_284 : memref<79x64xf32, #tpu.memory_space<vmem_shared>>) target_semaphore(%run_scoped3A : memref<!tpu.dma_semaphore, #tpu.memory_space<semaphore_mem>>)
      %dma_wait3A_285 = arith.constant 0 : i32
      %dma_wait3A_286 = tpu.memref_slice %arg9[%add3A_22, %dma_wait3A_285] : memref<10112x64xf32, #tpu.memory_space<vmem_shared>> -> memref<79x64xf32, #tpu.memory_space<vmem_shared>>
      %dma_wait3A_287 = arith.constant 0 : i32
      %dma_wait3A_288 = tpu.memref_slice %arg9[%add3A_22, %dma_wait3A_287] : memref<10112x64xf32, #tpu.memory_space<vmem_shared>> -> memref<79x64xf32, #tpu.memory_space<vmem_shared>>
      tpu.wait_dma2 semaphore(%run_scoped3A : memref<!tpu.dma_semaphore, #tpu.memory_space<semaphore_mem>>) src(%arg8 : memref<79x64xf32, #tpu.memory_space<vmem>>) dst(%dma_wait3A_288 : memref<79x64xf32, #tpu.memory_space<vmem_shared>>)
      tpu.yield
    }) : () -> ()
    %mul3A_23 = arith.constant 632 : i32
    %mul3A_24 = arith.muli %arg1, %mul3A_23 : i32
    %add3A_25 = arith.constant 316 : i32
    %add3A_26 = arith.addi %mul3A_24, %add3A_25 : i32
    "tpu.region"() ({
      %run_scoped3A = tpu.sem_alloc : memref<!tpu.dma_semaphore, #tpu.memory_space<semaphore_mem>>
      %dma_start3A_281 = arith.constant 0 : i32
      %dma_start3A_282 = tpu.memref_slice %arg9[%add3A_26, %dma_start3A_281] : memref<10112x64xf32, #tpu.memory_space<vmem_shared>> -> memref<79x64xf32, #tpu.memory_space<vmem_shared>>
      %dma_start3A_283 = arith.constant 0 : i32
      %dma_start3A_284 = tpu.memref_slice %arg9[%add3A_26, %dma_start3A_283] : memref<10112x64xf32, #tpu.memory_space<vmem_shared>> -> memref<79x64xf32, #tpu.memory_space<vmem_shared>>
      tpu.enqueue_dma source(%arg8 : memref<79x64xf32, #tpu.memory_space<vmem>>) target(%dma_start3A_284 : memref<79x64xf32, #tpu.memory_space<vmem_shared>>) target_semaphore(%run_scoped3A : memref<!tpu.dma_semaphore, #tpu.memory_space<semaphore_mem>>)
      %dma_wait3A_285 = arith.constant 0 : i32
      %dma_wait3A_286 = tpu.memref_slice %arg9[%add3A_26, %dma_wait3A_285] : memref<10112x64xf32, #tpu.memory_space<vmem_shared>> -> memref<79x64xf32, #tpu.memory_space<vmem_shared>>
      %dma_wait3A_287 = arith.constant 0 : i32
      %dma_wait3A_288 = tpu.memref_slice %arg9[%add3A_26, %dma_wait3A_287] : memref<10112x64xf32, #tpu.memory_space<vmem_shared>> -> memref<79x64xf32, #tpu.memory_space<vmem_shared>>
      tpu.wait_dma2 semaphore(%run_scoped3A : memref<!tpu.dma_semaphore, #tpu.memory_space<semaphore_mem>>) src(%arg8 : memref<79x64xf32, #tpu.memory_space<vmem>>) dst(%dma_wait3A_288 : memref<79x64xf32, #tpu.memory_space<vmem_shared>>)
      tpu.yield
    }) : () -> ()
    %mul3A_27 = arith.constant 632 : i32
    %mul3A_28 = arith.muli %arg1, %mul3A_27 : i32
    %add3A_29 = arith.constant 395 : i32
    %add3A_30 = arith.addi %mul3A_28, %add3A_29 : i32
    "tpu.region"() ({
      %run_scoped3A = tpu.sem_alloc : memref<!tpu.dma_semaphore, #tpu.memory_space<semaphore_mem>>
      %dma_start3A_281 = arith.constant 0 : i32
      %dma_start3A_282 = tpu.memref_slice %arg9[%add3A_30, %dma_start3A_281] : memref<10112x64xf32, #tpu.memory_space<vmem_shared>> -> memref<79x64xf32, #tpu.memory_space<vmem_shared>>
      %dma_start3A_283 = arith.constant 0 : i32
      %dma_start3A_284 = tpu.memref_slice %arg9[%add3A_30, %dma_start3A_283] : memref<10112x64xf32, #tpu.memory_space<vmem_shared>> -> memref<79x64xf32, #tpu.memory_space<vmem_shared>>
      tpu.enqueue_dma source(%arg8 : memref<79x64xf32, #tpu.memory_space<vmem>>) target(%dma_start3A_284 : memref<79x64xf32, #tpu.memory_space<vmem_shared>>) target_semaphore(%run_scoped3A : memref<!tpu.dma_semaphore, #tpu.memory_space<semaphore_mem>>)
      %dma_wait3A_285 = arith.constant 0 : i32
      %dma_wait3A_286 = tpu.memref_slice %arg9[%add3A_30, %dma_wait3A_285] : memref<10112x64xf32, #tpu.memory_space<vmem_shared>> -> memref<79x64xf32, #tpu.memory_space<vmem_shared>>
      %dma_wait3A_287 = arith.constant 0 : i32
      %dma_wait3A_288 = tpu.memref_slice %arg9[%add3A_30, %dma_wait3A_287] : memref<10112x64xf32, #tpu.memory_space<vmem_shared>> -> memref<79x64xf32, #tpu.memory_space<vmem_shared>>
      tpu.wait_dma2 semaphore(%run_scoped3A : memref<!tpu.dma_semaphore, #tpu.memory_space<semaphore_mem>>) src(%arg8 : memref<79x64xf32, #tpu.memory_space<vmem>>) dst(%dma_wait3A_288 : memref<79x64xf32, #tpu.memory_space<vmem_shared>>)
      tpu.yield
    }) : () -> ()
    %mul3A_31 = arith.constant 632 : i32
    %mul3A_32 = arith.muli %arg1, %mul3A_31 : i32
    %add3A_33 = arith.constant 474 : i32
    %add3A_34 = arith.addi %mul3A_32, %add3A_33 : i32
    "tpu.region"() ({
      %run_scoped3A = tpu.sem_alloc : memref<!tpu.dma_semaphore, #tpu.memory_space<semaphore_mem>>
      %dma_start3A_281 = arith.constant 0 : i32
      %dma_start3A_282 = tpu.memref_slice %arg9[%add3A_34, %dma_start3A_281] : memref<10112x64xf32, #tpu.memory_space<vmem_shared>> -> memref<79x64xf32, #tpu.memory_space<vmem_shared>>
      %dma_start3A_283 = arith.constant 0 : i32
      %dma_start3A_284 = tpu.memref_slice %arg9[%add3A_34, %dma_start3A_283] : memref<10112x64xf32, #tpu.memory_space<vmem_shared>> -> memref<79x64xf32, #tpu.memory_space<vmem_shared>>
      tpu.enqueue_dma source(%arg8 : memref<79x64xf32, #tpu.memory_space<vmem>>) target(%dma_start3A_284 : memref<79x64xf32, #tpu.memory_space<vmem_shared>>) target_semaphore(%run_scoped3A : memref<!tpu.dma_semaphore, #tpu.memory_space<semaphore_mem>>)
      %dma_wait3A_285 = arith.constant 0 : i32
      %dma_wait3A_286 = tpu.memref_slice %arg9[%add3A_34, %dma_wait3A_285] : memref<10112x64xf32, #tpu.memory_space<vmem_shared>> -> memref<79x64xf32, #tpu.memory_space<vmem_shared>>
      %dma_wait3A_287 = arith.constant 0 : i32
      %dma_wait3A_288 = tpu.memref_slice %arg9[%add3A_34, %dma_wait3A_287] : memref<10112x64xf32, #tpu.memory_space<vmem_shared>> -> memref<79x64xf32, #tpu.memory_space<vmem_shared>>
      tpu.wait_dma2 semaphore(%run_scoped3A : memref<!tpu.dma_semaphore, #tpu.memory_space<semaphore_mem>>) src(%arg8 : memref<79x64xf32, #tpu.memory_space<vmem>>) dst(%dma_wait3A_288 : memref<79x64xf32, #tpu.memory_space<vmem_shared>>)
      tpu.yield
    }) : () -> ()
    %mul3A_35 = arith.constant 632 : i32
    %mul3A_36 = arith.muli %arg1, %mul3A_35 : i32
    %add3A_37 = arith.constant 553 : i32
    %add3A_38 = arith.addi %mul3A_36, %add3A_37 : i32
    "tpu.region"() ({
      %run_scoped3A = tpu.sem_alloc : memref<!tpu.dma_semaphore, #tpu.memory_space<semaphore_mem>>
      %dma_start3A_281 = arith.constant 0 : i32
      %dma_start3A_282 = tpu.memref_slice %arg9[%add3A_38, %dma_start3A_281] : memref<10112x64xf32, #tpu.memory_space<vmem_shared>> -> memref<79x64xf32, #tpu.memory_space<vmem_shared>>
      %dma_start3A_283 = arith.constant 0 : i32
      %dma_start3A_284 = tpu.memref_slice %arg9[%add3A_38, %dma_start3A_283] : memref<10112x64xf32, #tpu.memory_space<vmem_shared>> -> memref<79x64xf32, #tpu.memory_space<vmem_shared>>
      tpu.enqueue_dma source(%arg8 : memref<79x64xf32, #tpu.memory_space<vmem>>) target(%dma_start3A_284 : memref<79x64xf32, #tpu.memory_space<vmem_shared>>) target_semaphore(%run_scoped3A : memref<!tpu.dma_semaphore, #tpu.memory_space<semaphore_mem>>)
      %dma_wait3A_285 = arith.constant 0 : i32
      %dma_wait3A_286 = tpu.memref_slice %arg9[%add3A_38, %dma_wait3A_285] : memref<10112x64xf32, #tpu.memory_space<vmem_shared>> -> memref<79x64xf32, #tpu.memory_space<vmem_shared>>
      %dma_wait3A_287 = arith.constant 0 : i32
      %dma_wait3A_288 = tpu.memref_slice %arg9[%add3A_38, %dma_wait3A_287] : memref<10112x64xf32, #tpu.memory_space<vmem_shared>> -> memref<79x64xf32, #tpu.memory_space<vmem_shared>>
      tpu.wait_dma2 semaphore(%run_scoped3A : memref<!tpu.dma_semaphore, #tpu.memory_space<semaphore_mem>>) src(%arg8 : memref<79x64xf32, #tpu.memory_space<vmem>>) dst(%dma_wait3A_288 : memref<79x64xf32, #tpu.memory_space<vmem_shared>>)
      tpu.yield
    }) : () -> ()
    %barrier3A = arith.constant 0 : index
    tpu.barrier barrier_id(%barrier3A)
    %mul3A_39 = arith.constant 125 : i32
    %mul3A_40 = arith.muli %add3A, %mul3A_39 : i32
    "tpu.region"() ({
      %run_scoped3A = tpu.sem_alloc : memref<!tpu.dma_semaphore, #tpu.memory_space<semaphore_mem>>
      %dma_start3A_281 = arith.constant 0 : i32
      %dma_start3A_282 = tpu.memref_slice %arg3[%mul3A_40, %dma_start3A_281] : memref<8000x80xi32, #tpu.memory_space<hbm>> -> memref<125x80xi32, #tpu.memory_space<hbm>>
      %dma_start3A_283 = arith.constant 0 : i32
      %dma_start3A_284 = tpu.memref_slice %arg3[%mul3A_40, %dma_start3A_283] : memref<8000x80xi32, #tpu.memory_space<hbm>> -> memref<125x80xi32, #tpu.memory_space<hbm>>
      tpu.enqueue_dma source(%dma_start3A_284 : memref<125x80xi32, #tpu.memory_space<hbm>>) target(%arg5 : memref<125x80xi32, #tpu.memory_space<vmem>>) target_semaphore(%run_scoped3A : memref<!tpu.dma_semaphore, #tpu.memory_space<semaphore_mem>>)
      %dma_wait3A_285 = arith.constant 0 : i32
      %dma_wait3A_286 = tpu.memref_slice %arg3[%mul3A_40, %dma_wait3A_285] : memref<8000x80xi32, #tpu.memory_space<hbm>> -> memref<125x80xi32, #tpu.memory_space<hbm>>
      %dma_wait3A_287 = arith.constant 0 : i32
      %dma_wait3A_288 = tpu.memref_slice %arg3[%mul3A_40, %dma_wait3A_287] : memref<8000x80xi32, #tpu.memory_space<hbm>> -> memref<125x80xi32, #tpu.memory_space<hbm>>
      tpu.wait_dma2 semaphore(%run_scoped3A : memref<!tpu.dma_semaphore, #tpu.memory_space<semaphore_mem>>) src(%dma_wait3A_288 : memref<125x80xi32, #tpu.memory_space<hbm>>) dst(%arg5 : memref<125x80xi32, #tpu.memory_space<vmem>>)
      tpu.yield
    }) : () -> ()
    %mul3A_41 = arith.constant 125 : i32
    %mul3A_42 = arith.muli %add3A, %mul3A_41 : i32
    %add3A_43 = arith.constant 4000 : i32
    %add3A_44 = arith.addi %add3A_43, %mul3A_42 : i32
    "tpu.region"() ({
      %run_scoped3A = tpu.sem_alloc : memref<!tpu.dma_semaphore, #tpu.memory_space<semaphore_mem>>
      %dma_start3A_281 = arith.constant 0 : i32
      %dma_start3A_282 = tpu.memref_slice %arg3[%add3A_44, %dma_start3A_281] : memref<8000x80xi32, #tpu.memory_space<hbm>> -> memref<125x80xi32, #tpu.memory_space<hbm>>
      %dma_start3A_283 = arith.constant 0 : i32
      %dma_start3A_284 = tpu.memref_slice %arg3[%add3A_44, %dma_start3A_283] : memref<8000x80xi32, #tpu.memory_space<hbm>> -> memref<125x80xi32, #tpu.memory_space<hbm>>
      tpu.enqueue_dma source(%dma_start3A_284 : memref<125x80xi32, #tpu.memory_space<hbm>>) target(%arg6 : memref<125x80xi32, #tpu.memory_space<vmem>>) target_semaphore(%run_scoped3A : memref<!tpu.dma_semaphore, #tpu.memory_space<semaphore_mem>>)
      %dma_wait3A_285 = arith.constant 0 : i32
      %dma_wait3A_286 = tpu.memref_slice %arg3[%add3A_44, %dma_wait3A_285] : memref<8000x80xi32, #tpu.memory_space<hbm>> -> memref<125x80xi32, #tpu.memory_space<hbm>>
      %dma_wait3A_287 = arith.constant 0 : i32
      %dma_wait3A_288 = tpu.memref_slice %arg3[%add3A_44, %dma_wait3A_287] : memref<8000x80xi32, #tpu.memory_space<hbm>> -> memref<125x80xi32, #tpu.memory_space<hbm>>
      tpu.wait_dma2 semaphore(%run_scoped3A : memref<!tpu.dma_semaphore, #tpu.memory_space<semaphore_mem>>) src(%dma_wait3A_288 : memref<125x80xi32, #tpu.memory_space<hbm>>) dst(%arg6 : memref<125x80xi32, #tpu.memory_space<vmem>>)
      tpu.yield
    }) : () -> ()
    %broadcast_in_dim3A_45 = arith.constant 1.000000e+00 : f32
    %broadcast_in_dim3A_46 = vector.broadcast %broadcast_in_dim3A_45 : f32 to vector<16xf32>
    %dma_start3A = arith.constant 0 : i32
    %dma_start3A_47 = arith.constant 0 : i32
    %dma_start3A_48 = arith.constant 0 : i32
    %dma_start3A_49 = arith.constant 0 : i32
    %dma_start3A_50 = arith.constant 0 : i32
    %dma_start3A_51 = tpu.memref_slice %arg7[%dma_start3A_47, %dma_start3A_49, %dma_start3A_50] : memref<8x80x64xf32, #tpu.memory_space<vmem>> -> memref<1x80x64xf32, #tpu.memory_space<vmem>>
    %dma_start3A_52 = tpu.memref_squeeze %dma_start3A_51 : memref<1x80x64xf32, #tpu.memory_space<vmem>> -> memref<80x64xf32, #tpu.memory_space<vmem>>
    %dma_start3A_53 = arith.constant 0 : i32
    %dma_start3A_54 = tpu.memref_slice %arg5[%dma_start3A, %dma_start3A_53] : memref<125x80xi32, #tpu.memory_space<vmem>> -> memref<1x80xi32, #tpu.memory_space<vmem>>
    %dma_start3A_55 = tpu.memref_squeeze %dma_start3A_54 : memref<1x80xi32, #tpu.memory_space<vmem>> -> memref<80xi32, #tpu.memory_space<vmem>>
    %dma_start3A_56 = arith.constant 0 : i32
    %dma_start3A_57 = arith.constant 0 : i32
    %dma_start3A_58 = tpu.memref_slice %arg2[%dma_start3A_56, %dma_start3A_57] : memref<10000x64xf32, #tpu.memory_space<hbm>> -> memref<10000x64xf32, #tpu.memory_space<hbm>>
    %dma_start3A_59 = tpu.memref_slice %arg10[%dma_start3A_48] : memref<8x!tpu.dma_semaphore, #tpu.memory_space<semaphore_mem>> -> memref<1x!tpu.dma_semaphore, #tpu.memory_space<semaphore_mem>>
    %dma_start3A_60 = tpu.memref_squeeze %dma_start3A_59 : memref<1x!tpu.dma_semaphore, #tpu.memory_space<semaphore_mem>> -> memref<!tpu.dma_semaphore, #tpu.memory_space<semaphore_mem>>
    tpu.enqueue_indirect_dma source(%dma_start3A_58 : memref<10000x64xf32, #tpu.memory_space<hbm>>) target(%dma_start3A_52 : memref<80x64xf32, #tpu.memory_space<vmem>>) offsets(%dma_start3A_55 : memref<80xi32, #tpu.memory_space<vmem>>) semaphore(%dma_start3A_60 : memref<!tpu.dma_semaphore, #tpu.memory_space<semaphore_mem>>)
    %dma_start3A_61 = arith.constant 1 : i32
    %dma_start3A_62 = arith.constant 1 : i32
    %dma_start3A_63 = arith.constant 1 : i32
    %dma_start3A_64 = arith.constant 0 : i32
    %dma_start3A_65 = arith.constant 0 : i32
    %dma_start3A_66 = tpu.memref_slice %arg7[%dma_start3A_62, %dma_start3A_64, %dma_start3A_65] : memref<8x80x64xf32, #tpu.memory_space<vmem>> -> memref<1x80x64xf32, #tpu.memory_space<vmem>>
    %dma_start3A_67 = tpu.memref_squeeze %dma_start3A_66 : memref<1x80x64xf32, #tpu.memory_space<vmem>> -> memref<80x64xf32, #tpu.memory_space<vmem>>
    %dma_start3A_68 = arith.constant 0 : i32
    %dma_start3A_69 = tpu.memref_slice %arg5[%dma_start3A_61, %dma_start3A_68] : memref<125x80xi32, #tpu.memory_space<vmem>> -> memref<1x80xi32, #tpu.memory_space<vmem>>
    %dma_start3A_70 = tpu.memref_squeeze %dma_start3A_69 : memref<1x80xi32, #tpu.memory_space<vmem>> -> memref<80xi32, #tpu.memory_space<vmem>>
    %dma_start3A_71 = arith.constant 0 : i32
    %dma_start3A_72 = arith.constant 0 : i32
    %dma_start3A_73 = tpu.memref_slice %arg2[%dma_start3A_71, %dma_start3A_72] : memref<10000x64xf32, #tpu.memory_space<hbm>> -> memref<10000x64xf32, #tpu.memory_space<hbm>>
    %dma_start3A_74 = tpu.memref_slice %arg10[%dma_start3A_63] : memref<8x!tpu.dma_semaphore, #tpu.memory_space<semaphore_mem>> -> memref<1x!tpu.dma_semaphore, #tpu.memory_space<semaphore_mem>>
    %dma_start3A_75 = tpu.memref_squeeze %dma_start3A_74 : memref<1x!tpu.dma_semaphore, #tpu.memory_space<semaphore_mem>> -> memref<!tpu.dma_semaphore, #tpu.memory_space<semaphore_mem>>
    tpu.enqueue_indirect_dma source(%dma_start3A_73 : memref<10000x64xf32, #tpu.memory_space<hbm>>) target(%dma_start3A_67 : memref<80x64xf32, #tpu.memory_space<vmem>>) offsets(%dma_start3A_70 : memref<80xi32, #tpu.memory_space<vmem>>) semaphore(%dma_start3A_75 : memref<!tpu.dma_semaphore, #tpu.memory_space<semaphore_mem>>)
    %dma_start3A_76 = arith.constant 2 : i32
    %dma_start3A_77 = arith.constant 2 : i32
    %dma_start3A_78 = arith.constant 2 : i32
    %dma_start3A_79 = arith.constant 0 : i32
    %dma_start3A_80 = arith.constant 0 : i32
    %dma_start3A_81 = tpu.memref_slice %arg7[%dma_start3A_77, %dma_start3A_79, %dma_start3A_80] : memref<8x80x64xf32, #tpu.memory_space<vmem>> -> memref<1x80x64xf32, #tpu.memory_space<vmem>>
    %dma_start3A_82 = tpu.memref_squeeze %dma_start3A_81 : memref<1x80x64xf32, #tpu.memory_space<vmem>> -> memref<80x64xf32, #tpu.memory_space<vmem>>
    %dma_start3A_83 = arith.constant 0 : i32
    %dma_start3A_84 = tpu.memref_slice %arg5[%dma_start3A_76, %dma_start3A_83] : memref<125x80xi32, #tpu.memory_space<vmem>> -> memref<1x80xi32, #tpu.memory_space<vmem>>
    %dma_start3A_85 = tpu.memref_squeeze %dma_start3A_84 : memref<1x80xi32, #tpu.memory_space<vmem>> -> memref<80xi32, #tpu.memory_space<vmem>>
    %dma_start3A_86 = arith.constant 0 : i32
    %dma_start3A_87 = arith.constant 0 : i32
    %dma_start3A_88 = tpu.memref_slice %arg2[%dma_start3A_86, %dma_start3A_87] : memref<10000x64xf32, #tpu.memory_space<hbm>> -> memref<10000x64xf32, #tpu.memory_space<hbm>>
    %dma_start3A_89 = tpu.memref_slice %arg10[%dma_start3A_78] : memref<8x!tpu.dma_semaphore, #tpu.memory_space<semaphore_mem>> -> memref<1x!tpu.dma_semaphore, #tpu.memory_space<semaphore_mem>>
    %dma_start3A_90 = tpu.memref_squeeze %dma_start3A_89 : memref<1x!tpu.dma_semaphore, #tpu.memory_space<semaphore_mem>> -> memref<!tpu.dma_semaphore, #tpu.memory_space<semaphore_mem>>
    tpu.enqueue_indirect_dma source(%dma_start3A_88 : memref<10000x64xf32, #tpu.memory_space<hbm>>) target(%dma_start3A_82 : memref<80x64xf32, #tpu.memory_space<vmem>>) offsets(%dma_start3A_85 : memref<80xi32, #tpu.memory_space<vmem>>) semaphore(%dma_start3A_90 : memref<!tpu.dma_semaphore, #tpu.memory_space<semaphore_mem>>)
    %dma_start3A_91 = arith.constant 3 : i32
    %dma_start3A_92 = arith.constant 3 : i32
    %dma_start3A_93 = arith.constant 3 : i32
    %dma_start3A_94 = arith.constant 0 : i32
    %dma_start3A_95 = arith.constant 0 : i32
    %dma_start3A_96 = tpu.memref_slice %arg7[%dma_start3A_92, %dma_start3A_94, %dma_start3A_95] : memref<8x80x64xf32, #tpu.memory_space<vmem>> -> memref<1x80x64xf32, #tpu.memory_space<vmem>>
    %dma_start3A_97 = tpu.memref_squeeze %dma_start3A_96 : memref<1x80x64xf32, #tpu.memory_space<vmem>> -> memref<80x64xf32, #tpu.memory_space<vmem>>
    %dma_start3A_98 = arith.constant 0 : i32
    %dma_start3A_99 = tpu.memref_slice %arg5[%dma_start3A_91, %dma_start3A_98] : memref<125x80xi32, #tpu.memory_space<vmem>> -> memref<1x80xi32, #tpu.memory_space<vmem>>
    %dma_start3A_100 = tpu.memref_squeeze %dma_start3A_99 : memref<1x80xi32, #tpu.memory_space<vmem>> -> memref<80xi32, #tpu.memory_space<vmem>>
    %dma_start3A_101 = arith.constant 0 : i32
    %dma_start3A_102 = arith.constant 0 : i32
    %dma_start3A_103 = tpu.memref_slice %arg2[%dma_start3A_101, %dma_start3A_102] : memref<10000x64xf32, #tpu.memory_space<hbm>> -> memref<10000x64xf32, #tpu.memory_space<hbm>>
    %dma_start3A_104 = tpu.memref_slice %arg10[%dma_start3A_93] : memref<8x!tpu.dma_semaphore, #tpu.memory_space<semaphore_mem>> -> memref<1x!tpu.dma_semaphore, #tpu.memory_space<semaphore_mem>>
    %dma_start3A_105 = tpu.memref_squeeze %dma_start3A_104 : memref<1x!tpu.dma_semaphore, #tpu.memory_space<semaphore_mem>> -> memref<!tpu.dma_semaphore, #tpu.memory_space<semaphore_mem>>
    tpu.enqueue_indirect_dma source(%dma_start3A_103 : memref<10000x64xf32, #tpu.memory_space<hbm>>) target(%dma_start3A_97 : memref<80x64xf32, #tpu.memory_space<vmem>>) offsets(%dma_start3A_100 : memref<80xi32, #tpu.memory_space<vmem>>) semaphore(%dma_start3A_105 : memref<!tpu.dma_semaphore, #tpu.memory_space<semaphore_mem>>)
    %dma_start3A_106 = arith.constant 4 : i32
    %dma_start3A_107 = arith.constant 4 : i32
    %dma_start3A_108 = arith.constant 4 : i32
    %dma_start3A_109 = arith.constant 0 : i32
    %dma_start3A_110 = arith.constant 0 : i32
    %dma_start3A_111 = tpu.memref_slice %arg7[%dma_start3A_107, %dma_start3A_109, %dma_start3A_110] : memref<8x80x64xf32, #tpu.memory_space<vmem>> -> memref<1x80x64xf32, #tpu.memory_space<vmem>>
    %dma_start3A_112 = tpu.memref_squeeze %dma_start3A_111 : memref<1x80x64xf32, #tpu.memory_space<vmem>> -> memref<80x64xf32, #tpu.memory_space<vmem>>
    %dma_start3A_113 = arith.constant 0 : i32
    %dma_start3A_114 = tpu.memref_slice %arg5[%dma_start3A_106, %dma_start3A_113] : memref<125x80xi32, #tpu.memory_space<vmem>> -> memref<1x80xi32, #tpu.memory_space<vmem>>
    %dma_start3A_115 = tpu.memref_squeeze %dma_start3A_114 : memref<1x80xi32, #tpu.memory_space<vmem>> -> memref<80xi32, #tpu.memory_space<vmem>>
    %dma_start3A_116 = arith.constant 0 : i32
    %dma_start3A_117 = arith.constant 0 : i32
    %dma_start3A_118 = tpu.memref_slice %arg2[%dma_start3A_116, %dma_start3A_117] : memref<10000x64xf32, #tpu.memory_space<hbm>> -> memref<10000x64xf32, #tpu.memory_space<hbm>>
    %dma_start3A_119 = tpu.memref_slice %arg10[%dma_start3A_108] : memref<8x!tpu.dma_semaphore, #tpu.memory_space<semaphore_mem>> -> memref<1x!tpu.dma_semaphore, #tpu.memory_space<semaphore_mem>>
    %dma_start3A_120 = tpu.memref_squeeze %dma_start3A_119 : memref<1x!tpu.dma_semaphore, #tpu.memory_space<semaphore_mem>> -> memref<!tpu.dma_semaphore, #tpu.memory_space<semaphore_mem>>
    tpu.enqueue_indirect_dma source(%dma_start3A_118 : memref<10000x64xf32, #tpu.memory_space<hbm>>) target(%dma_start3A_112 : memref<80x64xf32, #tpu.memory_space<vmem>>) offsets(%dma_start3A_115 : memref<80xi32, #tpu.memory_space<vmem>>) semaphore(%dma_start3A_120 : memref<!tpu.dma_semaphore, #tpu.memory_space<semaphore_mem>>)
    %dma_start3A_121 = arith.constant 5 : i32
    %dma_start3A_122 = arith.constant 5 : i32
    %dma_start3A_123 = arith.constant 5 : i32
    %dma_start3A_124 = arith.constant 0 : i32
    %dma_start3A_125 = arith.constant 0 : i32
    %dma_start3A_126 = tpu.memref_slice %arg7[%dma_start3A_122, %dma_start3A_124, %dma_start3A_125] : memref<8x80x64xf32, #tpu.memory_space<vmem>> -> memref<1x80x64xf32, #tpu.memory_space<vmem>>
    %dma_start3A_127 = tpu.memref_squeeze %dma_start3A_126 : memref<1x80x64xf32, #tpu.memory_space<vmem>> -> memref<80x64xf32, #tpu.memory_space<vmem>>
    %dma_start3A_128 = arith.constant 0 : i32
    %dma_start3A_129 = tpu.memref_slice %arg5[%dma_start3A_121, %dma_start3A_128] : memref<125x80xi32, #tpu.memory_space<vmem>> -> memref<1x80xi32, #tpu.memory_space<vmem>>
    %dma_start3A_130 = tpu.memref_squeeze %dma_start3A_129 : memref<1x80xi32, #tpu.memory_space<vmem>> -> memref<80xi32, #tpu.memory_space<vmem>>
    %dma_start3A_131 = arith.constant 0 : i32
    %dma_start3A_132 = arith.constant 0 : i32
    %dma_start3A_133 = tpu.memref_slice %arg2[%dma_start3A_131, %dma_start3A_132] : memref<10000x64xf32, #tpu.memory_space<hbm>> -> memref<10000x64xf32, #tpu.memory_space<hbm>>
    %dma_start3A_134 = tpu.memref_slice %arg10[%dma_start3A_123] : memref<8x!tpu.dma_semaphore, #tpu.memory_space<semaphore_mem>> -> memref<1x!tpu.dma_semaphore, #tpu.memory_space<semaphore_mem>>
    %dma_start3A_135 = tpu.memref_squeeze %dma_start3A_134 : memref<1x!tpu.dma_semaphore, #tpu.memory_space<semaphore_mem>> -> memref<!tpu.dma_semaphore, #tpu.memory_space<semaphore_mem>>
    tpu.enqueue_indirect_dma source(%dma_start3A_133 : memref<10000x64xf32, #tpu.memory_space<hbm>>) target(%dma_start3A_127 : memref<80x64xf32, #tpu.memory_space<vmem>>) offsets(%dma_start3A_130 : memref<80xi32, #tpu.memory_space<vmem>>) semaphore(%dma_start3A_135 : memref<!tpu.dma_semaphore, #tpu.memory_space<semaphore_mem>>)
    %dma_start3A_136 = arith.constant 6 : i32
    %dma_start3A_137 = arith.constant 6 : i32
    %dma_start3A_138 = arith.constant 6 : i32
    %dma_start3A_139 = arith.constant 0 : i32
    %dma_start3A_140 = arith.constant 0 : i32
    %dma_start3A_141 = tpu.memref_slice %arg7[%dma_start3A_137, %dma_start3A_139, %dma_start3A_140] : memref<8x80x64xf32, #tpu.memory_space<vmem>> -> memref<1x80x64xf32, #tpu.memory_space<vmem>>
    %dma_start3A_142 = tpu.memref_squeeze %dma_start3A_141 : memref<1x80x64xf32, #tpu.memory_space<vmem>> -> memref<80x64xf32, #tpu.memory_space<vmem>>
    %dma_start3A_143 = arith.constant 0 : i32
    %dma_start3A_144 = tpu.memref_slice %arg5[%dma_start3A_136, %dma_start3A_143] : memref<125x80xi32, #tpu.memory_space<vmem>> -> memref<1x80xi32, #tpu.memory_space<vmem>>
    %dma_start3A_145 = tpu.memref_squeeze %dma_start3A_144 : memref<1x80xi32, #tpu.memory_space<vmem>> -> memref<80xi32, #tpu.memory_space<vmem>>
    %dma_start3A_146 = arith.constant 0 : i32
    %dma_start3A_147 = arith.constant 0 : i32
    %dma_start3A_148 = tpu.memref_slice %arg2[%dma_start3A_146, %dma_start3A_147] : memref<10000x64xf32, #tpu.memory_space<hbm>> -> memref<10000x64xf32, #tpu.memory_space<hbm>>
    %dma_start3A_149 = tpu.memref_slice %arg10[%dma_start3A_138] : memref<8x!tpu.dma_semaphore, #tpu.memory_space<semaphore_mem>> -> memref<1x!tpu.dma_semaphore, #tpu.memory_space<semaphore_mem>>
    %dma_start3A_150 = tpu.memref_squeeze %dma_start3A_149 : memref<1x!tpu.dma_semaphore, #tpu.memory_space<semaphore_mem>> -> memref<!tpu.dma_semaphore, #tpu.memory_space<semaphore_mem>>
    tpu.enqueue_indirect_dma source(%dma_start3A_148 : memref<10000x64xf32, #tpu.memory_space<hbm>>) target(%dma_start3A_142 : memref<80x64xf32, #tpu.memory_space<vmem>>) offsets(%dma_start3A_145 : memref<80xi32, #tpu.memory_space<vmem>>) semaphore(%dma_start3A_150 : memref<!tpu.dma_semaphore, #tpu.memory_space<semaphore_mem>>)
    %scan3A_151 = arith.constant 0 : i32
    %scan3A_152 = arith.constant 0 : i32
    %scan3A_153 = arith.constant 125 : i32
    %scan3A_154 = arith.addi %scan3A_152, %scan3A_153 : i32
    %scan3A_155 = arith.constant 1 : i32
    scf.for %scan3A_281 = %scan3A_152 to %scan3A_154 step %scan3A_155  : i32 {
      %rem3A = arith.constant 8 : i32
      %rem3A_282 = arith.remsi %scan3A_281, %rem3A : i32
      %add3A_283 = arith.constant 8 : i32
      %add3A_284 = arith.addi %scan3A_281, %add3A_283 : i32
      %sub3A = arith.constant 1 : i32
      %sub3A_285 = arith.subi %add3A_284, %sub3A : i32
      %rem3A_286 = arith.constant 8 : i32
      %rem3A_287 = arith.remsi %sub3A_285, %rem3A_286 : i32
      %add3A_288 = arith.constant 8 : i32
      %add3A_289 = arith.addi %scan3A_281, %add3A_288 : i32
      %sub3A_290 = arith.constant 1 : i32
      %sub3A_291 = arith.subi %add3A_289, %sub3A_290 : i32
      %ge3A = arith.constant 1 : i32
      %ge3A_292 = arith.cmpi sge, %scan3A_281, %ge3A : i32
      %lt3A = arith.constant 125 : i32
      %lt3A_293 = arith.cmpi slt, %sub3A_291, %lt3A : i32
      %and3A = arith.andi %ge3A_292, %lt3A_293 : i1
      %convert_element_type3A = arith.extui %and3A : i1 to i32
      %cond3A = arith.constant 0 : i32
      %cond3A_294 = arith.cmpi ne, %convert_element_type3A, %cond3A : i32
      scf.if %cond3A_294 {
        %sub3A_324 = arith.constant 1 : i32
        %sub3A_325 = arith.subi %scan3A_281, %sub3A_324 : i32
        %dma_wait3A_326 = arith.constant 0 : i32
        %dma_wait3A_327 = arith.constant 0 : i32
        %dma_wait3A_328 = tpu.memref_slice %arg7[%rem3A_287, %dma_wait3A_326, %dma_wait3A_327] : memref<8x80x64xf32, #tpu.memory_space<vmem>> -> memref<1x80x64xf32, #tpu.memory_space<vmem>>
        %dma_wait3A_329 = tpu.memref_squeeze %dma_wait3A_328 : memref<1x80x64xf32, #tpu.memory_space<vmem>> -> memref<80x64xf32, #tpu.memory_space<vmem>>
        %dma_wait3A_330 = arith.constant 0 : i32
        %dma_wait3A_331 = tpu.memref_slice %arg6[%sub3A_325, %dma_wait3A_330] : memref<125x80xi32, #tpu.memory_space<vmem>> -> memref<1x80xi32, #tpu.memory_space<vmem>>
        %dma_wait3A_332 = tpu.memref_squeeze %dma_wait3A_331 : memref<1x80xi32, #tpu.memory_space<vmem>> -> memref<80xi32, #tpu.memory_space<vmem>>
        %dma_wait3A_333 = arith.constant 0 : i32
        %dma_wait3A_334 = arith.constant 0 : i32
        %dma_wait3A_335 = tpu.memref_slice %arg9[%dma_wait3A_333, %dma_wait3A_334] : memref<10112x64xf32, #tpu.memory_space<vmem_shared>> -> memref<10112x64xf32, #tpu.memory_space<vmem_shared>>
        %dma_wait3A_336 = tpu.memref_slice %arg11[%rem3A_287] : memref<8x!tpu.dma_semaphore, #tpu.memory_space<semaphore_mem>> -> memref<1x!tpu.dma_semaphore, #tpu.memory_space<semaphore_mem>>
        %dma_wait3A_337 = tpu.memref_squeeze %dma_wait3A_336 : memref<1x!tpu.dma_semaphore, #tpu.memory_space<semaphore_mem>> -> memref<!tpu.dma_semaphore, #tpu.memory_space<semaphore_mem>>
        tpu.wait_indirect_dma semaphore(%dma_wait3A_337 : memref<!tpu.dma_semaphore, #tpu.memory_space<semaphore_mem>>) src(%dma_wait3A_329 : memref<80x64xf32, #tpu.memory_space<vmem>>) dst(%dma_wait3A_335 : memref<10112x64xf32, #tpu.memory_space<vmem_shared>>)
      } else {
      }
      %lt3A_295 = arith.constant 125 : i32
      %lt3A_296 = arith.cmpi slt, %sub3A_291, %lt3A_295 : i32
      %convert_element_type3A_297 = arith.extui %lt3A_296 : i1 to i32
      %cond3A_298 = arith.constant 0 : i32
      %cond3A_299 = arith.cmpi ne, %convert_element_type3A_297, %cond3A_298 : i32
      scf.if %cond3A_299 {
        %dma_start3A_324 = arith.constant 0 : i32
        %dma_start3A_325 = arith.constant 0 : i32
        %dma_start3A_326 = tpu.memref_slice %arg7[%rem3A_287, %dma_start3A_324, %dma_start3A_325] : memref<8x80x64xf32, #tpu.memory_space<vmem>> -> memref<1x80x64xf32, #tpu.memory_space<vmem>>
        %dma_start3A_327 = tpu.memref_squeeze %dma_start3A_326 : memref<1x80x64xf32, #tpu.memory_space<vmem>> -> memref<80x64xf32, #tpu.memory_space<vmem>>
        %dma_start3A_328 = arith.constant 0 : i32
        %dma_start3A_329 = tpu.memref_slice %arg5[%sub3A_291, %dma_start3A_328] : memref<125x80xi32, #tpu.memory_space<vmem>> -> memref<1x80xi32, #tpu.memory_space<vmem>>
        %dma_start3A_330 = tpu.memref_squeeze %dma_start3A_329 : memref<1x80xi32, #tpu.memory_space<vmem>> -> memref<80xi32, #tpu.memory_space<vmem>>
        %dma_start3A_331 = arith.constant 0 : i32
        %dma_start3A_332 = arith.constant 0 : i32
        %dma_start3A_333 = tpu.memref_slice %arg2[%dma_start3A_331, %dma_start3A_332] : memref<10000x64xf32, #tpu.memory_space<hbm>> -> memref<10000x64xf32, #tpu.memory_space<hbm>>
        %dma_start3A_334 = tpu.memref_slice %arg10[%rem3A_287] : memref<8x!tpu.dma_semaphore, #tpu.memory_space<semaphore_mem>> -> memref<1x!tpu.dma_semaphore, #tpu.memory_space<semaphore_mem>>
        %dma_start3A_335 = tpu.memref_squeeze %dma_start3A_334 : memref<1x!tpu.dma_semaphore, #tpu.memory_space<semaphore_mem>> -> memref<!tpu.dma_semaphore, #tpu.memory_space<semaphore_mem>>
        tpu.enqueue_indirect_dma source(%dma_start3A_333 : memref<10000x64xf32, #tpu.memory_space<hbm>>) target(%dma_start3A_327 : memref<80x64xf32, #tpu.memory_space<vmem>>) offsets(%dma_start3A_330 : memref<80xi32, #tpu.memory_space<vmem>>) semaphore(%dma_start3A_335 : memref<!tpu.dma_semaphore, #tpu.memory_space<semaphore_mem>>)
      } else {
      }
      %dma_wait3A_300 = arith.constant 0 : i32
      %dma_wait3A_301 = arith.constant 0 : i32
      %dma_wait3A_302 = tpu.memref_slice %arg7[%rem3A_282, %dma_wait3A_300, %dma_wait3A_301] : memref<8x80x64xf32, #tpu.memory_space<vmem>> -> memref<1x80x64xf32, #tpu.memory_space<vmem>>
      %dma_wait3A_303 = tpu.memref_squeeze %dma_wait3A_302 : memref<1x80x64xf32, #tpu.memory_space<vmem>> -> memref<80x64xf32, #tpu.memory_space<vmem>>
      %dma_wait3A_304 = arith.constant 0 : i32
      %dma_wait3A_305 = tpu.memref_slice %arg5[%scan3A_281, %dma_wait3A_304] : memref<125x80xi32, #tpu.memory_space<vmem>> -> memref<1x80xi32, #tpu.memory_space<vmem>>
      %dma_wait3A_306 = tpu.memref_squeeze %dma_wait3A_305 : memref<1x80xi32, #tpu.memory_space<vmem>> -> memref<80xi32, #tpu.memory_space<vmem>>
      %dma_wait3A_307 = arith.constant 0 : i32
      %dma_wait3A_308 = arith.constant 0 : i32
      %dma_wait3A_309 = tpu.memref_slice %arg2[%dma_wait3A_307, %dma_wait3A_308] : memref<10000x64xf32, #tpu.memory_space<hbm>> -> memref<10000x64xf32, #tpu.memory_space<hbm>>
      %dma_wait3A_310 = tpu.memref_slice %arg10[%rem3A_282] : memref<8x!tpu.dma_semaphore, #tpu.memory_space<semaphore_mem>> -> memref<1x!tpu.dma_semaphore, #tpu.memory_space<semaphore_mem>>
      %dma_wait3A_311 = tpu.memref_squeeze %dma_wait3A_310 : memref<1x!tpu.dma_semaphore, #tpu.memory_space<semaphore_mem>> -> memref<!tpu.dma_semaphore, #tpu.memory_space<semaphore_mem>>
      tpu.wait_indirect_dma semaphore(%dma_wait3A_311 : memref<!tpu.dma_semaphore, #tpu.memory_space<semaphore_mem>>) src(%dma_wait3A_309 : memref<10000x64xf32, #tpu.memory_space<hbm>>) dst(%dma_wait3A_303 : memref<80x64xf32, #tpu.memory_space<vmem>>)
      %dma_start3A_312 = arith.constant 0 : i32
      %dma_start3A_313 = arith.constant 0 : i32
      %dma_start3A_314 = tpu.memref_slice %arg7[%rem3A_282, %dma_start3A_312, %dma_start3A_313] : memref<8x80x64xf32, #tpu.memory_space<vmem>> -> memref<1x80x64xf32, #tpu.memory_space<vmem>>
      %dma_start3A_315 = tpu.memref_squeeze %dma_start3A_314 : memref<1x80x64xf32, #tpu.memory_space<vmem>> -> memref<80x64xf32, #tpu.memory_space<vmem>>
      %dma_start3A_316 = arith.constant 0 : i32
      %dma_start3A_317 = tpu.memref_slice %arg6[%scan3A_281, %dma_start3A_316] : memref<125x80xi32, #tpu.memory_space<vmem>> -> memref<1x80xi32, #tpu.memory_space<vmem>>
      %dma_start3A_318 = tpu.memref_squeeze %dma_start3A_317 : memref<1x80xi32, #tpu.memory_space<vmem>> -> memref<80xi32, #tpu.memory_space<vmem>>
      %dma_start3A_319 = arith.constant 0 : i32
      %dma_start3A_320 = arith.constant 0 : i32
      %dma_start3A_321 = tpu.memref_slice %arg9[%dma_start3A_319, %dma_start3A_320] : memref<10112x64xf32, #tpu.memory_space<vmem_shared>> -> memref<10112x64xf32, #tpu.memory_space<vmem_shared>>
      %dma_start3A_322 = tpu.memref_slice %arg11[%rem3A_282] : memref<8x!tpu.dma_semaphore, #tpu.memory_space<semaphore_mem>> -> memref<1x!tpu.dma_semaphore, #tpu.memory_space<semaphore_mem>>
      %dma_start3A_323 = tpu.memref_squeeze %dma_start3A_322 : memref<1x!tpu.dma_semaphore, #tpu.memory_space<semaphore_mem>> -> memref<!tpu.dma_semaphore, #tpu.memory_space<semaphore_mem>>
      tpu.enqueue_indirect_dma source(%dma_start3A_315 : memref<80x64xf32, #tpu.memory_space<vmem>>) target(%dma_start3A_321 : memref<10112x64xf32, #tpu.memory_space<vmem_shared>>) offsets(%dma_start3A_318 : memref<80xi32, #tpu.memory_space<vmem>>) semaphore(%dma_start3A_323 : memref<!tpu.dma_semaphore, #tpu.memory_space<semaphore_mem>>) {add = true}
    }
    %scan3A_156 = arith.constant 125 : i32
    %dma_wait3A = arith.constant 5 : i32
    %dma_wait3A_157 = arith.constant 117 : i32
    %dma_wait3A_158 = arith.constant 5 : i32
    %dma_wait3A_159 = arith.constant 0 : i32
    %dma_wait3A_160 = arith.constant 0 : i32
    %dma_wait3A_161 = tpu.memref_slice %arg7[%dma_wait3A, %dma_wait3A_159, %dma_wait3A_160] : memref<8x80x64xf32, #tpu.memory_space<vmem>> -> memref<1x80x64xf32, #tpu.memory_space<vmem>>
    %dma_wait3A_162 = tpu.memref_squeeze %dma_wait3A_161 : memref<1x80x64xf32, #tpu.memory_space<vmem>> -> memref<80x64xf32, #tpu.memory_space<vmem>>
    %dma_wait3A_163 = arith.constant 0 : i32
    %dma_wait3A_164 = tpu.memref_slice %arg6[%dma_wait3A_157, %dma_wait3A_163] : memref<125x80xi32, #tpu.memory_space<vmem>> -> memref<1x80xi32, #tpu.memory_space<vmem>>
    %dma_wait3A_165 = tpu.memref_squeeze %dma_wait3A_164 : memref<1x80xi32, #tpu.memory_space<vmem>> -> memref<80xi32, #tpu.memory_space<vmem>>
    %dma_wait3A_166 = arith.constant 0 : i32
    %dma_wait3A_167 = arith.constant 0 : i32
    %dma_wait3A_168 = tpu.memref_slice %arg9[%dma_wait3A_166, %dma_wait3A_167] : memref<10112x64xf32, #tpu.memory_space<vmem_shared>> -> memref<10112x64xf32, #tpu.memory_space<vmem_shared>>
    %dma_wait3A_169 = tpu.memref_slice %arg11[%dma_wait3A_158] : memref<8x!tpu.dma_semaphore, #tpu.memory_space<semaphore_mem>> -> memref<1x!tpu.dma_semaphore, #tpu.memory_space<semaphore_mem>>
    %dma_wait3A_170 = tpu.memref_squeeze %dma_wait3A_169 : memref<1x!tpu.dma_semaphore, #tpu.memory_space<semaphore_mem>> -> memref<!tpu.dma_semaphore, #tpu.memory_space<semaphore_mem>>
    tpu.wait_indirect_dma semaphore(%dma_wait3A_170 : memref<!tpu.dma_semaphore, #tpu.memory_space<semaphore_mem>>) src(%dma_wait3A_162 : memref<80x64xf32, #tpu.memory_space<vmem>>) dst(%dma_wait3A_168 : memref<10112x64xf32, #tpu.memory_space<vmem_shared>>)
    %dma_wait3A_171 = arith.constant 6 : i32
    %dma_wait3A_172 = arith.constant 118 : i32
    %dma_wait3A_173 = arith.constant 6 : i32
    %dma_wait3A_174 = arith.constant 0 : i32
    %dma_wait3A_175 = arith.constant 0 : i32
    %dma_wait3A_176 = tpu.memref_slice %arg7[%dma_wait3A_171, %dma_wait3A_174, %dma_wait3A_175] : memref<8x80x64xf32, #tpu.memory_space<vmem>> -> memref<1x80x64xf32, #tpu.memory_space<vmem>>
    %dma_wait3A_177 = tpu.memref_squeeze %dma_wait3A_176 : memref<1x80x64xf32, #tpu.memory_space<vmem>> -> memref<80x64xf32, #tpu.memory_space<vmem>>
    %dma_wait3A_178 = arith.constant 0 : i32
    %dma_wait3A_179 = tpu.memref_slice %arg6[%dma_wait3A_172, %dma_wait3A_178] : memref<125x80xi32, #tpu.memory_space<vmem>> -> memref<1x80xi32, #tpu.memory_space<vmem>>
    %dma_wait3A_180 = tpu.memref_squeeze %dma_wait3A_179 : memref<1x80xi32, #tpu.memory_space<vmem>> -> memref<80xi32, #tpu.memory_space<vmem>>
    %dma_wait3A_181 = arith.constant 0 : i32
    %dma_wait3A_182 = arith.constant 0 : i32
    %dma_wait3A_183 = tpu.memref_slice %arg9[%dma_wait3A_181, %dma_wait3A_182] : memref<10112x64xf32, #tpu.memory_space<vmem_shared>> -> memref<10112x64xf32, #tpu.memory_space<vmem_shared>>
    %dma_wait3A_184 = tpu.memref_slice %arg11[%dma_wait3A_173] : memref<8x!tpu.dma_semaphore, #tpu.memory_space<semaphore_mem>> -> memref<1x!tpu.dma_semaphore, #tpu.memory_space<semaphore_mem>>
    %dma_wait3A_185 = tpu.memref_squeeze %dma_wait3A_184 : memref<1x!tpu.dma_semaphore, #tpu.memory_space<semaphore_mem>> -> memref<!tpu.dma_semaphore, #tpu.memory_space<semaphore_mem>>
    tpu.wait_indirect_dma semaphore(%dma_wait3A_185 : memref<!tpu.dma_semaphore, #tpu.memory_space<semaphore_mem>>) src(%dma_wait3A_177 : memref<80x64xf32, #tpu.memory_space<vmem>>) dst(%dma_wait3A_183 : memref<10112x64xf32, #tpu.memory_space<vmem_shared>>)
    %dma_wait3A_186 = arith.constant 7 : i32
    %dma_wait3A_187 = arith.constant 119 : i32
    %dma_wait3A_188 = arith.constant 7 : i32
    %dma_wait3A_189 = arith.constant 0 : i32
    %dma_wait3A_190 = arith.constant 0 : i32
    %dma_wait3A_191 = tpu.memref_slice %arg7[%dma_wait3A_186, %dma_wait3A_189, %dma_wait3A_190] : memref<8x80x64xf32, #tpu.memory_space<vmem>> -> memref<1x80x64xf32, #tpu.memory_space<vmem>>
    %dma_wait3A_192 = tpu.memref_squeeze %dma_wait3A_191 : memref<1x80x64xf32, #tpu.memory_space<vmem>> -> memref<80x64xf32, #tpu.memory_space<vmem>>
    %dma_wait3A_193 = arith.constant 0 : i32
    %dma_wait3A_194 = tpu.memref_slice %arg6[%dma_wait3A_187, %dma_wait3A_193] : memref<125x80xi32, #tpu.memory_space<vmem>> -> memref<1x80xi32, #tpu.memory_space<vmem>>
    %dma_wait3A_195 = tpu.memref_squeeze %dma_wait3A_194 : memref<1x80xi32, #tpu.memory_space<vmem>> -> memref<80xi32, #tpu.memory_space<vmem>>
    %dma_wait3A_196 = arith.constant 0 : i32
    %dma_wait3A_197 = arith.constant 0 : i32
    %dma_wait3A_198 = tpu.memref_slice %arg9[%dma_wait3A_196, %dma_wait3A_197] : memref<10112x64xf32, #tpu.memory_space<vmem_shared>> -> memref<10112x64xf32, #tpu.memory_space<vmem_shared>>
    %dma_wait3A_199 = tpu.memref_slice %arg11[%dma_wait3A_188] : memref<8x!tpu.dma_semaphore, #tpu.memory_space<semaphore_mem>> -> memref<1x!tpu.dma_semaphore, #tpu.memory_space<semaphore_mem>>
    %dma_wait3A_200 = tpu.memref_squeeze %dma_wait3A_199 : memref<1x!tpu.dma_semaphore, #tpu.memory_space<semaphore_mem>> -> memref<!tpu.dma_semaphore, #tpu.memory_space<semaphore_mem>>
    tpu.wait_indirect_dma semaphore(%dma_wait3A_200 : memref<!tpu.dma_semaphore, #tpu.memory_space<semaphore_mem>>) src(%dma_wait3A_192 : memref<80x64xf32, #tpu.memory_space<vmem>>) dst(%dma_wait3A_198 : memref<10112x64xf32, #tpu.memory_space<vmem_shared>>)
    %dma_wait3A_201 = arith.constant 0 : i32
    %dma_wait3A_202 = arith.constant 120 : i32
    %dma_wait3A_203 = arith.constant 0 : i32
    %dma_wait3A_204 = arith.constant 0 : i32
    %dma_wait3A_205 = arith.constant 0 : i32
    %dma_wait3A_206 = tpu.memref_slice %arg7[%dma_wait3A_201, %dma_wait3A_204, %dma_wait3A_205] : memref<8x80x64xf32, #tpu.memory_space<vmem>> -> memref<1x80x64xf32, #tpu.memory_space<vmem>>
    %dma_wait3A_207 = tpu.memref_squeeze %dma_wait3A_206 : memref<1x80x64xf32, #tpu.memory_space<vmem>> -> memref<80x64xf32, #tpu.memory_space<vmem>>
    %dma_wait3A_208 = arith.constant 0 : i32
    %dma_wait3A_209 = tpu.memref_slice %arg6[%dma_wait3A_202, %dma_wait3A_208] : memref<125x80xi32, #tpu.memory_space<vmem>> -> memref<1x80xi32, #tpu.memory_space<vmem>>
    %dma_wait3A_210 = tpu.memref_squeeze %dma_wait3A_209 : memref<1x80xi32, #tpu.memory_space<vmem>> -> memref<80xi32, #tpu.memory_space<vmem>>
    %dma_wait3A_211 = arith.constant 0 : i32
    %dma_wait3A_212 = arith.constant 0 : i32
    %dma_wait3A_213 = tpu.memref_slice %arg9[%dma_wait3A_211, %dma_wait3A_212] : memref<10112x64xf32, #tpu.memory_space<vmem_shared>> -> memref<10112x64xf32, #tpu.memory_space<vmem_shared>>
    %dma_wait3A_214 = tpu.memref_slice %arg11[%dma_wait3A_203] : memref<8x!tpu.dma_semaphore, #tpu.memory_space<semaphore_mem>> -> memref<1x!tpu.dma_semaphore, #tpu.memory_space<semaphore_mem>>
    %dma_wait3A_215 = tpu.memref_squeeze %dma_wait3A_214 : memref<1x!tpu.dma_semaphore, #tpu.memory_space<semaphore_mem>> -> memref<!tpu.dma_semaphore, #tpu.memory_space<semaphore_mem>>
    tpu.wait_indirect_dma semaphore(%dma_wait3A_215 : memref<!tpu.dma_semaphore, #tpu.memory_space<semaphore_mem>>) src(%dma_wait3A_207 : memref<80x64xf32, #tpu.memory_space<vmem>>) dst(%dma_wait3A_213 : memref<10112x64xf32, #tpu.memory_space<vmem_shared>>)
    %dma_wait3A_216 = arith.constant 1 : i32
    %dma_wait3A_217 = arith.constant 121 : i32
    %dma_wait3A_218 = arith.constant 1 : i32
    %dma_wait3A_219 = arith.constant 0 : i32
    %dma_wait3A_220 = arith.constant 0 : i32
    %dma_wait3A_221 = tpu.memref_slice %arg7[%dma_wait3A_216, %dma_wait3A_219, %dma_wait3A_220] : memref<8x80x64xf32, #tpu.memory_space<vmem>> -> memref<1x80x64xf32, #tpu.memory_space<vmem>>
    %dma_wait3A_222 = tpu.memref_squeeze %dma_wait3A_221 : memref<1x80x64xf32, #tpu.memory_space<vmem>> -> memref<80x64xf32, #tpu.memory_space<vmem>>
    %dma_wait3A_223 = arith.constant 0 : i32
    %dma_wait3A_224 = tpu.memref_slice %arg6[%dma_wait3A_217, %dma_wait3A_223] : memref<125x80xi32, #tpu.memory_space<vmem>> -> memref<1x80xi32, #tpu.memory_space<vmem>>
    %dma_wait3A_225 = tpu.memref_squeeze %dma_wait3A_224 : memref<1x80xi32, #tpu.memory_space<vmem>> -> memref<80xi32, #tpu.memory_space<vmem>>
    %dma_wait3A_226 = arith.constant 0 : i32
    %dma_wait3A_227 = arith.constant 0 : i32
    %dma_wait3A_228 = tpu.memref_slice %arg9[%dma_wait3A_226, %dma_wait3A_227] : memref<10112x64xf32, #tpu.memory_space<vmem_shared>> -> memref<10112x64xf32, #tpu.memory_space<vmem_shared>>
    %dma_wait3A_229 = tpu.memref_slice %arg11[%dma_wait3A_218] : memref<8x!tpu.dma_semaphore, #tpu.memory_space<semaphore_mem>> -> memref<1x!tpu.dma_semaphore, #tpu.memory_space<semaphore_mem>>
    %dma_wait3A_230 = tpu.memref_squeeze %dma_wait3A_229 : memref<1x!tpu.dma_semaphore, #tpu.memory_space<semaphore_mem>> -> memref<!tpu.dma_semaphore, #tpu.memory_space<semaphore_mem>>
    tpu.wait_indirect_dma semaphore(%dma_wait3A_230 : memref<!tpu.dma_semaphore, #tpu.memory_space<semaphore_mem>>) src(%dma_wait3A_222 : memref<80x64xf32, #tpu.memory_space<vmem>>) dst(%dma_wait3A_228 : memref<10112x64xf32, #tpu.memory_space<vmem_shared>>)
    %dma_wait3A_231 = arith.constant 2 : i32
    %dma_wait3A_232 = arith.constant 122 : i32
    %dma_wait3A_233 = arith.constant 2 : i32
    %dma_wait3A_234 = arith.constant 0 : i32
    %dma_wait3A_235 = arith.constant 0 : i32
    %dma_wait3A_236 = tpu.memref_slice %arg7[%dma_wait3A_231, %dma_wait3A_234, %dma_wait3A_235] : memref<8x80x64xf32, #tpu.memory_space<vmem>> -> memref<1x80x64xf32, #tpu.memory_space<vmem>>
    %dma_wait3A_237 = tpu.memref_squeeze %dma_wait3A_236 : memref<1x80x64xf32, #tpu.memory_space<vmem>> -> memref<80x64xf32, #tpu.memory_space<vmem>>
    %dma_wait3A_238 = arith.constant 0 : i32
    %dma_wait3A_239 = tpu.memref_slice %arg6[%dma_wait3A_232, %dma_wait3A_238] : memref<125x80xi32, #tpu.memory_space<vmem>> -> memref<1x80xi32, #tpu.memory_space<vmem>>
    %dma_wait3A_240 = tpu.memref_squeeze %dma_wait3A_239 : memref<1x80xi32, #tpu.memory_space<vmem>> -> memref<80xi32, #tpu.memory_space<vmem>>
    %dma_wait3A_241 = arith.constant 0 : i32
    %dma_wait3A_242 = arith.constant 0 : i32
    %dma_wait3A_243 = tpu.memref_slice %arg9[%dma_wait3A_241, %dma_wait3A_242] : memref<10112x64xf32, #tpu.memory_space<vmem_shared>> -> memref<10112x64xf32, #tpu.memory_space<vmem_shared>>
    %dma_wait3A_244 = tpu.memref_slice %arg11[%dma_wait3A_233] : memref<8x!tpu.dma_semaphore, #tpu.memory_space<semaphore_mem>> -> memref<1x!tpu.dma_semaphore, #tpu.memory_space<semaphore_mem>>
    %dma_wait3A_245 = tpu.memref_squeeze %dma_wait3A_244 : memref<1x!tpu.dma_semaphore, #tpu.memory_space<semaphore_mem>> -> memref<!tpu.dma_semaphore, #tpu.memory_space<semaphore_mem>>
    tpu.wait_indirect_dma semaphore(%dma_wait3A_245 : memref<!tpu.dma_semaphore, #tpu.memory_space<semaphore_mem>>) src(%dma_wait3A_237 : memref<80x64xf32, #tpu.memory_space<vmem>>) dst(%dma_wait3A_243 : memref<10112x64xf32, #tpu.memory_space<vmem_shared>>)
    %dma_wait3A_246 = arith.constant 3 : i32
    %dma_wait3A_247 = arith.constant 123 : i32
    %dma_wait3A_248 = arith.constant 3 : i32
    %dma_wait3A_249 = arith.constant 0 : i32
    %dma_wait3A_250 = arith.constant 0 : i32
    %dma_wait3A_251 = tpu.memref_slice %arg7[%dma_wait3A_246, %dma_wait3A_249, %dma_wait3A_250] : memref<8x80x64xf32, #tpu.memory_space<vmem>> -> memref<1x80x64xf32, #tpu.memory_space<vmem>>
    %dma_wait3A_252 = tpu.memref_squeeze %dma_wait3A_251 : memref<1x80x64xf32, #tpu.memory_space<vmem>> -> memref<80x64xf32, #tpu.memory_space<vmem>>
    %dma_wait3A_253 = arith.constant 0 : i32
    %dma_wait3A_254 = tpu.memref_slice %arg6[%dma_wait3A_247, %dma_wait3A_253] : memref<125x80xi32, #tpu.memory_space<vmem>> -> memref<1x80xi32, #tpu.memory_space<vmem>>
    %dma_wait3A_255 = tpu.memref_squeeze %dma_wait3A_254 : memref<1x80xi32, #tpu.memory_space<vmem>> -> memref<80xi32, #tpu.memory_space<vmem>>
    %dma_wait3A_256 = arith.constant 0 : i32
    %dma_wait3A_257 = arith.constant 0 : i32
    %dma_wait3A_258 = tpu.memref_slice %arg9[%dma_wait3A_256, %dma_wait3A_257] : memref<10112x64xf32, #tpu.memory_space<vmem_shared>> -> memref<10112x64xf32, #tpu.memory_space<vmem_shared>>
    %dma_wait3A_259 = tpu.memref_slice %arg11[%dma_wait3A_248] : memref<8x!tpu.dma_semaphore, #tpu.memory_space<semaphore_mem>> -> memref<1x!tpu.dma_semaphore, #tpu.memory_space<semaphore_mem>>
    %dma_wait3A_260 = tpu.memref_squeeze %dma_wait3A_259 : memref<1x!tpu.dma_semaphore, #tpu.memory_space<semaphore_mem>> -> memref<!tpu.dma_semaphore, #tpu.memory_space<semaphore_mem>>
    tpu.wait_indirect_dma semaphore(%dma_wait3A_260 : memref<!tpu.dma_semaphore, #tpu.memory_space<semaphore_mem>>) src(%dma_wait3A_252 : memref<80x64xf32, #tpu.memory_space<vmem>>) dst(%dma_wait3A_258 : memref<10112x64xf32, #tpu.memory_space<vmem_shared>>)
    %dma_wait3A_261 = arith.constant 4 : i32
    %dma_wait3A_262 = arith.constant 124 : i32
    %dma_wait3A_263 = arith.constant 4 : i32
    %dma_wait3A_264 = arith.constant 0 : i32
    %dma_wait3A_265 = arith.constant 0 : i32
    %dma_wait3A_266 = tpu.memref_slice %arg7[%dma_wait3A_261, %dma_wait3A_264, %dma_wait3A_265] : memref<8x80x64xf32, #tpu.memory_space<vmem>> -> memref<1x80x64xf32, #tpu.memory_space<vmem>>
    %dma_wait3A_267 = tpu.memref_squeeze %dma_wait3A_266 : memref<1x80x64xf32, #tpu.memory_space<vmem>> -> memref<80x64xf32, #tpu.memory_space<vmem>>
    %dma_wait3A_268 = arith.constant 0 : i32
    %dma_wait3A_269 = tpu.memref_slice %arg6[%dma_wait3A_262, %dma_wait3A_268] : memref<125x80xi32, #tpu.memory_space<vmem>> -> memref<1x80xi32, #tpu.memory_space<vmem>>
    %dma_wait3A_270 = tpu.memref_squeeze %dma_wait3A_269 : memref<1x80xi32, #tpu.memory_space<vmem>> -> memref<80xi32, #tpu.memory_space<vmem>>
    %dma_wait3A_271 = arith.constant 0 : i32
    %dma_wait3A_272 = arith.constant 0 : i32
    %dma_wait3A_273 = tpu.memref_slice %arg9[%dma_wait3A_271, %dma_wait3A_272] : memref<10112x64xf32, #tpu.memory_space<vmem_shared>> -> memref<10112x64xf32, #tpu.memory_space<vmem_shared>>
    %dma_wait3A_274 = tpu.memref_slice %arg11[%dma_wait3A_263] : memref<8x!tpu.dma_semaphore, #tpu.memory_space<semaphore_mem>> -> memref<1x!tpu.dma_semaphore, #tpu.memory_space<semaphore_mem>>
    %dma_wait3A_275 = tpu.memref_squeeze %dma_wait3A_274 : memref<1x!tpu.dma_semaphore, #tpu.memory_space<semaphore_mem>> -> memref<!tpu.dma_semaphore, #tpu.memory_space<semaphore_mem>>
    tpu.wait_indirect_dma semaphore(%dma_wait3A_275 : memref<!tpu.dma_semaphore, #tpu.memory_space<semaphore_mem>>) src(%dma_wait3A_267 : memref<80x64xf32, #tpu.memory_space<vmem>>) dst(%dma_wait3A_273 : memref<10112x64xf32, #tpu.memory_space<vmem_shared>>)
    %barrier3A_276 = arith.constant 0 : index
    tpu.barrier barrier_id(%barrier3A_276)
    %mul3A_277 = arith.constant 632 : i32
    %mul3A_278 = arith.muli %arg1, %mul3A_277 : i32
    %mul3A_279 = arith.constant 632 : i32
    %mul3A_280 = arith.muli %arg1, %mul3A_279 : i32
    "tpu.region"() ({
      %run_scoped3A = tpu.sem_alloc : memref<!tpu.dma_semaphore, #tpu.memory_space<semaphore_mem>>
      %dma_start3A_281 = arith.constant 0 : i32
      %dma_start3A_282 = tpu.memref_slice %arg4[%arg0, %mul3A_280, %dma_start3A_281] : memref<2x10112x64xf32, #tpu.memory_space<hbm>> -> memref<1x632x64xf32, #tpu.memory_space<hbm>>
      %dma_start3A_283 = tpu.memref_squeeze %dma_start3A_282 : memref<1x632x64xf32, #tpu.memory_space<hbm>> -> memref<632x64xf32, #tpu.memory_space<hbm>>
      %dma_start3A_284 = arith.constant 0 : i32
      %dma_start3A_285 = tpu.memref_slice %arg9[%mul3A_278, %dma_start3A_284] : memref<10112x64xf32, #tpu.memory_space<vmem_shared>> -> memref<632x64xf32, #tpu.memory_space<vmem_shared>>
      tpu.enqueue_dma source(%dma_start3A_285 : memref<632x64xf32, #tpu.memory_space<vmem_shared>>) target(%dma_start3A_283 : memref<632x64xf32, #tpu.memory_space<hbm>>) target_semaphore(%run_scoped3A : memref<!tpu.dma_semaphore, #tpu.memory_space<semaphore_mem>>)
      %dma_wait3A_286 = arith.constant 0 : i32
      %dma_wait3A_287 = tpu.memref_slice %arg4[%arg0, %mul3A_280, %dma_wait3A_286] : memref<2x10112x64xf32, #tpu.memory_space<hbm>> -> memref<1x632x64xf32, #tpu.memory_space<hbm>>
      %dma_wait3A_288 = tpu.memref_squeeze %dma_wait3A_287 : memref<1x632x64xf32, #tpu.memory_space<hbm>> -> memref<632x64xf32, #tpu.memory_space<hbm>>
      %dma_wait3A_289 = arith.constant 0 : i32
      %dma_wait3A_290 = tpu.memref_slice %arg9[%mul3A_278, %dma_wait3A_289] : memref<10112x64xf32, #tpu.memory_space<vmem_shared>> -> memref<632x64xf32, #tpu.memory_space<vmem_shared>>
      tpu.wait_dma2 semaphore(%run_scoped3A : memref<!tpu.dma_semaphore, #tpu.memory_space<semaphore_mem>>) src(%dma_wait3A_290 : memref<632x64xf32, #tpu.memory_space<vmem_shared>>) dst(%dma_wait3A_288 : memref<632x64xf32, #tpu.memory_space<hbm>>)
      tpu.yield
    }) : () -> ()
    return
  }
}

module attributes {stable_mosaic.version = 14 : i64} {
  func.func @_ka1_body(%arg0: i32, %arg1: memref<2560x128xf32, #tpu.memory_space<vmem>>, %arg2: memref<10x2560xf32, #tpu.memory_space<vmem>>, %arg3: memref<128x64xf32, #tpu.memory_space<vmem>>, %arg4: memref<10x64xf32, #tpu.memory_space<vmem>>, %arg5: memref<2560x64xf32, #tpu.memory_space<vmem>>) attributes {dimension_semantics = [#tpu.dimension_semantics<arbitrary>], iteration_bounds = array<i64: 4>, scalar_prefetch = 0 : i64, scratch_operands = 0 : i64, tpu.core_type = #tpu.core_type<tc>, window_params = [{transform_indices = @transform_0, window_bounds = array<i64: 2560, 128>}, {transform_indices = @transform_1, window_bounds = array<i64: 10, 2560>}, {pipeline_mode = #tpu.pipeline_mode<synchronous>, transform_indices = @transform_2, window_bounds = array<i64: 128, 64>}, {pipeline_mode = #tpu.pipeline_mode<synchronous>, transform_indices = @transform_3, window_bounds = array<i64: 10, 64>}, {transform_indices = @transform_4, window_bounds = array<i64: 2560, 64>}]} {
    %get3A = arith.constant 0 : index
    %get3A_0 = arith.constant 0 : index
    %get3A_1 = vector.load %arg1[%get3A, %get3A_0] : memref<2560x128xf32, #tpu.memory_space<vmem>>, vector<2560x128xf32>
    %get3A_2 = arith.constant 0 : index
    %get3A_3 = arith.constant 0 : index
    %get3A_4 = vector.load %arg3[%get3A_2, %get3A_3] : memref<128x64xf32, #tpu.memory_space<vmem>>, vector<128x64xf32>
    %dot_general3A = arith.constant dense<0.000000e+00> : vector<2560x64xf32>
    %dot_general3A_5 = tpu.matmul %get3A_1, %get3A_4, %dot_general3A {dimension_numbers = #tpu.dot_dimension_numbers<[1], [0], [0], [1], [0, 0, 1, 1], [], []>, transpose_lhs_hint = false} : vector<2560x128xf32>, vector<128x64xf32>, vector<2560x64xf32> -> vector<2560x64xf32>
    %get3A_6 = arith.constant 0 : index
    %get3A_7 = arith.constant 0 : index
    %get3A_8 = vector.load %arg2[%get3A_6, %get3A_7] : memref<10x2560xf32, #tpu.memory_space<vmem>>, vector<10x2560xf32>
    %get3A_9 = arith.constant 0 : index
    %get3A_10 = arith.constant 0 : index
    %get3A_11 = vector.load %arg4[%get3A_9, %get3A_10] : memref<10x64xf32, #tpu.memory_space<vmem>>, vector<10x64xf32>
    %dot_general3A_12 = arith.constant dense<0.000000e+00> : vector<2560x64xf32>
    %dot_general3A_13 = tpu.matmul %get3A_8, %get3A_11, %dot_general3A_12 {dimension_numbers = #tpu.dot_dimension_numbers<[0], [0], [1], [1], [0, 1, 1, 1], [], []>, transpose_lhs_hint = false} : vector<10x2560xf32>, vector<10x64xf32>, vector<2560x64xf32> -> vector<2560x64xf32>
    %add3A = arith.addf %dot_general3A_5, %dot_general3A_13 : vector<2560x64xf32>
    %swap3A = arith.constant 0 : index
    %swap3A_14 = arith.constant 0 : index
    %swap3A_15 = vector.load %arg5[%swap3A, %swap3A_14] : memref<2560x64xf32, #tpu.memory_space<vmem>>, vector<2560x64xf32>
    tpu.vector_store %arg5[%swap3A, %swap3A_14], %add3A {strides = array<i32>} : memref<2560x64xf32, #tpu.memory_space<vmem>>, vector<2560x64xf32>,
    return
  }
  func.func @transform_0(%arg0: i32) -> (i32, i32) {
    %c0_i32 = arith.constant 0 : i32
    %c0_i32_0 = arith.constant 0 : i32
    return %arg0, %c0_i32 : i32, i32
  }
  func.func @transform_1(%arg0: i32) -> (i32, i32) {
    %c0_i32 = arith.constant 0 : i32
    %c0_i32_0 = arith.constant 0 : i32
    return %c0_i32, %arg0 : i32, i32
  }
  func.func @transform_2(%arg0: i32) -> (i32, i32) {
    %c0_i32 = arith.constant 0 : i32
    %c0_i32_0 = arith.constant 0 : i32
    %c0_i32_1 = arith.constant 0 : i32
    return %c0_i32, %c0_i32_0 : i32, i32
  }
  func.func @transform_3(%arg0: i32) -> (i32, i32) {
    %c0_i32 = arith.constant 0 : i32
    %c0_i32_0 = arith.constant 0 : i32
    %c0_i32_1 = arith.constant 0 : i32
    return %c0_i32, %c0_i32_0 : i32, i32
  }
  func.func @transform_4(%arg0: i32) -> (i32, i32) {
    %c0_i32 = arith.constant 0 : i32
    %c0_i32_0 = arith.constant 0 : i32
    return %arg0, %c0_i32 : i32, i32
  }
}

module attributes {stable_mosaic.version = 14 : i64} {
  func.func @_ka2_body(%arg0: i32, %arg1: memref<2560x1xf32, #tpu.memory_space<vmem>>, %arg2: memref<2560x128xf32, #tpu.memory_space<vmem>>, %arg3: memref<10x2560xf32, #tpu.memory_space<vmem>>, %arg4: memref<1x32xf32, #tpu.memory_space<vmem>>, %arg5: memref<64x128xf32, #tpu.memory_space<vmem>>, %arg6: memref<1x128xf32, #tpu.memory_space<vmem>>, %arg7: memref<128x64xf32, #tpu.memory_space<vmem>>, %arg8: memref<1x64xf32, #tpu.memory_space<vmem>>, %arg9: memref<128x64xf32, #tpu.memory_space<vmem>>, %arg10: memref<10x64xf32, #tpu.memory_space<vmem>>, %arg11: memref<2560x64xf32, #tpu.memory_space<vmem>>, %arg12: memref<2560x64xf32, #tpu.memory_space<vmem>>) attributes {dimension_semantics = [#tpu.dimension_semantics<arbitrary>], iteration_bounds = array<i64: 4>, scalar_prefetch = 0 : i64, scratch_operands = 0 : i64, tpu.core_type = #tpu.core_type<tc>, window_params = [{transform_indices = @transform_0, window_bounds = array<i64: 2560, 1>}, {transform_indices = @transform_1, window_bounds = array<i64: 2560, 128>}, {transform_indices = @transform_2, window_bounds = array<i64: 10, 2560>}, {pipeline_mode = #tpu.pipeline_mode<synchronous>, transform_indices = @transform_3, window_bounds = array<i64: 1, 32>}, {pipeline_mode = #tpu.pipeline_mode<synchronous>, transform_indices = @transform_4, window_bounds = array<i64: 64, 128>}, {pipeline_mode = #tpu.pipeline_mode<synchronous>, transform_indices = @transform_5, window_bounds = array<i64: 1, 128>}, {pipeline_mode = #tpu.pipeline_mode<synchronous>, transform_indices = @transform_6, window_bounds = array<i64: 128, 64>}, {pipeline_mode = #tpu.pipeline_mode<synchronous>, transform_indices = @transform_7, window_bounds = array<i64: 1, 64>}, {pipeline_mode = #tpu.pipeline_mode<synchronous>, transform_indices = @transform_8, window_bounds = array<i64: 128, 64>}, {pipeline_mode = #tpu.pipeline_mode<synchronous>, transform_indices = @transform_9, window_bounds = array<i64: 10, 64>}, {transform_indices = @transform_10, window_bounds = array<i64: 2560, 64>}, {transform_indices = @transform_11, window_bounds = array<i64: 2560, 64>}]} {
    %get3A = arith.constant 0 : index
    %get3A_0 = arith.constant 0 : index
    %get3A_1 = vector.load %arg1[%get3A, %get3A_0] : memref<2560x1xf32, #tpu.memory_space<vmem>>, vector<2560x1xf32>
    %mul3A = arith.constant 4.000000e+00 : f32
    %mul3A_2 = vector.broadcast %mul3A : f32 to vector<2560x1xf32>
    %mul3A_3 = arith.mulf %get3A_1, %mul3A_2 : vector<2560x1xf32>
    %get3A_4 = arith.constant 0 : index
    %get3A_5 = arith.constant 0 : index
    %get3A_6 = vector.load %arg4[%get3A_4, %get3A_5] : memref<1x32xf32, #tpu.memory_space<vmem>>, vector<1x32xf32>
    %mul3A_7 = vector.broadcast %mul3A_3 : vector<2560x1xf32> to vector<2560x32xf32>
    %mul3A_8 = vector.broadcast %get3A_6 : vector<1x32xf32> to vector<2560x32xf32>
    %mul3A_9 = arith.mulf %mul3A_7, %mul3A_8 : vector<2560x32xf32>
    %sin3A = math.sin %mul3A_9 : vector<2560x32xf32>
    %cos3A = math.cos %mul3A_9 : vector<2560x32xf32>
    %concatenate3A = tpu.concatenate %sin3A, %cos3A in 1 : vector<2560x32xf32>, vector<2560x32xf32> -> vector<2560x64xf32>
    %get3A_10 = arith.constant 0 : index
    %get3A_11 = arith.constant 0 : index
    %get3A_12 = vector.load %arg5[%get3A_10, %get3A_11] : memref<64x128xf32, #tpu.memory_space<vmem>>, vector<64x128xf32>
    %dot_general3A = arith.constant dense<0.000000e+00> : vector<2560x128xf32>
    %dot_general3A_13 = tpu.matmul %concatenate3A, %get3A_12, %dot_general3A {dimension_numbers = #tpu.dot_dimension_numbers<[1], [0], [0], [1], [0, 0, 1, 1], [], []>, transpose_lhs_hint = false} : vector<2560x64xf32>, vector<64x128xf32>, vector<2560x128xf32> -> vector<2560x128xf32>
    %get3A_14 = arith.constant 0 : index
    %get3A_15 = arith.constant 0 : index
    %get3A_16 = vector.load %arg6[%get3A_14, %get3A_15] : memref<1x128xf32, #tpu.memory_space<vmem>>, vector<1x128xf32>
    %add3A = vector.broadcast %get3A_16 : vector<1x128xf32> to vector<2560x128xf32>
    %add3A_17 = arith.addf %dot_general3A_13, %add3A : vector<2560x128xf32>
    %gt3A = arith.constant 0.000000e+00 : f32
    %gt3A_18 = vector.broadcast %gt3A : f32 to vector<2560x128xf32>
    %gt3A_19 = arith.cmpf ogt, %add3A_17, %gt3A_18 : vector<2560x128xf32>
    %min3A = arith.constant 0.000000e+00 : f32
    %min3A_20 = vector.broadcast %min3A : f32 to vector<2560x128xf32>
    %min3A_21 = arith.minimumf %add3A_17, %min3A_20 : vector<2560x128xf32>
    %exp3A = math.exp %min3A_21 : vector<2560x128xf32>
    %sub3A = arith.constant 1.000000e+00 : f32
    %sub3A_22 = vector.broadcast %sub3A : f32 to vector<2560x128xf32>
    %sub3A_23 = arith.subf %exp3A, %sub3A_22 : vector<2560x128xf32>
    %select_n3A = arith.select %gt3A_19, %add3A_17, %sub3A_23 : vector<2560x128xi1>, vector<2560x128xf32>
    %get3A_24 = arith.constant 0 : index
    %get3A_25 = arith.constant 0 : index
    %get3A_26 = vector.load %arg7[%get3A_24, %get3A_25] : memref<128x64xf32, #tpu.memory_space<vmem>>, vector<128x64xf32>
    %dot_general3A_27 = arith.constant dense<0.000000e+00> : vector<2560x64xf32>
    %dot_general3A_28 = tpu.matmul %select_n3A, %get3A_26, %dot_general3A_27 {dimension_numbers = #tpu.dot_dimension_numbers<[1], [0], [0], [1], [0, 0, 1, 1], [], []>, transpose_lhs_hint = false} : vector<2560x128xf32>, vector<128x64xf32>, vector<2560x64xf32> -> vector<2560x64xf32>
    %get3A_29 = arith.constant 0 : index
    %get3A_30 = arith.constant 0 : index
    %get3A_31 = vector.load %arg8[%get3A_29, %get3A_30] : memref<1x64xf32, #tpu.memory_space<vmem>>, vector<1x64xf32>
    %add3A_32 = vector.broadcast %get3A_31 : vector<1x64xf32> to vector<2560x64xf32>
    %add3A_33 = arith.addf %dot_general3A_28, %add3A_32 : vector<2560x64xf32>
    %swap3A = arith.constant 0 : index
    %swap3A_34 = arith.constant 0 : index
    %swap3A_35 = vector.load %arg12[%swap3A, %swap3A_34] : memref<2560x64xf32, #tpu.memory_space<vmem>>, vector<2560x64xf32>
    tpu.vector_store %arg12[%swap3A, %swap3A_34], %add3A_33 {strides = array<i32>} : memref<2560x64xf32, #tpu.memory_space<vmem>>, vector<2560x64xf32>,
    %get3A_36 = arith.constant 0 : index
    %get3A_37 = arith.constant 0 : index
    %get3A_38 = vector.load %arg2[%get3A_36, %get3A_37] : memref<2560x128xf32, #tpu.memory_space<vmem>>, vector<2560x128xf32>
    %get3A_39 = arith.constant 0 : index
    %get3A_40 = arith.constant 0 : index
    %get3A_41 = vector.load %arg9[%get3A_39, %get3A_40] : memref<128x64xf32, #tpu.memory_space<vmem>>, vector<128x64xf32>
    %dot_general3A_42 = arith.constant dense<0.000000e+00> : vector<2560x64xf32>
    %dot_general3A_43 = tpu.matmul %get3A_38, %get3A_41, %dot_general3A_42 {dimension_numbers = #tpu.dot_dimension_numbers<[1], [0], [0], [1], [0, 0, 1, 1], [], []>, transpose_lhs_hint = false} : vector<2560x128xf32>, vector<128x64xf32>, vector<2560x64xf32> -> vector<2560x64xf32>
    %get3A_44 = arith.constant 0 : index
    %get3A_45 = arith.constant 0 : index
    %get3A_46 = vector.load %arg3[%get3A_44, %get3A_45] : memref<10x2560xf32, #tpu.memory_space<vmem>>, vector<10x2560xf32>
    %get3A_47 = arith.constant 0 : index
    %get3A_48 = arith.constant 0 : index
    %get3A_49 = vector.load %arg10[%get3A_47, %get3A_48] : memref<10x64xf32, #tpu.memory_space<vmem>>, vector<10x64xf32>
    %dot_general3A_50 = arith.constant dense<0.000000e+00> : vector<2560x64xf32>
    %dot_general3A_51 = tpu.matmul %get3A_46, %get3A_49, %dot_general3A_50 {dimension_numbers = #tpu.dot_dimension_numbers<[0], [0], [1], [1], [0, 1, 1, 1], [], []>, transpose_lhs_hint = false} : vector<10x2560xf32>, vector<10x64xf32>, vector<2560x64xf32> -> vector<2560x64xf32>
    %add3A_52 = arith.addf %dot_general3A_43, %dot_general3A_51 : vector<2560x64xf32>
    %swap3A_53 = arith.constant 0 : index
    %swap3A_54 = arith.constant 0 : index
    %swap3A_55 = vector.load %arg11[%swap3A_53, %swap3A_54] : memref<2560x64xf32, #tpu.memory_space<vmem>>, vector<2560x64xf32>
    tpu.vector_store %arg11[%swap3A_53, %swap3A_54], %add3A_52 {strides = array<i32>} : memref<2560x64xf32, #tpu.memory_space<vmem>>, vector<2560x64xf32>,
    return
  }
  func.func @transform_0(%arg0: i32) -> (i32, i32) {
    %c0_i32 = arith.constant 0 : i32
    %c0_i32_0 = arith.constant 0 : i32
    return %arg0, %c0_i32 : i32, i32
  }
  func.func @transform_1(%arg0: i32) -> (i32, i32) {
    %c0_i32 = arith.constant 0 : i32
    %c0_i32_0 = arith.constant 0 : i32
    return %arg0, %c0_i32 : i32, i32
  }
  func.func @transform_2(%arg0: i32) -> (i32, i32) {
    %c0_i32 = arith.constant 0 : i32
    %c0_i32_0 = arith.constant 0 : i32
    return %c0_i32, %arg0 : i32, i32
  }
  func.func @transform_3(%arg0: i32) -> (i32, i32) {
    %c0_i32 = arith.constant 0 : i32
    %c0_i32_0 = arith.constant 0 : i32
    %c0_i32_1 = arith.constant 0 : i32
    return %c0_i32, %c0_i32_0 : i32, i32
  }
  func.func @transform_4(%arg0: i32) -> (i32, i32) {
    %c0_i32 = arith.constant 0 : i32
    %c0_i32_0 = arith.constant 0 : i32
    %c0_i32_1 = arith.constant 0 : i32
    return %c0_i32, %c0_i32_0 : i32, i32
  }
  func.func @transform_5(%arg0: i32) -> (i32, i32) {
    %c0_i32 = arith.constant 0 : i32
    %c0_i32_0 = arith.constant 0 : i32
    %c0_i32_1 = arith.constant 0 : i32
    return %c0_i32, %c0_i32_0 : i32, i32
  }
  func.func @transform_6(%arg0: i32) -> (i32, i32) {
    %c0_i32 = arith.constant 0 : i32
    %c0_i32_0 = arith.constant 0 : i32
    %c0_i32_1 = arith.constant 0 : i32
    return %c0_i32, %c0_i32_0 : i32, i32
  }
  func.func @transform_7(%arg0: i32) -> (i32, i32) {
    %c0_i32 = arith.constant 0 : i32
    %c0_i32_0 = arith.constant 0 : i32
    %c0_i32_1 = arith.constant 0 : i32
    return %c0_i32, %c0_i32_0 : i32, i32
  }
  func.func @transform_8(%arg0: i32) -> (i32, i32) {
    %c0_i32 = arith.constant 0 : i32
    %c0_i32_0 = arith.constant 0 : i32
    %c0_i32_1 = arith.constant 0 : i32
    return %c0_i32, %c0_i32_0 : i32, i32
  }
  func.func @transform_9(%arg0: i32) -> (i32, i32) {
    %c0_i32 = arith.constant 0 : i32
    %c0_i32_0 = arith.constant 0 : i32
    %c0_i32_1 = arith.constant 0 : i32
    return %c0_i32, %c0_i32_0 : i32, i32
  }
  func.func @transform_10(%arg0: i32) -> (i32, i32) {
    %c0_i32 = arith.constant 0 : i32
    %c0_i32_0 = arith.constant 0 : i32
    return %arg0, %c0_i32 : i32, i32
  }
  func.func @transform_11(%arg0: i32) -> (i32, i32) {
    %c0_i32 = arith.constant 0 : i32
    %c0_i32_0 = arith.constant 0 : i32
    return %arg0, %c0_i32 : i32, i32
  }
}

module attributes {stable_mosaic.version = 14 : i64} {
  func.func @_kb_body(%arg0: i32, %arg1: memref<2x2560x64xf32, #tpu.memory_space<vmem>>, %arg2: memref<32x2560xf32, #tpu.memory_space<vmem>>, %arg3: memref<2560x64xf32, #tpu.memory_space<vmem>>, %arg4: memref<2560x64xf32, #tpu.memory_space<vmem>>, %arg5: memref<10x2560xf32, #tpu.memory_space<vmem>>, %arg6: memref<1x64xf32, #tpu.memory_space<vmem>>, %arg7: memref<64x64xf32, #tpu.memory_space<vmem>>, %arg8: memref<10x64xf32, #tpu.memory_space<vmem>>, %arg9: memref<64x64xf32, #tpu.memory_space<vmem>>, %arg10: memref<10x64xf32, #tpu.memory_space<vmem>>, %arg11: memref<2560x64xf32, #tpu.memory_space<vmem>>, %arg12: memref<2560x64xf32, #tpu.memory_space<vmem>>, %arg13: memref<2560x1xf32, #tpu.memory_space<vmem>>) attributes {dimension_semantics = [#tpu.dimension_semantics<arbitrary>], iteration_bounds = array<i64: 4>, scalar_prefetch = 0 : i64, scratch_operands = 0 : i64, tpu.core_type = #tpu.core_type<tc>, window_params = [{transform_indices = @transform_0, window_bounds = array<i64: 2, 2560, 64>}, {transform_indices = @transform_1, window_bounds = array<i64: 32, 2560>}, {transform_indices = @transform_2, window_bounds = array<i64: 2560, 64>}, {transform_indices = @transform_3, window_bounds = array<i64: 2560, 64>}, {transform_indices = @transform_4, window_bounds = array<i64: 10, 2560>}, {pipeline_mode = #tpu.pipeline_mode<synchronous>, transform_indices = @transform_5, window_bounds = array<i64: 1, 64>}, {pipeline_mode = #tpu.pipeline_mode<synchronous>, transform_indices = @transform_6, window_bounds = array<i64: 64, 64>}, {pipeline_mode = #tpu.pipeline_mode<synchronous>, transform_indices = @transform_7, window_bounds = array<i64: 10, 64>}, {pipeline_mode = #tpu.pipeline_mode<synchronous>, transform_indices = @transform_8, window_bounds = array<i64: 64, 64>}, {pipeline_mode = #tpu.pipeline_mode<synchronous>, transform_indices = @transform_9, window_bounds = array<i64: 10, 64>}, {transform_indices = @transform_10, window_bounds = array<i64: 2560, 64>}, {transform_indices = @transform_11, window_bounds = array<i64: 2560, 64>}, {transform_indices = @transform_12, window_bounds = array<i64: 2560, 1>}]} {
    %get3A = arith.constant 0 : index
    %get3A_0 = arith.constant 0 : index
    %get3A_1 = arith.constant 0 : index
    %get3A_2 = vector.load %arg1[%get3A, %get3A_0, %get3A_1] : memref<2x2560x64xf32, #tpu.memory_space<vmem>>, vector<1x2560x64xf32>
    %get3A_3 = vector.shape_cast %get3A_2 : vector<1x2560x64xf32> to vector<2560x64xf32>
    %get3A_4 = arith.constant 1 : index
    %get3A_5 = arith.constant 0 : index
    %get3A_6 = arith.constant 0 : index
    %get3A_7 = vector.load %arg1[%get3A_4, %get3A_5, %get3A_6] : memref<2x2560x64xf32, #tpu.memory_space<vmem>>, vector<1x2560x64xf32>
    %get3A_8 = vector.shape_cast %get3A_7 : vector<1x2560x64xf32> to vector<2560x64xf32>
    %add3A = arith.addf %get3A_3, %get3A_8 : vector<2560x64xf32>
    %get3A_9 = arith.constant 0 : index
    %get3A_10 = arith.constant 0 : index
    %get3A_11 = vector.load %arg2[%get3A_9, %get3A_10] : memref<32x2560xf32, #tpu.memory_space<vmem>>, vector<32x2560xf32>
    %reduce_sum3A = arith.constant dense<0.000000e+00> : vector<2560xf32>
    %reduce_sum3A_12 = vector.multi_reduction <add>, %get3A_11, %reduce_sum3A [0] : vector<32x2560xf32> to vector<2560xf32>
    %max3A = arith.constant 1.000000e+00 : f32
    %max3A_13 = vector.broadcast %max3A : f32 to vector<2560xf32>
    %max3A_14 = arith.maximumf %reduce_sum3A_12, %max3A_13 : vector<2560xf32>
    %div3A = arith.constant 1.000000e+00 : f32
    %div3A_15 = vector.broadcast %div3A : f32 to vector<2560xf32>
    %div3A_16 = arith.divf %div3A_15, %max3A_14 : vector<2560xf32>
    %reshape3A = vector.shape_cast %div3A_16 : vector<2560xf32> to vector<2560x1xf32>
    %mul3A = vector.broadcast %reshape3A : vector<2560x1xf32> to vector<2560x64xf32>
    %mul3A_17 = arith.mulf %add3A, %mul3A : vector<2560x64xf32>
    %get3A_18 = arith.constant 0 : index
    %get3A_19 = arith.constant 0 : index
    %get3A_20 = vector.load %arg6[%get3A_18, %get3A_19] : memref<1x64xf32, #tpu.memory_space<vmem>>, vector<1x64xf32>
    %add3A_21 = vector.broadcast %get3A_20 : vector<1x64xf32> to vector<2560x64xf32>
    %add3A_22 = arith.addf %mul3A_17, %add3A_21 : vector<2560x64xf32>
    %get3A_23 = arith.constant 0 : index
    %get3A_24 = arith.constant 0 : index
    %get3A_25 = vector.load %arg3[%get3A_23, %get3A_24] : memref<2560x64xf32, #tpu.memory_space<vmem>>, vector<2560x64xf32>
    %add3A_26 = arith.addf %add3A_22, %get3A_25 : vector<2560x64xf32>
    %mul3A_27 = arith.mulf %add3A_26, %add3A_26 : vector<2560x64xf32>
    %broadcast_in_dim3A = arith.constant 1.000000e+00 : f32
    %broadcast_in_dim3A_28 = vector.broadcast %broadcast_in_dim3A : f32 to vector<64x1xf32>
    %dot_general3A = arith.constant dense<0.000000e+00> : vector<2560x1xf32>
    %dot_general3A_29 = tpu.matmul %mul3A_27, %broadcast_in_dim3A_28, %dot_general3A {dimension_numbers = #tpu.dot_dimension_numbers<[1], [0], [0], [1], [0, 0, 1, 1], [], []>, transpose_lhs_hint = false} : vector<2560x64xf32>, vector<64x1xf32>, vector<2560x1xf32> -> vector<2560x1xf32>
    %max3A_30 = arith.constant 1.000000e-24 : f32
    %max3A_31 = vector.broadcast %max3A_30 : f32 to vector<2560x1xf32>
    %max3A_32 = arith.maximumf %dot_general3A_29, %max3A_31 : vector<2560x1xf32>
    %rsqrt3A = math.rsqrt %max3A_32 : vector<2560x1xf32>
    %mul3A_33 = vector.broadcast %rsqrt3A : vector<2560x1xf32> to vector<2560x64xf32>
    %mul3A_34 = arith.mulf %add3A_26, %mul3A_33 : vector<2560x64xf32>
    %get3A_35 = arith.constant 0 : index
    %get3A_36 = arith.constant 0 : index
    %get3A_37 = vector.load %arg4[%get3A_35, %get3A_36] : memref<2560x64xf32, #tpu.memory_space<vmem>>, vector<2560x64xf32>
    %add3A_38 = arith.addf %mul3A_34, %get3A_37 : vector<2560x64xf32>
    %max3A_39 = arith.constant 0.000000e+00 : f32
    %max3A_40 = vector.broadcast %max3A_39 : f32 to vector<2560x64xf32>
    %max3A_41 = arith.maximumf %add3A_38, %max3A_40 : vector<2560x64xf32>
    %get3A_42 = arith.constant 0 : index
    %get3A_43 = arith.constant 0 : index
    %get3A_44 = vector.load %arg5[%get3A_42, %get3A_43] : memref<10x2560xf32, #tpu.memory_space<vmem>>, vector<10x2560xf32>
    %get3A_45 = arith.constant 0 : index
    %get3A_46 = arith.constant 0 : index
    %get3A_47 = vector.load %arg7[%get3A_45, %get3A_46] : memref<64x64xf32, #tpu.memory_space<vmem>>, vector<64x64xf32>
    %dot_general3A_48 = arith.constant dense<0.000000e+00> : vector<2560x64xf32>
    %dot_general3A_49 = tpu.matmul %max3A_41, %get3A_47, %dot_general3A_48 {dimension_numbers = #tpu.dot_dimension_numbers<[1], [0], [0], [1], [0, 0, 1, 1], [], []>, transpose_lhs_hint = false} : vector<2560x64xf32>, vector<64x64xf32>, vector<2560x64xf32> -> vector<2560x64xf32>
    %get3A_50 = arith.constant 0 : index
    %get3A_51 = arith.constant 0 : index
    %get3A_52 = vector.load %arg8[%get3A_50, %get3A_51] : memref<10x64xf32, #tpu.memory_space<vmem>>, vector<10x64xf32>
    %dot_general3A_53 = arith.constant dense<0.000000e+00> : vector<2560x64xf32>
    %dot_general3A_54 = tpu.matmul %get3A_44, %get3A_52, %dot_general3A_53 {dimension_numbers = #tpu.dot_dimension_numbers<[0], [0], [1], [1], [0, 1, 1, 1], [], []>, transpose_lhs_hint = false} : vector<10x2560xf32>, vector<10x64xf32>, vector<2560x64xf32> -> vector<2560x64xf32>
    %add3A_55 = arith.addf %dot_general3A_49, %dot_general3A_54 : vector<2560x64xf32>
    %swap3A = arith.constant 0 : index
    %swap3A_56 = arith.constant 0 : index
    %swap3A_57 = vector.load %arg11[%swap3A, %swap3A_56] : memref<2560x64xf32, #tpu.memory_space<vmem>>, vector<2560x64xf32>
    tpu.vector_store %arg11[%swap3A, %swap3A_56], %add3A_55 {strides = array<i32>} : memref<2560x64xf32, #tpu.memory_space<vmem>>, vector<2560x64xf32>,
    %get3A_58 = arith.constant 0 : index
    %get3A_59 = arith.constant 0 : index
    %get3A_60 = vector.load %arg9[%get3A_58, %get3A_59] : memref<64x64xf32, #tpu.memory_space<vmem>>, vector<64x64xf32>
    %dot_general3A_61 = arith.constant dense<0.000000e+00> : vector<2560x64xf32>
    %dot_general3A_62 = tpu.matmul %max3A_41, %get3A_60, %dot_general3A_61 {dimension_numbers = #tpu.dot_dimension_numbers<[1], [0], [0], [1], [0, 0, 1, 1], [], []>, transpose_lhs_hint = false} : vector<2560x64xf32>, vector<64x64xf32>, vector<2560x64xf32> -> vector<2560x64xf32>
    %get3A_63 = arith.constant 0 : index
    %get3A_64 = arith.constant 0 : index
    %get3A_65 = vector.load %arg10[%get3A_63, %get3A_64] : memref<10x64xf32, #tpu.memory_space<vmem>>, vector<10x64xf32>
    %dot_general3A_66 = arith.constant dense<0.000000e+00> : vector<2560x64xf32>
    %dot_general3A_67 = tpu.matmul %get3A_44, %get3A_65, %dot_general3A_66 {dimension_numbers = #tpu.dot_dimension_numbers<[0], [0], [1], [1], [0, 1, 1, 1], [], []>, transpose_lhs_hint = false} : vector<10x2560xf32>, vector<10x64xf32>, vector<2560x64xf32> -> vector<2560x64xf32>
    %add3A_68 = arith.addf %dot_general3A_62, %dot_general3A_67 : vector<2560x64xf32>
    %swap3A_69 = arith.constant 0 : index
    %swap3A_70 = arith.constant 0 : index
    %swap3A_71 = vector.load %arg12[%swap3A_69, %swap3A_70] : memref<2560x64xf32, #tpu.memory_space<vmem>>, vector<2560x64xf32>
    tpu.vector_store %arg12[%swap3A_69, %swap3A_70], %add3A_68 {strides = array<i32>} : memref<2560x64xf32, #tpu.memory_space<vmem>>, vector<2560x64xf32>,
    %swap3A_72 = arith.constant 0 : index
    %swap3A_73 = arith.constant 0 : index
    %swap3A_74 = vector.load %arg13[%swap3A_72, %swap3A_73] : memref<2560x1xf32, #tpu.memory_space<vmem>>, vector<2560x1xf32>
    tpu.vector_store %arg13[%swap3A_72, %swap3A_73], %reshape3A {strides = array<i32>} : memref<2560x1xf32, #tpu.memory_space<vmem>>, vector<2560x1xf32>,
    return
  }
  func.func @transform_0(%arg0: i32) -> (i32, i32, i32) {
    %c0_i32 = arith.constant 0 : i32
    %c0_i32_0 = arith.constant 0 : i32
    %c0_i32_1 = arith.constant 0 : i32
    return %c0_i32, %arg0, %c0_i32_0 : i32, i32, i32
  }
  func.func @transform_1(%arg0: i32) -> (i32, i32) {
    %c0_i32 = arith.constant 0 : i32
    %c0_i32_0 = arith.constant 0 : i32
    return %c0_i32, %arg0 : i32, i32
  }
  func.func @transform_2(%arg0: i32) -> (i32, i32) {
    %c0_i32 = arith.constant 0 : i32
    %c0_i32_0 = arith.constant 0 : i32
    return %arg0, %c0_i32 : i32, i32
  }
  func.func @transform_3(%arg0: i32) -> (i32, i32) {
    %c0_i32 = arith.constant 0 : i32
    %c0_i32_0 = arith.constant 0 : i32
    return %arg0, %c0_i32 : i32, i32
  }
  func.func @transform_4(%arg0: i32) -> (i32, i32) {
    %c0_i32 = arith.constant 0 : i32
    %c0_i32_0 = arith.constant 0 : i32
    return %c0_i32, %arg0 : i32, i32
  }
  func.func @transform_5(%arg0: i32) -> (i32, i32) {
    %c0_i32 = arith.constant 0 : i32
    %c0_i32_0 = arith.constant 0 : i32
    %c0_i32_1 = arith.constant 0 : i32
    return %c0_i32, %c0_i32_0 : i32, i32
  }
  func.func @transform_6(%arg0: i32) -> (i32, i32) {
    %c0_i32 = arith.constant 0 : i32
    %c0_i32_0 = arith.constant 0 : i32
    %c0_i32_1 = arith.constant 0 : i32
    return %c0_i32, %c0_i32_0 : i32, i32
  }
  func.func @transform_7(%arg0: i32) -> (i32, i32) {
    %c0_i32 = arith.constant 0 : i32
    %c0_i32_0 = arith.constant 0 : i32
    %c0_i32_1 = arith.constant 0 : i32
    return %c0_i32, %c0_i32_0 : i32, i32
  }
  func.func @transform_8(%arg0: i32) -> (i32, i32) {
    %c0_i32 = arith.constant 0 : i32
    %c0_i32_0 = arith.constant 0 : i32
    %c0_i32_1 = arith.constant 0 : i32
    return %c0_i32, %c0_i32_0 : i32, i32
  }
  func.func @transform_9(%arg0: i32) -> (i32, i32) {
    %c0_i32 = arith.constant 0 : i32
    %c0_i32_0 = arith.constant 0 : i32
    %c0_i32_1 = arith.constant 0 : i32
    return %c0_i32, %c0_i32_0 : i32, i32
  }
  func.func @transform_10(%arg0: i32) -> (i32, i32) {
    %c0_i32 = arith.constant 0 : i32
    %c0_i32_0 = arith.constant 0 : i32
    return %arg0, %c0_i32 : i32, i32
  }
  func.func @transform_11(%arg0: i32) -> (i32, i32) {
    %c0_i32 = arith.constant 0 : i32
    %c0_i32_0 = arith.constant 0 : i32
    return %arg0, %c0_i32 : i32, i32
  }
  func.func @transform_12(%arg0: i32) -> (i32, i32) {
    %c0_i32 = arith.constant 0 : i32
    %c0_i32_0 = arith.constant 0 : i32
    return %arg0, %c0_i32 : i32, i32
  }
}

module attributes {stable_mosaic.version = 14 : i64} {
  func.func @_kc_body(%arg0: i32, %arg1: memref<2x2560x64xf32, #tpu.memory_space<vmem>>, %arg2: memref<2560x1xf32, #tpu.memory_space<vmem>>, %arg3: memref<2560x64xf32, #tpu.memory_space<vmem>>, %arg4: memref<2560x64xf32, #tpu.memory_space<vmem>>, %arg5: memref<10x2560xf32, #tpu.memory_space<vmem>>, %arg6: memref<1x64xf32, #tpu.memory_space<vmem>>, %arg7: memref<64x148xf32, #tpu.memory_space<vmem>>, %arg8: memref<10x148xf32, #tpu.memory_space<vmem>>, %arg9: memref<1x148xf32, #tpu.memory_space<vmem>>, %arg10: memref<148x10xf32, #tpu.memory_space<vmem>>, %arg11: memref<1x10xf32, #tpu.memory_space<vmem>>, %arg12: memref<2560x10xf32, #tpu.memory_space<vmem>>) attributes {dimension_semantics = [#tpu.dimension_semantics<arbitrary>], iteration_bounds = array<i64: 4>, scalar_prefetch = 0 : i64, scratch_operands = 0 : i64, tpu.core_type = #tpu.core_type<tc>, window_params = [{transform_indices = @transform_0, window_bounds = array<i64: 2, 2560, 64>}, {transform_indices = @transform_1, window_bounds = array<i64: 2560, 1>}, {transform_indices = @transform_2, window_bounds = array<i64: 2560, 64>}, {transform_indices = @transform_3, window_bounds = array<i64: 2560, 64>}, {transform_indices = @transform_4, window_bounds = array<i64: 10, 2560>}, {pipeline_mode = #tpu.pipeline_mode<synchronous>, transform_indices = @transform_5, window_bounds = array<i64: 1, 64>}, {pipeline_mode = #tpu.pipeline_mode<synchronous>, transform_indices = @transform_6, window_bounds = array<i64: 64, 148>}, {pipeline_mode = #tpu.pipeline_mode<synchronous>, transform_indices = @transform_7, window_bounds = array<i64: 10, 148>}, {pipeline_mode = #tpu.pipeline_mode<synchronous>, transform_indices = @transform_8, window_bounds = array<i64: 1, 148>}, {pipeline_mode = #tpu.pipeline_mode<synchronous>, transform_indices = @transform_9, window_bounds = array<i64: 148, 10>}, {pipeline_mode = #tpu.pipeline_mode<synchronous>, transform_indices = @transform_10, window_bounds = array<i64: 1, 10>}, {transform_indices = @transform_11, window_bounds = array<i64: 2560, 10>}]} {
    %get3A = arith.constant 0 : index
    %get3A_0 = arith.constant 0 : index
    %get3A_1 = arith.constant 0 : index
    %get3A_2 = vector.load %arg1[%get3A, %get3A_0, %get3A_1] : memref<2x2560x64xf32, #tpu.memory_space<vmem>>, vector<1x2560x64xf32>
    %get3A_3 = vector.shape_cast %get3A_2 : vector<1x2560x64xf32> to vector<2560x64xf32>
    %get3A_4 = arith.constant 1 : index
    %get3A_5 = arith.constant 0 : index
    %get3A_6 = arith.constant 0 : index
    %get3A_7 = vector.load %arg1[%get3A_4, %get3A_5, %get3A_6] : memref<2x2560x64xf32, #tpu.memory_space<vmem>>, vector<1x2560x64xf32>
    %get3A_8 = vector.shape_cast %get3A_7 : vector<1x2560x64xf32> to vector<2560x64xf32>
    %add3A = arith.addf %get3A_3, %get3A_8 : vector<2560x64xf32>
    %get3A_9 = arith.constant 0 : index
    %get3A_10 = arith.constant 0 : index
    %get3A_11 = vector.load %arg2[%get3A_9, %get3A_10] : memref<2560x1xf32, #tpu.memory_space<vmem>>, vector<2560x1xf32>
    %mul3A = vector.broadcast %get3A_11 : vector<2560x1xf32> to vector<2560x64xf32>
    %mul3A_12 = arith.mulf %add3A, %mul3A : vector<2560x64xf32>
    %get3A_13 = arith.constant 0 : index
    %get3A_14 = arith.constant 0 : index
    %get3A_15 = vector.load %arg6[%get3A_13, %get3A_14] : memref<1x64xf32, #tpu.memory_space<vmem>>, vector<1x64xf32>
    %add3A_16 = vector.broadcast %get3A_15 : vector<1x64xf32> to vector<2560x64xf32>
    %add3A_17 = arith.addf %mul3A_12, %add3A_16 : vector<2560x64xf32>
    %get3A_18 = arith.constant 0 : index
    %get3A_19 = arith.constant 0 : index
    %get3A_20 = vector.load %arg3[%get3A_18, %get3A_19] : memref<2560x64xf32, #tpu.memory_space<vmem>>, vector<2560x64xf32>
    %add3A_21 = arith.addf %add3A_17, %get3A_20 : vector<2560x64xf32>
    %mul3A_22 = arith.mulf %add3A_21, %add3A_21 : vector<2560x64xf32>
    %broadcast_in_dim3A = arith.constant 1.000000e+00 : f32
    %broadcast_in_dim3A_23 = vector.broadcast %broadcast_in_dim3A : f32 to vector<64x1xf32>
    %dot_general3A = arith.constant dense<0.000000e+00> : vector<2560x1xf32>
    %dot_general3A_24 = tpu.matmul %mul3A_22, %broadcast_in_dim3A_23, %dot_general3A {dimension_numbers = #tpu.dot_dimension_numbers<[1], [0], [0], [1], [0, 0, 1, 1], [], []>, transpose_lhs_hint = false} : vector<2560x64xf32>, vector<64x1xf32>, vector<2560x1xf32> -> vector<2560x1xf32>
    %max3A = arith.constant 1.000000e-24 : f32
    %max3A_25 = vector.broadcast %max3A : f32 to vector<2560x1xf32>
    %max3A_26 = arith.maximumf %dot_general3A_24, %max3A_25 : vector<2560x1xf32>
    %rsqrt3A = math.rsqrt %max3A_26 : vector<2560x1xf32>
    %mul3A_27 = vector.broadcast %rsqrt3A : vector<2560x1xf32> to vector<2560x64xf32>
    %mul3A_28 = arith.mulf %add3A_21, %mul3A_27 : vector<2560x64xf32>
    %get3A_29 = arith.constant 0 : index
    %get3A_30 = arith.constant 0 : index
    %get3A_31 = vector.load %arg4[%get3A_29, %get3A_30] : memref<2560x64xf32, #tpu.memory_space<vmem>>, vector<2560x64xf32>
    %add3A_32 = arith.addf %mul3A_28, %get3A_31 : vector<2560x64xf32>
    %max3A_33 = arith.constant 0.000000e+00 : f32
    %max3A_34 = vector.broadcast %max3A_33 : f32 to vector<2560x64xf32>
    %max3A_35 = arith.maximumf %add3A_32, %max3A_34 : vector<2560x64xf32>
    %get3A_36 = arith.constant 0 : index
    %get3A_37 = arith.constant 0 : index
    %get3A_38 = vector.load %arg7[%get3A_36, %get3A_37] : memref<64x148xf32, #tpu.memory_space<vmem>>, vector<64x148xf32>
    %dot_general3A_39 = arith.constant dense<0.000000e+00> : vector<2560x148xf32>
    %dot_general3A_40 = tpu.matmul %max3A_35, %get3A_38, %dot_general3A_39 {dimension_numbers = #tpu.dot_dimension_numbers<[1], [0], [0], [1], [0, 0, 1, 1], [], []>, transpose_lhs_hint = false} : vector<2560x64xf32>, vector<64x148xf32>, vector<2560x148xf32> -> vector<2560x148xf32>
    %get3A_41 = arith.constant 0 : index
    %get3A_42 = arith.constant 0 : index
    %get3A_43 = vector.load %arg5[%get3A_41, %get3A_42] : memref<10x2560xf32, #tpu.memory_space<vmem>>, vector<10x2560xf32>
    %get3A_44 = arith.constant 0 : index
    %get3A_45 = arith.constant 0 : index
    %get3A_46 = vector.load %arg8[%get3A_44, %get3A_45] : memref<10x148xf32, #tpu.memory_space<vmem>>, vector<10x148xf32>
    %dot_general3A_47 = arith.constant dense<0.000000e+00> : vector<2560x148xf32>
    %dot_general3A_48 = tpu.matmul %get3A_43, %get3A_46, %dot_general3A_47 {dimension_numbers = #tpu.dot_dimension_numbers<[0], [0], [1], [1], [0, 1, 1, 1], [], []>, transpose_lhs_hint = false} : vector<10x2560xf32>, vector<10x148xf32>, vector<2560x148xf32> -> vector<2560x148xf32>
    %add3A_49 = arith.addf %dot_general3A_40, %dot_general3A_48 : vector<2560x148xf32>
    %get3A_50 = arith.constant 0 : index
    %get3A_51 = arith.constant 0 : index
    %get3A_52 = vector.load %arg9[%get3A_50, %get3A_51] : memref<1x148xf32, #tpu.memory_space<vmem>>, vector<1x148xf32>
    %add3A_53 = vector.broadcast %get3A_52 : vector<1x148xf32> to vector<2560x148xf32>
    %add3A_54 = arith.addf %add3A_49, %add3A_53 : vector<2560x148xf32>
    %gt3A = arith.constant 0.000000e+00 : f32
    %gt3A_55 = vector.broadcast %gt3A : f32 to vector<2560x148xf32>
    %gt3A_56 = arith.cmpf ogt, %add3A_54, %gt3A_55 : vector<2560x148xf32>
    %min3A = arith.constant 0.000000e+00 : f32
    %min3A_57 = vector.broadcast %min3A : f32 to vector<2560x148xf32>
    %min3A_58 = arith.minimumf %add3A_54, %min3A_57 : vector<2560x148xf32>
    %exp3A = math.exp %min3A_58 : vector<2560x148xf32>
    %sub3A = arith.constant 1.000000e+00 : f32
    %sub3A_59 = vector.broadcast %sub3A : f32 to vector<2560x148xf32>
    %sub3A_60 = arith.subf %exp3A, %sub3A_59 : vector<2560x148xf32>
    %select_n3A = arith.select %gt3A_56, %add3A_54, %sub3A_60 : vector<2560x148xi1>, vector<2560x148xf32>
    %get3A_61 = arith.constant 0 : index
    %get3A_62 = arith.constant 0 : index
    %get3A_63 = vector.load %arg10[%get3A_61, %get3A_62] : memref<148x10xf32, #tpu.memory_space<vmem>>, vector<148x10xf32>
    %dot_general3A_64 = arith.constant dense<0.000000e+00> : vector<2560x10xf32>
    %dot_general3A_65 = tpu.matmul %select_n3A, %get3A_63, %dot_general3A_64 {dimension_numbers = #tpu.dot_dimension_numbers<[1], [0], [0], [1], [0, 0, 1, 1], [], []>, transpose_lhs_hint = false} : vector<2560x148xf32>, vector<148x10xf32>, vector<2560x10xf32> -> vector<2560x10xf32>
    %get3A_66 = arith.constant 0 : index
    %get3A_67 = arith.constant 0 : index
    %get3A_68 = vector.load %arg11[%get3A_66, %get3A_67] : memref<1x10xf32, #tpu.memory_space<vmem>>, vector<1x10xf32>
    %add3A_69 = vector.broadcast %get3A_68 : vector<1x10xf32> to vector<2560x10xf32>
    %add3A_70 = arith.addf %dot_general3A_65, %add3A_69 : vector<2560x10xf32>
    %swap3A = arith.constant 0 : index
    %swap3A_71 = arith.constant 0 : index
    %swap3A_72 = vector.load %arg12[%swap3A, %swap3A_71] : memref<2560x10xf32, #tpu.memory_space<vmem>>, vector<2560x10xf32>
    tpu.vector_store %arg12[%swap3A, %swap3A_71], %add3A_70 {strides = array<i32>} : memref<2560x10xf32, #tpu.memory_space<vmem>>, vector<2560x10xf32>,
    return
  }
  func.func @transform_0(%arg0: i32) -> (i32, i32, i32) {
    %c0_i32 = arith.constant 0 : i32
    %c0_i32_0 = arith.constant 0 : i32
    %c0_i32_1 = arith.constant 0 : i32
    return %c0_i32, %arg0, %c0_i32_0 : i32, i32, i32
  }
  func.func @transform_1(%arg0: i32) -> (i32, i32) {
    %c0_i32 = arith.constant 0 : i32
    %c0_i32_0 = arith.constant 0 : i32
    return %arg0, %c0_i32 : i32, i32
  }
  func.func @transform_2(%arg0: i32) -> (i32, i32) {
    %c0_i32 = arith.constant 0 : i32
    %c0_i32_0 = arith.constant 0 : i32
    return %arg0, %c0_i32 : i32, i32
  }
  func.func @transform_3(%arg0: i32) -> (i32, i32) {
    %c0_i32 = arith.constant 0 : i32
    %c0_i32_0 = arith.constant 0 : i32
    return %arg0, %c0_i32 : i32, i32
  }
  func.func @transform_4(%arg0: i32) -> (i32, i32) {
    %c0_i32 = arith.constant 0 : i32
    %c0_i32_0 = arith.constant 0 : i32
    return %c0_i32, %arg0 : i32, i32
  }
  func.func @transform_5(%arg0: i32) -> (i32, i32) {
    %c0_i32 = arith.constant 0 : i32
    %c0_i32_0 = arith.constant 0 : i32
    %c0_i32_1 = arith.constant 0 : i32
    return %c0_i32, %c0_i32_0 : i32, i32
  }
  func.func @transform_6(%arg0: i32) -> (i32, i32) {
    %c0_i32 = arith.constant 0 : i32
    %c0_i32_0 = arith.constant 0 : i32
    %c0_i32_1 = arith.constant 0 : i32
    return %c0_i32, %c0_i32_0 : i32, i32
  }
  func.func @transform_7(%arg0: i32) -> (i32, i32) {
    %c0_i32 = arith.constant 0 : i32
    %c0_i32_0 = arith.constant 0 : i32
    %c0_i32_1 = arith.constant 0 : i32
    return %c0_i32, %c0_i32_0 : i32, i32
  }
  func.func @transform_8(%arg0: i32) -> (i32, i32) {
    %c0_i32 = arith.constant 0 : i32
    %c0_i32_0 = arith.constant 0 : i32
    %c0_i32_1 = arith.constant 0 : i32
    return %c0_i32, %c0_i32_0 : i32, i32
  }
  func.func @transform_9(%arg0: i32) -> (i32, i32) {
    %c0_i32 = arith.constant 0 : i32
    %c0_i32_0 = arith.constant 0 : i32
    %c0_i32_1 = arith.constant 0 : i32
    return %c0_i32, %c0_i32_0 : i32, i32
  }
  func.func @transform_10(%arg0: i32) -> (i32, i32) {
    %c0_i32 = arith.constant 0 : i32
    %c0_i32_0 = arith.constant 0 : i32
    %c0_i32_1 = arith.constant 0 : i32
    return %c0_i32, %c0_i32_0 : i32, i32
  }
  func.func @transform_11(%arg0: i32) -> (i32, i32) {
    %c0_i32 = arith.constant 0 : i32
    %c0_i32_0 = arith.constant 0 : i32
    return %arg0, %c0_i32 : i32, i32
  }
}

</mosaic_0001>

<sc_bundles>
// kernel: kernel.11.cloned.1.call-start
scs
__scs_entry_jumppad:
0x0: {  	(pc) =	sbr.rel $0x88, $3  }
0x1: {  	(tag) =	ssettag $0x0;
	lr =	simm.s32 $0x1  }
0x2: {  	[smem:$0x3F8F] =	sst lr;
	_ =	strace $0xD0000000  }
0x3: {  	_ = 	snop  }
0x4: {  	_ = 	snop  }
0x5: {  	_ = 	snop  }
0x6: {  	_ = 	snop  }
0x7: {  	_ = 	snop  }
__scs_overlays_trampoline_lowered:
0x8: {  	[smem:$0x3F9E] =	sst s0  }
0x9: {  	[smem:$0x3F9F] =	sst s1  }
0xa: {  	[smem:$0x3FA0] =	sst s2  }
0xb: {  	[smem:$0x3FA1] =	sst s3  }
0xc: {  	[smem:$0x3FA2] =	sst s4  }
0xd: {  	[smem:$0x3FA3] =	sst s5  }
0xe: {  	[smem:$0x3FA4] =	sst s6  }
0xf: {  	[smem:$0x3FA5] =	sst s7  }
0x10: {  	[smem:$0x3FA6] =	sst s8  }
0x11: {  	[smem:$0x3FA7] =	sst s9;
	s0 =	simm.s32 @!p0 $0x0  }
0x12: {  	s1 =	sld [smem:$0x3F8D];
	s0 =	simm.s32 @p0 $0x1  }
0x13: {  	[smem:$0x3FA8] =	sst s0;
	s0 =	simm.s32 @!p1 $0x0  }
0x14: {  	s2 =	sld [smem:$0x3F8C];
	s0 =	simm.s32 @p1 $0x1  }
0x15: {  	[smem:$0x3FA9] =	sst s0;
	s0 =	simm.s32 @!p2 $0x0  }
0x16: {  	s3 =	sld [smem:$0x3FDB];
	s0 =	simm.s32 @p2 $0x1  }
0x17: {  	s4 =	simm.s32 $0x1BF5;
	[smem:$0x3FAB] =	sst s0  }
0x18: {  	s0 =	sld [smem:$0x3F8E];
	_ =	swait.ge [sflag:s4], $0x0  }
0x19: {  	s7 =	sld [smem:$0x3F8F]  }
0x1a: {  	s8 =	sadd.s32 $0xFFFFE003, lr  }
0x1b: {  	s9 =	sadd.s32 $0xFFFFFEF7, lr;
	s5 =	simm.s32 $0xFFFFFFFF;
	p2 =	slt.u32 s8, $0xFFFFF086  }
0x1c: {  	p1 =	slt.u32 s9, $0xF7A;
	s5 =	simm.s32 @!p2 $0x0  }
0x1d: {  	s5 =	simm.s32 @p1 $0x1;
	p0 =	seq.s32 s7, s2  }
0x1e: {  	s7 =	smul.u32 @!p0 $0xF7A, s2;
	p2 =	seq.s32 @!p0 s5, $0x0  }
0x1f: {  	s9 =	smul.u32 $0xF7A, s1;
	s8 =	simm.s32 @!p0 $0x1BF5;
	p2 =	por !p2, p0  }
0x20: {  	[sflag:s8] =	ssyncset.s32 @!p0 $0xFFFFF086;
	s6 =	sadd.s32 @!p0 s3, s7;
	s7 =	simm.s32 @!p0 $0x108  }
0x21: {  	s3 =	sadd.s32 s3, s9;
	s6 =	sadd.s32 @!p0 $0x88, s6;
	s7 =	simm.s32 @p2 $0x1082  }
0x22: {  	[simem:s7], [sflag:s8] =	dma.local @!p0 [hbm:s6], $0xF7A  }
0x23: {  	s9 =	sor.u32 $0xD0000000, s2;
	s6 =	simm.s32 $0x108;
	_ =	swait.ge @!p0 [sflag:s8], $0x0  }
0x24: {  	s3 =	sadd.s32 $0x88, s3;
	s6 =	simm.s32 @!p1 $0x1082;
	[sflag:s4] =	ssyncset.s32 $0xFFFFF086  }
0x25: {  	[simem:s6], [sflag:s4] =	dma.local [hbm:s3], $0xF7A  }
0x26: {  	[smem:$0x3F8F] =	sst s1;
	(tag) =	ssettag s2;
	_ =	strace s9  }
0x27: {  	s1 =	sld [smem:$0x3F9F]  }
0x28: {  	s2 =	sld [smem:$0x3FA0]  }
0x29: {  	s4 =	sld [smem:$0x3FA2]  }
0x2a: {  	p0 =	seq.s32 s5, $0x0;
	s5 =	sld [smem:$0x3FA3]  }
0x2b: {  	s6 =	sld [smem:$0x3FA4]  }
0x2c: {  	s7 =	sld [smem:$0x3FA5]  }
0x2d: {  	s3 =	simm.s32 $0x108;
	s8 =	sld [smem:$0x3FA6]  }
0x2e: {  	s3 =	simm.s32 @!p0 $0x1082;
	s9 =	sld [smem:$0x3FA7]  }
0x2f: {  	lr =	sadd.s32 s0, s3;
	s0 =	sld [smem:$0x3F9E]  }
0x30: {  	s3 =	sld [smem:$0x3FA1]  }
0x31: {  	[smem:$0x3FAA] =	sst s10  }
0x32: {  	s10 =	sld [smem:$0x3FA8];
	_ =	sdelay $0x3  }
0x33: {  	p0 =	seq.s32 s10, $0x1;
	s10 =	sld [smem:$0x3FAA];
	_ =	sdelay $0x3  }
0x34: {  	[smem:$0x3FAA] =	sst s10  }
0x35: {  	s10 =	sld [smem:$0x3FA9];
	_ =	sdelay $0x3  }
0x36: {  	p1 =	seq.s32 s10, $0x1;
	s10 =	sld [smem:$0x3FAA];
	_ =	sdelay $0x3  }
0x37: {  	[smem:$0x3FAA] =	sst s10  }
0x38: {  	s10 =	sld [smem:$0x3FAB]  }
0x39: {  	_ = 	snop;
	(pc) =	sbr.ind lr, $3  }
0x3a: {  	_ = 	snop  }
0x3b: {  	_ = 	snop  }
0x3c: {  	p2 =	seq.s32 s10, $0x1;
	s10 =	sld [smem:$0x3FAA]  }
0x3d: {  	_ =	shalt  }
0x3e: {  	_ =	shalt  }
0x3f: {  	_ =	shalt  }
0x40: {  	_ =	shalt  }
0x41: {  	_ =	shalt  }
0x42: {  	_ =	shalt  }
0x43: {  	_ =	shalt  }
0x44: {  	_ =	shalt  }
0x45: {  	_ =	shalt  }
0x46: {  	_ =	shalt  }
0x47: {  	_ =	shalt  }
0x48: {  	_ =	shalt  }
0x49: {  	_ =	shalt  }
0x4a: {  	_ =	shalt  }
0x4b: {  	_ =	shalt  }
0x4c: {  	_ =	shalt  }
0x4d: {  	_ =	shalt  }
0x4e: {  	_ =	shalt  }
0x4f: {  	_ =	shalt  }
0x50: {  	_ =	shalt  }
0x51: {  	_ =	shalt  }
0x52: {  	_ =	shalt  }
0x53: {  	_ =	shalt  }
0x54: {  	_ =	shalt  }
0x55: {  	_ =	shalt  }
0x56: {  	_ =	shalt  }
0x57: {  	_ =	shalt  }
0x58: {  	_ =	shalt  }
0x59: {  	_ =	shalt  }
0x5a: {  	_ =	shalt  }
0x5b: {  	_ =	shalt  }
0x5c: {  	_ =	shalt  }
0x5d: {  	_ =	shalt  }
0x5e: {  	_ =	shalt  }
0x5f: {  	_ =	shalt  }
0x60: {  	_ =	shalt  }
0x61: {  	_ =	shalt  }
0x62: {  	_ =	shalt  }
0x63: {  	_ =	shalt  }
0x64: {  	_ =	shalt  }
0x65: {  	_ =	shalt  }
0x66: {  	_ =	shalt  }
0x67: {  	_ =	shalt  }
0x68: {  	_ =	shalt  }
0x69: {  	_ =	shalt  }
0x6a: {  	_ =	shalt  }
0x6b: {  	_ =	shalt  }
0x6c: {  	_ =	shalt  }
0x6d: {  	_ =	shalt  }
0x6e: {  	_ =	shalt  }
0x6f: {  	_ =	shalt  }
0x70: {  	_ =	shalt  }
0x71: {  	_ =	shalt  }
0x72: {  	_ =	shalt  }
0x73: {  	_ =	shalt  }
0x74: {  	_ =	shalt  }
0x75: {  	_ =	shalt  }
0x76: {  	_ =	shalt  }
0x77: {  	_ =	shalt  }
0x78: {  	_ =	shalt  }
0x79: {  	_ =	shalt  }
0x7a: {  	_ =	shalt  }
0x7b: {  	_ =	shalt  }
0x7c: {  	_ =	shalt  }
0x7d: {  	_ =	shalt  }
0x7e: {  	_ =	shalt  }
0x7f: {  	_ =	shalt  }
0x80: {  	_ =	shalt  }
0x81: {  	_ =	shalt  }
0x82: {  	_ =	shalt  }
0x83: {  	_ =	shalt  }
0x84: {  	_ =	shalt  }
0x85: {  	_ =	shalt  }
0x86: {  	_ =	shalt  }
0x87: {  	_ =	shalt  }
.Lfunc_end0:
.L_simem_size_0:
called_computation.1_lowered:
.L_overlay_start_0:
0x88: {  	s2 =	sld [smem:$0x3FD9]  }
0x89: {  	s3 =	sld [smem:$0x3FFE];
	_ =	sdelay $0x1  }
0x8a: {  	s1 =	srdreg.scid  }
0x8b: {  	s0 =	sand.u32 $0x1, s1  }
0x8c: {  	s16 =	sshll.u32 s0, $0xA;
	s2 =	sadd.s32 s3, s2  }
0x8d: {  	s2 =	sadd.s32 s2, s16  }
0x8e: {  	[smem:$0x3FB6] =	sst s2  }
0x8f: {  	_ = 	snop  }
0x90: {  	(tm) =	ssettm $0x1  }
0x91: {  	s17 =	sld [smem:$0x3FFB];
	_ =	sdelay $0x3  }
0x92: {  	_ =	strace s17  }
0x93: {  	s2 =	sld [smem:$0x3FFC];
	_ =	sdelay $0x3  }
0x94: {  	_ =	strace s2  }
0x95: {  	s2 =	sld [smem:$0x3FFD];
	_ =	sdelay $0x3  }
0x96: {  	_ =	strace s2  }
0x97: {  	_ =	strace $0x8FFFFFFF  }
0x98: {  	s18 =	sld [smem:$0x3FDB];
	_ =	sdelay $0x1  }
0x99: {  	s19 =	simm.s32 $_scs_section_size  }
0x9a: {  	s4 =	simm.s32 $_size__tile_overlayer_lowered;
	s5 =	simm.s32 $_tile_overlayer_lowered  }
0x9b: {  	s22 =	simm.s32 $0x1BFF;
	s21 =	sshll.u32 s5, $0x1;
	s2 =	sadd.s32 s19, s18  }
0x9c: {  	s6 =	simm.s32 $0x0;
	s20 =	sshll.u32 s4, $0x1;
	s4 =	sadd.s32 s21, s2  }
0x9d: {  	[timem:s6], [sflag:s22] =	dma.local [hbm:s4], s20  }
0x9e: {  	_ =	swait.ge [sflag:s22], s20  }
0x9f: {  	s3 =	ssub.s32 $0x0, s20;
	[sflag:s22] =	ssyncset.done $0x0  }
0xa0: {  	[sflag:s22] =	ssyncadd.s32 s3;
	_ =	sdelay $0x1  }
0xa1: {  	s23 =	simm.s32 $0x1B8B  }
0xa2: {  	_ =	swait.ge [sflag:s23], $0x1  }
0xa3: {  	[sflag:s23] =	ssyncset.done $0x0  }
0xa4: {  	s25 =	simm.s32 $0x1B8E;
	s24 =	sld [smem:$0x3FFE];
	[sflag:s23] =	ssyncadd.s32 $0xFFFFFFFF  }
0xa5: {  	s26 =	simm.s32 $execute0_lowered;
	[smem:$0x3FD2] =	sst s25  }
0xa6: {  	s4 =	sshll.u32 s26, $0x1;
	_ =	strace $0x80000049;
	[dreg:$0x1] =	wrdreg $0xFFFFFFFF  }
0xa7: {  	s28 =	simm.s32 $_size_execute0_lowered;
	s2 =	sadd.s32 s2, s4;
	[dreg:$0x0] =	wrdreg $0x0  }
0xa8: {  	s4 =	sshll.u32 s28, $0x1;
	[dreg:$0x2] =	wrdreg s2  }
0xa9: {  	[dreg:$0x3] =	wrdreg s4  }
0xaa: {  	[dreg:$0x4] =	wrdreg $0xC0  }
0xab: {  	_ =	task [dreg:s6], $0x5FFFF  }
0xac: {  	[dreg:$0x1] =	wrdreg $0xFFFFFFFF  }
0xad: {  	[dreg:$0x0] =	wrdreg $0x60  }
0xae: {  	[dreg:$0x2] =	wrdreg s24  }
0xaf: {  	[dreg:$0x3] =	wrdreg $0x101E00  }
0xb0: {  	[dreg:$0x4] =	wrdreg $0x9  }
0xb1: {  	_ =	task.clear_ibuf [dreg:s6], $0x5FFFF;
	_ =	strace $0x90000049  }
0xb2: {  	s29 =	simm.s32 $0x9;
	_ =	strace $0x8000004B  }
0xb3: {  	_ =	swait.ge [sflag:s29], $0x1  }
0xb4: {  	[sflag:s29] =	ssyncadd.s32 $0xFFFFFFFF  }
0xb5: {  	_ =	strace $0x9000004B  }
0xb6: {  	_ =	sfence  }
0xb7: {  	s30 =	sld [smem:$0x0];
	_ =	sdelay $0x2  }
0xb8: {  	s31 =	sshll.u32 s1, $0xD;
	s1 =	sshrl.u32 s1, $0x2  }
0xb9: {  	s3 =	sand.u32 $0x4000, s31;
	s1 =	sadd.s32 s1, s30  }
0xba: {  	s0 =	sor.u32 s3, s0;
	s1 =	sshll.u32 s1, $0x11  }
0xbb: {  	s0 =	sor.u32 s1, s0  }
0xbc: {  	s0 =	sadd.s32 $0x8F2B, s0  }
0xbd: {  	[sflag:s0] =	ssyncadd.remote.s32 $0x1  }
0xbe: {  	_ =	sfence.sel $0xFFFF  }
0xbf: {  	[dreg:$0x0] =	wrdreg $0xFFFFFFFF;
	(pc) =	sbr.abs _section_cstart, $3  }
0xc0: {  	[dreg:$0x1] =	wrdreg $0xFFFFFFFF  }
0xc1: {  	_ =	task.clear_ibuf [dreg:s6], $0x2FFFF;
	_ =	strace $0x9FFFFFFF  }
0xc2: {  	(tm) =	ssettm $0x7FFFFFFF  }
0xc3: {  	_ =	shalt  }
tec
execute0_lowered:
.L_overlay_start_1:
0x0: {  	(tag) =	ssettag $0x1  }
0x1: {  	s0 =	rddreg [dreg:$0x0]  }
0x2: {  	s1 =	srdreg.scid;
	s9 =	stileid.u32  }
0x3: {  	s2 =	rddreg [dreg:$0x1];
	s3 =	simm.s32 $0x0;
	s17 =	simm.s32 $0xEE20  }
0x4: {  	s18 =	simm.s32 $0x11;
	s19 =	simm.s32 $0x50;
	s20 =	simm.s32 $0xF  }
0x5: {  	s21 =	simm.s32 $0x10;
	s22 =	simm.s32 $0x9;
	s23 =	simm.s32 $0xA  }
0x6: {  	s24 =	simm.s32 $0xB;
	s25 =	simm.s32 $0xC;
	s28 =	simm.s32 $0x0  }
0x7: {  	s1 =	sand.u32 $0x1, s1;
	s5 =	smul.u32 $0x9E00, s9;
	[smem:$0x7FF] =	sst s3  }
0x8: {  	s4 =	sadd.s32 $0x4A00, s0;
	s8 =	smul.u32 $0x27800, s9;
	s14 =	sadd.s32 $0x18400, s0  }
0x9: {  	s6 =	smul.u32 $0x9E000, s1;
	_ =	strace $0x8000004A;
	s7 =	ssub.s32 $0x2, s1  }
0xa: {  	s1 =	sshll.u32 s1, $0x4;
	s26 =	sshrl.u32 s7, $0x1;
	s29 =	sshrl.u32 s8, $0x2  }
0xb: {  	s1 =	sor.u32 s9, s1;
	s6 =	sadd.s32 s5, s6;
	s16 =	ssub.s32 s7, s26  }
0xc: {  	s5 =	sadd.s32 s5, s2;
	s12 =	sadd.s32 s29, s2;
	s13 =	smul.u32 $0x2710, s1  }
0xd: {  	s1 =	smul.u32 $0x4E2, s1;
	s26 =	simm.s32 $0xD;
	s6 =	sshrl.u32 s6, $0x3  }
0xe: {  	s30 =	sadd.s32 $0x2780, s12;
	s8 =	sadd.s32 $0x3B40, s12;
	s9 =	sadd.s32 $0x4F00, s12  }
.Ltmp0:
0xf: {  	s10 =	sadd.s32 $0x62C0, s12;
	s11 =	sadd.s32 $0x7680, s12;
	(pc) =	sbr.rel .LBB2_1-.Ltmp0, $4  }
0x10: {  	s16 =	smax.u32 s16, $0x1;
	s0 =	sadd.s32 s6, s0;
	s6 =	sadd.s32 $0x13C0, s12  }
0x11: {  	[dreg:$0x4] =	wrdreg s30;
	s15 =	sshrl.u32 s13, $0x3;
	s12 =	sadd.s32 $0x8A40, s12  }
0x12: {  	s13 =	sadd.s32 s14, s1;
	[dreg:$0x3] =	wrdreg s6;
	s31 =	sadd.s32 s14, s15  }
0x13: {  	v0 =	vimm.f32 $0.0e+00;
	s15 =	sadd.s32 $0x2BE00, s0;
	s0 =	simm.s32 $0xE;
	s14 =	sadd.s32 $0x9C40, s31  }
.LBB2_9:
0x14: {  	_ =	swait.ge [sflag:s0], $0x1400  }
0x15: {  	[sflag:s0] =	ssyncset.done $0x0  }
0x16: {  	[sflag:s0] =	ssyncadd.s32 $0xFFFFEC00  }
0x17: {  	_ =	swait.ge [sflag:s20], $0x1400  }
0x18: {  	[sflag:s20] =	ssyncset.done $0x0  }
0x19: {  	[sflag:s20] =	ssyncadd.s32 $0xFFFFEC00  }
0x1a: {  	_ =	swait.ge [sflag:s21], $0x1400  }
0x1b: {  	[sflag:s21] =	ssyncset.done $0x0  }
0x1c: {  	[sflag:s21] =	ssyncadd.s32 $0xFFFFEC00  }
0x1d: {  	_ =	swait.ge [sflag:s22], $0x1400  }
0x1e: {  	[sflag:s22] =	ssyncset.done $0x0  }
0x1f: {  	[sflag:s22] =	ssyncadd.s32 $0xFFFFEC00  }
0x20: {  	_ =	swait.ge [sflag:s23], $0x1400  }
0x21: {  	[sflag:s23] =	ssyncset.done $0x0  }
0x22: {  	[sflag:s23] =	ssyncadd.s32 $0xFFFFEC00  }
0x23: {  	_ =	swait.ge [sflag:s24], $0x1400  }
0x24: {  	[sflag:s24] =	ssyncset.done $0x0  }
0x25: {  	[sflag:s24] =	ssyncadd.s32 $0xFFFFEC00  }
0x26: {  	_ =	swait.ge [sflag:s25], $0x1400  }
0x27: {  	[sflag:s25] =	ssyncset.done $0x0  }
0x28: {  	[sflag:s25] =	ssyncadd.s32 $0xFFFFEC00  }
0x29: {  	s1 =	stileid.u32;
	_ =	swait.ge [sflag:s26], $0x1400  }
0x2a: {  	s6 =	sshrl.u32 s5, $0x3;
	s28 =	sadd.s32 $0x1, s28;
	[sflag:s26] =	ssyncset.done $0x0  }
0x2b: {  	s1 =	sshll.u32 s1, $0x6;
	p0 =	sne.s32 s28, s16;
	[sflag:s26] =	ssyncadd.s32 $0xFFFFEC00  }
.Ltmp1:
0x2c: {  	s1 =	sor.u32 $0x1C11, s1;
	[bflag:$0x0] =	sbarrier.arrive $0xFFFF;
	(pc) =	sbr.rel @!p0 .LBB2_10-.Ltmp1, $4  }
0x2d: {  	[hbm:s15], [sflag:s1] =	dma.local [spmem:s6], $0x13C0  }
0x2e: {  	_ =	swait.ge [sflag:s18], $0x13C0  }
0x2f: {  	[sflag:s18] =	ssyncset.done $0x0  }
0x30: {  	[sflag:s18] =	ssyncadd.s32 $0xFFFFEC40  }
.LBB2_1:
0x31: {  	s30 =	simm.s32 $0x100;
	s29 =	simm.s32 $0x0  }
.LBB2_2:
0x32: {  	p0 =	sne.s32 s30, $0x4E00;
	[tilespmem:s29+$0xEE50] =	vst v0;
	s1 =	smov.u32 s30;
	s30 =	sadd.s32 $0x100, s30  }
.Ltmp2:
0x33: {  	[tilespmem:s29+$0xEE40] =	vst v0;
	(pc) =	sbr.rel @p0 .LBB2_2-.Ltmp2, $3  }
0x34: {  	[tilespmem:s29+$0xEE20] =	vst v0  }
0x35: {  	[tilespmem:s29+$0xEE30] =	vst v0;
	_ =	sdelay $0x1  }
0x36: {  	s29 =	sshra.s32 s1, $0x2  }
0x37: {  	[tilespmem:s29+$0xEE50] =	vst v0  }
0x38: {  	[tilespmem:s29+$0xEE40] =	vst v0  }
0x39: {  	[tilespmem:s29+$0xEE20] =	vst v0  }
0x3a: {  	[tilespmem:s29+$0xEE30] =	vst v0  }
0x3b: {  	[spmem:s5] =	stream.linear.scatter [tilespmem:s17], [sflag:$0x11], $0x13C0, $0x38;
	[tilespmem:$0x19FE0] =	vst v63  }
0x3c: {  	_ =	swait.ge [sflag:s18], $0x13C0  }
0x3d: {  	[sflag:s18] =	ssyncset.done $0x0  }
0x3e: {  	s1 =	rddreg [dreg:$0x3];
	[sflag:s18] =	ssyncadd.s32 $0xFFFFEC40  }
0x3f: {  	[spmem:s1] =	stream.linear.scatter [tilespmem:s17], [sflag:$0x11], $0x13C0, $0x38;
	[tilespmem:$0x19FE0] =	vst v63  }
0x40: {  	_ =	swait.ge [sflag:s18], $0x13C0  }
0x41: {  	[sflag:s18] =	ssyncset.done $0x0  }
0x42: {  	s6 =	rddreg [dreg:$0x4];
	[sflag:s18] =	ssyncadd.s32 $0xFFFFEC40  }
0x43: {  	[spmem:s6] =	stream.linear.scatter [tilespmem:s17], [sflag:$0x11], $0x13C0, $0x38;
	[tilespmem:$0x19FE0] =	vst v63  }
0x44: {  	_ =	swait.ge [sflag:s18], $0x13C0  }
0x45: {  	[sflag:s18] =	ssyncset.done $0x0  }
0x46: {  	[sflag:s18] =	ssyncadd.s32 $0xFFFFEC40  }
0x47: {  	[spmem:s8] =	stream.linear.scatter [tilespmem:s17], [sflag:$0x11], $0x13C0, $0x38;
	[tilespmem:$0x19FE0] =	vst v63  }
0x48: {  	_ =	swait.ge [sflag:s18], $0x13C0  }
0x49: {  	[sflag:s18] =	ssyncset.done $0x0  }
0x4a: {  	[sflag:s18] =	ssyncadd.s32 $0xFFFFEC40  }
0x4b: {  	[spmem:s9] =	stream.linear.scatter [tilespmem:s17], [sflag:$0x11], $0x13C0, $0x38;
	[tilespmem:$0x19FE0] =	vst v63  }
0x4c: {  	_ =	swait.ge [sflag:s18], $0x13C0  }
0x4d: {  	[sflag:s18] =	ssyncset.done $0x0  }
0x4e: {  	[sflag:s18] =	ssyncadd.s32 $0xFFFFEC40  }
0x4f: {  	[spmem:s10] =	stream.linear.scatter [tilespmem:s17], [sflag:$0x11], $0x13C0, $0x38;
	[tilespmem:$0x19FE0] =	vst v63  }
0x50: {  	_ =	swait.ge [sflag:s18], $0x13C0  }
0x51: {  	[sflag:s18] =	ssyncset.done $0x0  }
0x52: {  	[sflag:s18] =	ssyncadd.s32 $0xFFFFEC40  }
0x53: {  	[spmem:s11] =	stream.linear.scatter [tilespmem:s17], [sflag:$0x11], $0x13C0, $0x38;
	[tilespmem:$0x19FE0] =	vst v63  }
0x54: {  	_ =	swait.ge [sflag:s18], $0x13C0  }
0x55: {  	[sflag:s18] =	ssyncset.done $0x0  }
0x56: {  	[sflag:s18] =	ssyncadd.s32 $0xFFFFEC40  }
0x57: {  	[spmem:s12] =	stream.linear.scatter [tilespmem:s17], [sflag:$0x11], $0x13C0, $0x38;
	[tilespmem:$0x19FE0] =	vst v63  }
0x58: {  	_ =	swait.ge [sflag:s18], $0x13C0  }
0x59: {  	[sflag:s18] =	ssyncset.done $0x0  }
0x5a: {  	[sflag:s18] =	ssyncadd.s32 $0xFFFFEC40  }
0x5b: {  	[bflag:$0x0] =	sbarrier.arrive $0xFFFF  }
0x5c: {  	[tilespmem:s3], [sflag:$0x11] =	stream.linear.gather [hbm4b:s13+s3], $0x2710, $0x38;
	[tilespmem:$0x19FE0] =	vst v63  }
0x5d: {  	_ =	swait.ge [sflag:s18], $0x2710  }
0x5e: {  	[sflag:s18] =	ssyncset.done $0x0  }
0x5f: {  	s29 =	simm.s32 $0x2710;
	[sflag:s18] =	ssyncadd.s32 $0xFFFFD8F0  }
0x60: {  	[tilespmem:s29], [sflag:$0x11] =	stream.linear.gather [hbm4b:s14+s3], $0x2710, $0x38;
	[tilespmem:$0x19FE0] =	vst v63  }
0x61: {  	_ =	swait.ge [sflag:s18], $0x2710  }
0x62: {  	[sflag:s18] =	ssyncset.done $0x0  }
0x63: {  	s7 =	simm.s32 $0x4E20;
	[sflag:s18] =	ssyncadd.s32 $0xFFFFD8F0  }
0x64: {  	[tilespmem:s7], [sflag:$0x1] =	stream.indirect.gather [hbm4b:s4+s19], $0x40, s3, s19, $0xb8;
	[tilespmem:$0x19FE0] =	vst v63  }
0x65: {  	s6 =	simm.s32 $0x6220  }
0x66: {  	[tilespmem:s6], [sflag:$0x2] =	stream.indirect.gather [hbm4b:s4+s19], $0x40, s19, s19, $0xb8;
	[tilespmem:$0x19FE0] =	vst v63  }
0x67: {  	s7 =	simm.s32 $0xA0;
	s6 =	simm.s32 $0x7620  }
0x68: {  	[tilespmem:s6], [sflag:$0x3] =	stream.indirect.gather [hbm4b:s4+s19], $0x40, s7, s19, $0xb8;
	[tilespmem:$0x19FE0] =	vst v63  }
0x69: {  	s6 =	simm.s32 $0xF0;
	s7 =	simm.s32 $0x8A20  }
0x6a: {  	[tilespmem:s7], [sflag:$0x4] =	stream.indirect.gather [hbm4b:s4+s19], $0x40, s6, s19, $0xb8;
	[tilespmem:$0x19FE0] =	vst v63  }
0x6b: {  	s6 =	simm.s32 $0x140;
	s7 =	simm.s32 $0x9E20  }
0x6c: {  	[tilespmem:s7], [sflag:$0x5] =	stream.indirect.gather [hbm4b:s4+s19], $0x40, s6, s19, $0xb8;
	[tilespmem:$0x19FE0] =	vst v63  }
.Ltmp3:
0x6d: {  	_ = 	snop;
	(pc) =	sbr.rel .LBB2_4-.Ltmp3, $4  }
0x6e: {  	s31 =	simm.s32 $0xFFFFFFFF;
	s6 =	simm.s32 $0x190;
	s7 =	simm.s32 $0xB220  }
0x6f: {  	[tilespmem:s7], [sflag:$0x6] =	stream.indirect.gather [hbm4b:s4+s19], $0x40, s6, s19, $0xb8;
	[tilespmem:$0x19FE0] =	vst v63  }
0x70: {  	s30 =	simm.s32 $0x230;
	s6 =	simm.s32 $0x1E0;
	s7 =	simm.s32 $0xC620  }
0x71: {  	[tilespmem:s7], [sflag:$0x7] =	stream.indirect.gather [hbm4b:s4+s19], $0x40, s6, s19, $0xb8;
	[tilespmem:$0x19FE0] =	vst v63  }
.LBB2_5:
0x72: {  	s6 =	sadd.s32 $0x9, s1  }
0x73: {  	_ =	swait.ge [sflag:s6], $0x1400  }
0x74: {  	[sflag:s6] =	ssyncset.done $0x0  }
0x75: {  	[sflag:s6] =	ssyncadd.s32 $0xFFFFEC00  }
.LBB2_7:
0x76: {  	s6 =	smul.u32 $0x5000, s1;
	_ =	sdelay $0x1  }
0x77: {  	s6 =	sshrl.u32 s6, $0x2  }
0x78: {  	s7 =	sadd.s32 $0x1, s1;
	s6 =	sadd.s32 $0x4E20, s6  }
0x79: {  	[tilespmem:s6], [sflag:s7] =	stream.indirect.gather [hbm4b:s4+s19], $0x40, s30, s19, $0xb8;
	[tilespmem:$0x19FE0] =	vst v63  }
.LBB2_8:
0x7a: {  	s1 =	sand.u32 $0x7, s31  }
0x7b: {  	p0 =	sne.s32 s31, $0x7C;
	s6 =	sadd.s32 $0x1, s1;
	s7 =	smul.u32 $0x5000, s1  }
.Ltmp4:
0x7c: {  	_ =	swait.ge [sflag:s6], $0x1400;
	(pc) =	sbr.rel @!p0 .LBB2_9-.Ltmp4, $4  }
0x7d: {  	[sflag:s6] =	ssyncset.done $0x0;
	s7 =	sshrl.u32 s7, $0x2  }
0x7e: {  	s1 =	sadd.s32 $0x9, s1;
	[sflag:s6] =	ssyncadd.s32 $0xFFFFEC00;
	s7 =	sadd.s32 $0x4E20, s7  }
0x7f: {  	[spmem:s2] =	stream.indirect.scatter.add.f32 [tilespmem:s7], [sflag:s1], $0x40, s29, s19, $0xb8;
	[tilespmem:$0x19FE0] =	vst v63  }
0x80: {  	s30 =	sadd.s32 $0x50, s30;
	s29 =	sadd.s32 $0x50, s29  }
.LBB2_4:
0x81: {  	p0 =	sgt.u32 s31, $0x74  }
.Ltmp5:
0x82: {  	_ = 	snop;
	(pc) =	sbr.rel @!p0 .LBB2_5-.Ltmp5, $3  }
0x83: {  	_ =	sdelay $0x1  }
0x84: {  	s1 =	sadd.s32 $0x8, s31  }
0x85: {  	s31 =	sadd.s32 $0x1, s31;
	s1 =	sand.u32 $0x7, s1  }
0x86: {  	p0 =	sgt.u32 s31, $0x75  }
.Ltmp6:
0x87: {  	_ = 	snop;
	(pc) =	sbr.rel @p0 .LBB2_8-.Ltmp6, $4  }
.Ltmp7:
0x88: {  	_ = 	snop;
	(pc) =	sbr.rel @!p0 .LBB2_7-.Ltmp7, $4  }
0x89: {  	_ = 	snop  }
0x8a: {  	_ = 	snop  }
0x8b: {  	_ = 	snop  }
0x8c: {  	_ = 	snop  }
.LBB2_10:
0x8d: {  	_ =	sfence.sel $0x180000  }
0x8e: {  	[bflag:$0x0] =	sbarrier.arrive $0xFFFF  }
0x8f: {  	_ =	strace $0x9000004A  }
0x90: {  	s0 =	stileid.u32;
	[bflag:$0x2] =	sbarrier.arrive $0xFFFF  }
0x91: {  	p0 =	sne.s32 s0, $0x0;
	s0 =	rddreg [dreg:$0x2]  }
0x92: {  	s0 =	sadd.s32 @!p0 $0x100000, s0  }
0x93: {  	[sflag:s0] =	ssyncadd.tile.s32 @!p0 $0x1;
	_ =	shalt  }
.Lfunc_end2:
_tile_overlayer_lowered:
.L_overlay_start_2:
0x94: {  	(tag) =	ssettag $0x2  }
0x95: {  	s0 =	rddreg [dreg:$0x0];
	s2 =	stileid.u32  }
0x96: {  	s1 =	rddreg [dreg:$0x1];
	p0 =	sne.s32 s2, $0x0  }
0x97: {  	s3 =	rddreg [dreg:$0x2];
	[bflag:$0x3] =	sbarrier.arrive $0xFFFF;
	s2 =	simm.s32 @!p0 $0x1C11  }
0x98: {  	[timem:s3], [sflag:s2] =	dma.local @!p0 [hbm:s0], s1  }
0x99: {  	s0 =	simm.s32 @!p0 $0x11  }
0x9a: {  	_ =	swait.ge @!p0 [sflag:s0], s1  }
0x9b: {  	s1 =	ssub.s32 @!p0 $0x0, s1;
	[sflag:s0] =	ssyncset.done @!p0 $0x0  }
0x9c: {  	[sflag:s0] =	ssyncadd.s32 @!p0 s1  }
0x9d: {  	[bflag:$0x3] =	sbarrier.arrive $0xFFFF  }
0x9e: {  	_ =	shalt  }

// kernel: kernel.8.cloned.1.call-start
scs
__scs_entry_jumppad:
0x0: {  	(pc) =	sbr.rel $0x88, $3  }
0x1: {  	(tag) =	ssettag $0x0;
	lr =	simm.s32 $0x1  }
0x2: {  	[smem:$0x3F8F] =	sst lr;
	_ =	strace $0xD0000000  }
0x3: {  	_ = 	snop  }
0x4: {  	_ = 	snop  }
0x5: {  	_ = 	snop  }
0x6: {  	_ = 	snop  }
0x7: {  	_ = 	snop  }
__scs_overlays_trampoline_lowered:
0x8: {  	[smem:$0x3F9E] =	sst s0  }
0x9: {  	[smem:$0x3F9F] =	sst s1  }
0xa: {  	[smem:$0x3FA0] =	sst s2  }
0xb: {  	[smem:$0x3FA1] =	sst s3  }
0xc: {  	[smem:$0x3FA2] =	sst s4  }
0xd: {  	[smem:$0x3FA3] =	sst s5  }
0xe: {  	[smem:$0x3FA4] =	sst s6  }
0xf: {  	[smem:$0x3FA5] =	sst s7  }
0x10: {  	[smem:$0x3FA6] =	sst s8  }
0x11: {  	[smem:$0x3FA7] =	sst s9;
	s0 =	simm.s32 @!p0 $0x0  }
0x12: {  	s1 =	sld [smem:$0x3F8D];
	s0 =	simm.s32 @p0 $0x1  }
0x13: {  	[smem:$0x3FA8] =	sst s0;
	s0 =	simm.s32 @!p1 $0x0  }
0x14: {  	s2 =	sld [smem:$0x3F8C];
	s0 =	simm.s32 @p1 $0x1  }
0x15: {  	[smem:$0x3FA9] =	sst s0;
	s0 =	simm.s32 @!p2 $0x0  }
0x16: {  	s3 =	sld [smem:$0x3FDB];
	s0 =	simm.s32 @p2 $0x1  }
0x17: {  	s4 =	simm.s32 $0x1BF5;
	[smem:$0x3FAB] =	sst s0  }
0x18: {  	s0 =	sld [smem:$0x3F8E];
	_ =	swait.ge [sflag:s4], $0x0  }
0x19: {  	s7 =	sld [smem:$0x3F8F]  }
0x1a: {  	s8 =	sadd.s32 $0xFFFFE003, lr  }
0x1b: {  	s9 =	sadd.s32 $0xFFFFFEF7, lr;
	s5 =	simm.s32 $0xFFFFFFFF;
	p2 =	slt.u32 s8, $0xFFFFF086  }
0x1c: {  	p1 =	slt.u32 s9, $0xF7A;
	s5 =	simm.s32 @!p2 $0x0  }
0x1d: {  	s5 =	simm.s32 @p1 $0x1;
	p0 =	seq.s32 s7, s2  }
0x1e: {  	s7 =	smul.u32 @!p0 $0xF7A, s2;
	p2 =	seq.s32 @!p0 s5, $0x0  }
0x1f: {  	s9 =	smul.u32 $0xF7A, s1;
	s8 =	simm.s32 @!p0 $0x1BF5;
	p2 =	por !p2, p0  }
0x20: {  	[sflag:s8] =	ssyncset.s32 @!p0 $0xFFFFF086;
	s6 =	sadd.s32 @!p0 s3, s7;
	s7 =	simm.s32 @!p0 $0x108  }
0x21: {  	s3 =	sadd.s32 s3, s9;
	s6 =	sadd.s32 @!p0 $0x88, s6;
	s7 =	simm.s32 @p2 $0x1082  }
0x22: {  	[simem:s7], [sflag:s8] =	dma.local @!p0 [hbm:s6], $0xF7A  }
0x23: {  	s9 =	sor.u32 $0xD0000000, s2;
	s6 =	simm.s32 $0x108;
	_ =	swait.ge @!p0 [sflag:s8], $0x0  }
0x24: {  	s3 =	sadd.s32 $0x88, s3;
	s6 =	simm.s32 @!p1 $0x1082;
	[sflag:s4] =	ssyncset.s32 $0xFFFFF086  }
0x25: {  	[simem:s6], [sflag:s4] =	dma.local [hbm:s3], $0xF7A  }
0x26: {  	[smem:$0x3F8F] =	sst s1;
	(tag) =	ssettag s2;
	_ =	strace s9  }
0x27: {  	s1 =	sld [smem:$0x3F9F]  }
0x28: {  	s2 =	sld [smem:$0x3FA0]  }
0x29: {  	s4 =	sld [smem:$0x3FA2]  }
0x2a: {  	p0 =	seq.s32 s5, $0x0;
	s5 =	sld [smem:$0x3FA3]  }
0x2b: {  	s6 =	sld [smem:$0x3FA4]  }
0x2c: {  	s7 =	sld [smem:$0x3FA5]  }
0x2d: {  	s3 =	simm.s32 $0x108;
	s8 =	sld [smem:$0x3FA6]  }
0x2e: {  	s3 =	simm.s32 @!p0 $0x1082;
	s9 =	sld [smem:$0x3FA7]  }
0x2f: {  	lr =	sadd.s32 s0, s3;
	s0 =	sld [smem:$0x3F9E]  }
0x30: {  	s3 =	sld [smem:$0x3FA1]  }
0x31: {  	[smem:$0x3FAA] =	sst s10  }
0x32: {  	s10 =	sld [smem:$0x3FA8];
	_ =	sdelay $0x3  }
0x33: {  	p0 =	seq.s32 s10, $0x1;
	s10 =	sld [smem:$0x3FAA];
	_ =	sdelay $0x3  }
0x34: {  	[smem:$0x3FAA] =	sst s10  }
0x35: {  	s10 =	sld [smem:$0x3FA9];
	_ =	sdelay $0x3  }
0x36: {  	p1 =	seq.s32 s10, $0x1;
	s10 =	sld [smem:$0x3FAA];
	_ =	sdelay $0x3  }
0x37: {  	[smem:$0x3FAA] =	sst s10  }
0x38: {  	s10 =	sld [smem:$0x3FAB]  }
0x39: {  	_ = 	snop;
	(pc) =	sbr.ind lr, $3  }
0x3a: {  	_ = 	snop  }
0x3b: {  	_ = 	snop  }
0x3c: {  	p2 =	seq.s32 s10, $0x1;
	s10 =	sld [smem:$0x3FAA]  }
0x3d: {  	_ =	shalt  }
0x3e: {  	_ =	shalt  }
0x3f: {  	_ =	shalt  }
0x40: {  	_ =	shalt  }
0x41: {  	_ =	shalt  }
0x42: {  	_ =	shalt  }
0x43: {  	_ =	shalt  }
0x44: {  	_ =	shalt  }
0x45: {  	_ =	shalt  }
0x46: {  	_ =	shalt  }
0x47: {  	_ =	shalt  }
0x48: {  	_ =	shalt  }
0x49: {  	_ =	shalt  }
0x4a: {  	_ =	shalt  }
0x4b: {  	_ =	shalt  }
0x4c: {  	_ =	shalt  }
0x4d: {  	_ =	shalt  }
0x4e: {  	_ =	shalt  }
0x4f: {  	_ =	shalt  }
0x50: {  	_ =	shalt  }
0x51: {  	_ =	shalt  }
0x52: {  	_ =	shalt  }
0x53: {  	_ =	shalt  }
0x54: {  	_ =	shalt  }
0x55: {  	_ =	shalt  }
0x56: {  	_ =	shalt  }
0x57: {  	_ =	shalt  }
0x58: {  	_ =	shalt  }
0x59: {  	_ =	shalt  }
0x5a: {  	_ =	shalt  }
0x5b: {  	_ =	shalt  }
0x5c: {  	_ =	shalt  }
0x5d: {  	_ =	shalt  }
0x5e: {  	_ =	shalt  }
0x5f: {  	_ =	shalt  }
0x60: {  	_ =	shalt  }
0x61: {  	_ =	shalt  }
0x62: {  	_ =	shalt  }
0x63: {  	_ =	shalt  }
0x64: {  	_ =	shalt  }
0x65: {  	_ =	shalt  }
0x66: {  	_ =	shalt  }
0x67: {  	_ =	shalt  }
0x68: {  	_ =	shalt  }
0x69: {  	_ =	shalt  }
0x6a: {  	_ =	shalt  }
0x6b: {  	_ =	shalt  }
0x6c: {  	_ =	shalt  }
0x6d: {  	_ =	shalt  }
0x6e: {  	_ =	shalt  }
0x6f: {  	_ =	shalt  }
0x70: {  	_ =	shalt  }
0x71: {  	_ =	shalt  }
0x72: {  	_ =	shalt  }
0x73: {  	_ =	shalt  }
0x74: {  	_ =	shalt  }
0x75: {  	_ =	shalt  }
0x76: {  	_ =	shalt  }
0x77: {  	_ =	shalt  }
0x78: {  	_ =	shalt  }
0x79: {  	_ =	shalt  }
0x7a: {  	_ =	shalt  }
0x7b: {  	_ =	shalt  }
0x7c: {  	_ =	shalt  }
0x7d: {  	_ =	shalt  }
0x7e: {  	_ =	shalt  }
0x7f: {  	_ =	shalt  }
0x80: {  	_ =	shalt  }
0x81: {  	_ =	shalt  }
0x82: {  	_ =	shalt  }
0x83: {  	_ =	shalt  }
0x84: {  	_ =	shalt  }
0x85: {  	_ =	shalt  }
0x86: {  	_ =	shalt  }
0x87: {  	_ =	shalt  }
.Lfunc_end0:
.L_simem_size_0:
called_computation_lowered:
.L_overlay_start_0:
0x88: {  	s2 =	sld [smem:$0x3FD9]  }
0x89: {  	s3 =	sld [smem:$0x3FFE];
	_ =	sdelay $0x1  }
0x8a: {  	s1 =	srdreg.scid  }
0x8b: {  	s0 =	sand.u32 $0x1, s1  }
0x8c: {  	s16 =	sshll.u32 s0, $0xA;
	s2 =	sadd.s32 s3, s2  }
0x8d: {  	s2 =	sadd.s32 s2, s16  }
0x8e: {  	[smem:$0x3FB6] =	sst s2  }
0x8f: {  	_ = 	snop  }
0x90: {  	(tm) =	ssettm $0x1  }
0x91: {  	s17 =	sld [smem:$0x3FFB];
	_ =	sdelay $0x3  }
0x92: {  	_ =	strace s17  }
0x93: {  	s2 =	sld [smem:$0x3FFC];
	_ =	sdelay $0x3  }
0x94: {  	_ =	strace s2  }
0x95: {  	s2 =	sld [smem:$0x3FFD];
	_ =	sdelay $0x3  }
0x96: {  	_ =	strace s2  }
0x97: {  	_ =	strace $0x8FFFFFFF  }
0x98: {  	s18 =	sld [smem:$0x3FDB];
	_ =	sdelay $0x1  }
0x99: {  	s19 =	simm.s32 $_scs_section_size  }
0x9a: {  	s4 =	simm.s32 $_size__tile_overlayer_lowered;
	s5 =	simm.s32 $_tile_overlayer_lowered  }
0x9b: {  	s22 =	simm.s32 $0x1BFF;
	s21 =	sshll.u32 s5, $0x1;
	s2 =	sadd.s32 s19, s18  }
0x9c: {  	s6 =	simm.s32 $0x0;
	s20 =	sshll.u32 s4, $0x1;
	s4 =	sadd.s32 s21, s2  }
0x9d: {  	[timem:s6], [sflag:s22] =	dma.local [hbm:s4], s20  }
0x9e: {  	_ =	swait.ge [sflag:s22], s20  }
0x9f: {  	s3 =	ssub.s32 $0x0, s20;
	[sflag:s22] =	ssyncset.done $0x0  }
0xa0: {  	[sflag:s22] =	ssyncadd.s32 s3;
	_ =	sdelay $0x1  }
0xa1: {  	s23 =	simm.s32 $0x1B8B  }
0xa2: {  	_ =	swait.ge [sflag:s23], $0x1  }
0xa3: {  	[sflag:s23] =	ssyncset.done $0x0  }
0xa4: {  	s25 =	simm.s32 $0x1B8E;
	s24 =	sld [smem:$0x3FFE];
	[sflag:s23] =	ssyncadd.s32 $0xFFFFFFFF  }
0xa5: {  	s26 =	simm.s32 $execute0_lowered;
	[smem:$0x3FD2] =	sst s25  }
0xa6: {  	s4 =	sshll.u32 s26, $0x1;
	_ =	strace $0x80000046;
	[dreg:$0x1] =	wrdreg $0xFFFFFFFF  }
0xa7: {  	s28 =	simm.s32 $_size_execute0_lowered;
	s2 =	sadd.s32 s2, s4;
	[dreg:$0x0] =	wrdreg $0x0  }
0xa8: {  	s4 =	sshll.u32 s28, $0x1;
	[dreg:$0x2] =	wrdreg s2  }
0xa9: {  	[dreg:$0x3] =	wrdreg s4  }
0xaa: {  	[dreg:$0x4] =	wrdreg $0xC0  }
0xab: {  	_ =	task [dreg:s6], $0x5FFFF  }
0xac: {  	[dreg:$0x1] =	wrdreg $0xFFFFFFFF  }
0xad: {  	[dreg:$0x0] =	wrdreg $0x60  }
0xae: {  	[dreg:$0x2] =	wrdreg s24  }
0xaf: {  	[dreg:$0x3] =	wrdreg $0x129600  }
0xb0: {  	[dreg:$0x4] =	wrdreg $0x9  }
0xb1: {  	_ =	task.clear_ibuf [dreg:s6], $0x5FFFF;
	_ =	strace $0x90000046  }
0xb2: {  	s29 =	simm.s32 $0x9;
	_ =	strace $0x80000048  }
0xb3: {  	_ =	swait.ge [sflag:s29], $0x1  }
0xb4: {  	[sflag:s29] =	ssyncadd.s32 $0xFFFFFFFF  }
0xb5: {  	_ =	strace $0x90000048  }
0xb6: {  	_ =	sfence  }
0xb7: {  	s30 =	sld [smem:$0x0];
	_ =	sdelay $0x2  }
0xb8: {  	s31 =	sshll.u32 s1, $0xD;
	s1 =	sshrl.u32 s1, $0x2  }
0xb9: {  	s3 =	sand.u32 $0x4000, s31;
	s1 =	sadd.s32 s1, s30  }
0xba: {  	s0 =	sor.u32 s3, s0;
	s1 =	sshll.u32 s1, $0x11  }
0xbb: {  	s0 =	sor.u32 s1, s0  }
0xbc: {  	s0 =	sadd.s32 $0x8F2B, s0  }
0xbd: {  	[sflag:s0] =	ssyncadd.remote.s32 $0x1  }
0xbe: {  	_ =	sfence.sel $0xFFFF  }
0xbf: {  	[dreg:$0x0] =	wrdreg $0xFFFFFFFF;
	(pc) =	sbr.abs _section_cstart, $3  }
0xc0: {  	[dreg:$0x1] =	wrdreg $0xFFFFFFFF  }
0xc1: {  	_ =	task.clear_ibuf [dreg:s6], $0x2FFFF;
	_ =	strace $0x9FFFFFFF  }
0xc2: {  	(tm) =	ssettm $0x7FFFFFFF  }
0xc3: {  	_ =	shalt  }
tec
execute0_lowered:
.L_overlay_start_1:
0x0: {  	(tag) =	ssettag $0x1  }
0x1: {  	s0 =	rddreg [dreg:$0x0]  }
0x2: {  	s2 =	rddreg [dreg:$0x1];
	s3 =	simm.s32 $0x0  }
0x3: {  	s1 =	srdreg.scid;
	s9 =	stileid.u32;
	s18 =	simm.s32 $0xEE20  }
0x4: {  	s19 =	simm.s32 $0x11;
	s20 =	simm.s32 $0x50;
	s21 =	simm.s32 $0x101E0  }
0x5: {  	s22 =	simm.s32 $0xE;
	s28 =	simm.s32 $0xB;
	s29 =	simm.s32 $0xC  }
0x6: {  	s30 =	simm.s32 $0xD;
	s31 =	simm.s32 $0x0;
	[smem:$0x7FF] =	sst s3  }
0x7: {  	s1 =	sand.u32 $0x1, s1;
	s5 =	smul.u32 $0x9E00, s9;
	s4 =	sadd.s32 $0x4A00, s0  }
0x8: {  	s7 =	sadd.s32 $0x18400, s0;
	s6 =	smul.u32 $0x9E000, s1;
	s8 =	sshll.u32 s1, $0x4  }
0x9: {  	s1 =	ssub.s32 $0x2, s1;
	s8 =	sor.u32 s9, s8;
	s9 =	smul.u32 $0x27800, s9  }
0xa: {  	_ =	strace $0x80000047;
	s11 =	sshrl.u32 s1, $0x1;
	s10 =	smul.u32 $0x4F0, s8  }
0xb: {  	s6 =	sadd.s32 s5, s6;
	s1 =	ssub.s32 s1, s11;
	s23 =	smul.u32 $0x2710, s8  }
0xc: {  	s5 =	sadd.s32 s5, s2;
	s8 =	smul.u32 $0x4E2, s8;
	s6 =	sshrl.u32 s6, $0x3  }
0xd: {  	s9 =	sshrl.u32 s9, $0x2;
	s17 =	smax.u32 s1, $0x1;
	s6 =	sadd.s32 s6, s0  }
0xe: {  	s0 =	sadd.s32 s10, s0;
	s12 =	sadd.s32 s9, s2;
	s13 =	sshrl.u32 s23, $0x3  }
0xf: {  	s23 =	simm.s32 $0xF;
	s9 =	sadd.s32 $0x13C0, s12;
	s24 =	sadd.s32 $0x2780, s12  }
0x10: {  	s25 =	sadd.s32 $0x3B40, s12;
	s26 =	sadd.s32 $0x4F00, s12;
	s10 =	sadd.s32 $0x62C0, s12  }
.Ltmp0:
0x11: {  	s11 =	sadd.s32 $0x7680, s12;
	[dreg:$0x3] =	wrdreg s9;
	(pc) =	sbr.rel .LBB2_1-.Ltmp0, $4  }
0x12: {  	s12 =	sadd.s32 $0x8A40, s12;
	s14 =	sadd.s32 s7, s13;
	[dreg:$0x4] =	wrdreg s24  }
0x13: {  	s13 =	sadd.s32 s7, s8;
	s15 =	sadd.s32 $0x2BE00, s6;
	[dreg:$0x5] =	wrdreg s25  }
0x14: {  	s16 =	sadd.s32 $0x53600, s0;
	[dreg:$0x6] =	wrdreg s26;
	s14 =	sadd.s32 $0x9C40, s14  }
0x15: {  	v0 =	vimm.f32 $0.0e+00;
	v1 =	vimm.f32 $1.000000000e+00;
	s24 =	simm.s32 $0x10;
	s25 =	simm.s32 $0x9;
	s26 =	simm.s32 $0xA  }
.LBB2_11:
0x16: {  	_ =	swait.ge [sflag:s22], $0x1400  }
0x17: {  	[sflag:s22] =	ssyncset.done $0x0  }
0x18: {  	[sflag:s22] =	ssyncadd.s32 $0xFFFFEC00  }
0x19: {  	_ =	swait.ge [sflag:s23], $0x1400  }
0x1a: {  	[sflag:s23] =	ssyncset.done $0x0  }
0x1b: {  	[sflag:s23] =	ssyncadd.s32 $0xFFFFEC00  }
0x1c: {  	_ =	swait.ge [sflag:s24], $0x1400  }
0x1d: {  	[sflag:s24] =	ssyncset.done $0x0  }
0x1e: {  	[sflag:s24] =	ssyncadd.s32 $0xFFFFEC00  }
0x1f: {  	_ =	swait.ge [sflag:s25], $0x1400  }
0x20: {  	[sflag:s25] =	ssyncset.done $0x0  }
0x21: {  	[sflag:s25] =	ssyncadd.s32 $0xFFFFEC00  }
0x22: {  	_ =	swait.ge [sflag:s26], $0x1400  }
0x23: {  	[sflag:s26] =	ssyncset.done $0x0  }
0x24: {  	[sflag:s26] =	ssyncadd.s32 $0xFFFFEC00  }
0x25: {  	_ =	swait.ge [sflag:s28], $0x1400  }
0x26: {  	[sflag:s28] =	ssyncset.done $0x0  }
0x27: {  	[sflag:s28] =	ssyncadd.s32 $0xFFFFEC00  }
0x28: {  	_ =	swait.ge [sflag:s29], $0x1400  }
0x29: {  	[sflag:s29] =	ssyncset.done $0x0  }
0x2a: {  	[sflag:s29] =	ssyncadd.s32 $0xFFFFEC00  }
0x2b: {  	_ =	swait.ge [sflag:s30], $0x1400  }
0x2c: {  	s0 =	stileid.u32;
	[sflag:s30] =	ssyncset.done $0x0  }
0x2d: {  	s0 =	sshll.u32 s0, $0x6;
	[sflag:s30] =	ssyncadd.s32 $0xFFFFEC00  }
0x2e: {  	s1 =	sshrl.u32 s5, $0x3;
	s0 =	sor.u32 $0x1C11, s0;
	[bflag:$0x0] =	sbarrier.arrive $0xFFFF  }
0x2f: {  	[hbm:s15], [sflag:s0] =	dma.local [spmem:s1], $0x13C0  }
0x30: {  	s31 =	sadd.s32 $0x1, s31;
	_ =	swait.ge [sflag:s19], $0x13C0  }
0x31: {  	p0 =	sne.s32 s31, s17;
	[sflag:s19] =	ssyncset.done $0x0  }
.Ltmp1:
0x32: {  	[sflag:s19] =	ssyncadd.s32 $0xFFFFEC40;
	(pc) =	sbr.rel @!p0 .LBB2_12-.Ltmp1, $4  }
0x33: {  	[hbm4b:s16+s3] =	stream.linear.scatter [tilespmem:s21], [sflag:$0x11], $0x2780, $0x38;
	[tilespmem:$0x1C760] =	vst v63  }
0x34: {  	_ =	swait.ge [sflag:s19], $0x2780  }
0x35: {  	[sflag:s19] =	ssyncset.done $0x0  }
0x36: {  	[sflag:s19] =	ssyncadd.s32 $0xFFFFD880  }
.LBB2_1:
0x37: {  	s0 =	simm.s32 $0x0  }
.LBB2_2:
0x38: {  	p0 =	sne.s32 s0, $0x4E00  }
.Ltmp2:
0x39: {  	s1 =	sshra.s32 s0, $0x2;
	(pc) =	sbr.rel @p0 .LBB2_2-.Ltmp2, $4  }
0x3a: {  	[tilespmem:s1+$0xEE20] =	vst v0  }
0x3b: {  	[tilespmem:s1+$0xEE30] =	vst v0  }
0x3c: {  	[tilespmem:s1+$0xEE40] =	vst v0  }
0x3d: {  	s0 =	sadd.s32 $0x100, s0;
	[tilespmem:s1+$0xEE50] =	vst v0  }
0x3e: {  	s0 =	simm.s32 $0x40;
	s1 =	simm.s32 $0x0  }
.LBB2_4:
0x3f: {  	p0 =	sne.s32 s0, $0x9DC0;
	[tilespmem:s1+$0x101E0] =	vst v0;
	s1 =	smov.u32 s0;
	s0 =	sadd.s32 $0x40, s0  }
.Ltmp3:
0x40: {  	(pc) =	sbr.rel @p0 .LBB2_4-.Ltmp3, $2  }
0x41: {  	_ =	sdelay $0x2  }
0x42: {  	s1 =	sshra.s32 s1, $0x2  }
0x43: {  	[tilespmem:s1+$0x101E0] =	vst v0  }
0x44: {  	[spmem:s5] =	stream.linear.scatter [tilespmem:s18], [sflag:$0x11], $0x13C0, $0x38;
	[tilespmem:$0x1C760] =	vst v63  }
0x45: {  	_ =	swait.ge [sflag:s19], $0x13C0  }
0x46: {  	[sflag:s19] =	ssyncset.done $0x0  }
0x47: {  	s0 =	rddreg [dreg:$0x3];
	[sflag:s19] =	ssyncadd.s32 $0xFFFFEC40  }
0x48: {  	[spmem:s0] =	stream.linear.scatter [tilespmem:s18], [sflag:$0x11], $0x13C0, $0x38;
	[tilespmem:$0x1C760] =	vst v63  }
0x49: {  	_ =	swait.ge [sflag:s19], $0x13C0  }
0x4a: {  	[sflag:s19] =	ssyncset.done $0x0  }
0x4b: {  	s9 =	rddreg [dreg:$0x4];
	[sflag:s19] =	ssyncadd.s32 $0xFFFFEC40  }
0x4c: {  	[spmem:s9] =	stream.linear.scatter [tilespmem:s18], [sflag:$0x11], $0x13C0, $0x38;
	[tilespmem:$0x1C760] =	vst v63  }
0x4d: {  	_ =	swait.ge [sflag:s19], $0x13C0  }
0x4e: {  	[sflag:s19] =	ssyncset.done $0x0  }
0x4f: {  	s1 =	rddreg [dreg:$0x5];
	[sflag:s19] =	ssyncadd.s32 $0xFFFFEC40  }
0x50: {  	[spmem:s1] =	stream.linear.scatter [tilespmem:s18], [sflag:$0x11], $0x13C0, $0x38;
	[tilespmem:$0x1C760] =	vst v63  }
0x51: {  	_ =	swait.ge [sflag:s19], $0x13C0  }
0x52: {  	[sflag:s19] =	ssyncset.done $0x0  }
0x53: {  	s6 =	rddreg [dreg:$0x6];
	[sflag:s19] =	ssyncadd.s32 $0xFFFFEC40  }
0x54: {  	[spmem:s6] =	stream.linear.scatter [tilespmem:s18], [sflag:$0x11], $0x13C0, $0x38;
	[tilespmem:$0x1C760] =	vst v63  }
0x55: {  	_ =	swait.ge [sflag:s19], $0x13C0  }
0x56: {  	[sflag:s19] =	ssyncset.done $0x0  }
0x57: {  	[sflag:s19] =	ssyncadd.s32 $0xFFFFEC40  }
0x58: {  	[spmem:s10] =	stream.linear.scatter [tilespmem:s18], [sflag:$0x11], $0x13C0, $0x38;
	[tilespmem:$0x1C760] =	vst v63  }
0x59: {  	_ =	swait.ge [sflag:s19], $0x13C0  }
0x5a: {  	[sflag:s19] =	ssyncset.done $0x0  }
0x5b: {  	[sflag:s19] =	ssyncadd.s32 $0xFFFFEC40  }
0x5c: {  	[spmem:s11] =	stream.linear.scatter [tilespmem:s18], [sflag:$0x11], $0x13C0, $0x38;
	[tilespmem:$0x1C760] =	vst v63  }
0x5d: {  	_ =	swait.ge [sflag:s19], $0x13C0  }
0x5e: {  	[sflag:s19] =	ssyncset.done $0x0  }
0x5f: {  	[sflag:s19] =	ssyncadd.s32 $0xFFFFEC40  }
0x60: {  	[spmem:s12] =	stream.linear.scatter [tilespmem:s18], [sflag:$0x11], $0x13C0, $0x38;
	[tilespmem:$0x1C760] =	vst v63  }
0x61: {  	_ =	swait.ge [sflag:s19], $0x13C0  }
0x62: {  	[sflag:s19] =	ssyncset.done $0x0  }
0x63: {  	[sflag:s19] =	ssyncadd.s32 $0xFFFFEC40  }
0x64: {  	[bflag:$0x0] =	sbarrier.arrive $0xFFFF  }
0x65: {  	[tilespmem:s3], [sflag:$0x11] =	stream.linear.gather [hbm4b:s13+s3], $0x2710, $0x38;
	[tilespmem:$0x1C760] =	vst v63  }
0x66: {  	_ =	swait.ge [sflag:s19], $0x2710  }
0x67: {  	[sflag:s19] =	ssyncset.done $0x0  }
0x68: {  	s0 =	simm.s32 $0x2710;
	[sflag:s19] =	ssyncadd.s32 $0xFFFFD8F0  }
0x69: {  	[tilespmem:s0], [sflag:$0x11] =	stream.linear.gather [hbm4b:s14+s3], $0x2710, $0x38;
	[tilespmem:$0x1C760] =	vst v63  }
0x6a: {  	_ =	swait.ge [sflag:s19], $0x2710  }
0x6b: {  	[sflag:s19] =	ssyncset.done $0x0  }
0x6c: {  	s7 =	simm.s32 $0x4E20;
	[sflag:s19] =	ssyncadd.s32 $0xFFFFD8F0  }
0x6d: {  	[tilespmem:s7], [sflag:$0x1] =	stream.indirect.gather [hbm4b:s4+s20], $0x40, s3, s20, $0xb8;
	[tilespmem:$0x1C760] =	vst v63  }
0x6e: {  	s8 =	simm.s32 $0x6220  }
0x6f: {  	[tilespmem:s8], [sflag:$0x2] =	stream.indirect.gather [hbm4b:s4+s20], $0x40, s20, s20, $0xb8;
	[tilespmem:$0x1C760] =	vst v63  }
0x70: {  	s9 =	simm.s32 $0xA0;
	s6 =	simm.s32 $0x7620  }
0x71: {  	[tilespmem:s6], [sflag:$0x3] =	stream.indirect.gather [hbm4b:s4+s20], $0x40, s9, s20, $0xb8;
	[tilespmem:$0x1C760] =	vst v63  }
0x72: {  	s7 =	simm.s32 $0x8A20;
	s6 =	simm.s32 $0xF0  }
0x73: {  	[tilespmem:s7], [sflag:$0x4] =	stream.indirect.gather [hbm4b:s4+s20], $0x40, s6, s20, $0xb8;
	[tilespmem:$0x1C760] =	vst v63  }
0x74: {  	s8 =	simm.s32 $0x140;
	s9 =	simm.s32 $0x9E20  }
0x75: {  	[tilespmem:s9], [sflag:$0x5] =	stream.indirect.gather [hbm4b:s4+s20], $0x40, s8, s20, $0xb8;
	[tilespmem:$0x1C760] =	vst v63  }
.Ltmp4:
0x76: {  	_ = 	snop;
	(pc) =	sbr.rel .LBB2_6-.Ltmp4, $4  }
0x77: {  	s1 =	simm.s32 $0x7;
	s6 =	simm.s32 $0x190;
	s7 =	simm.s32 $0xB220  }
0x78: {  	[tilespmem:s7], [sflag:$0x6] =	stream.indirect.gather [hbm4b:s4+s20], $0x40, s6, s20, $0xb8;
	[tilespmem:$0x1C760] =	vst v63  }
0x79: {  	s8 =	simm.s32 $0x1E0;
	s9 =	simm.s32 $0xC620;
	s6 =	simm.s32 $0x230  }
0x7a: {  	[tilespmem:s9], [sflag:$0x7] =	stream.indirect.gather [hbm4b:s4+s20], $0x40, s8, s20, $0xb8;
	[tilespmem:$0x1C760] =	vst v63  }
.LBB2_7:
0x7b: {  	s9 =	sadd.s32 $0x9, s8  }
0x7c: {  	_ =	swait.ge [sflag:s9], $0x1400  }
0x7d: {  	[sflag:s9] =	ssyncset.done $0x0  }
0x7e: {  	[sflag:s9] =	ssyncadd.s32 $0xFFFFEC00  }
.LBB2_9:
0x7f: {  	s9 =	smul.u32 $0x5000, s8;
	_ =	sdelay $0x1  }
0x80: {  	s9 =	sshrl.u32 s9, $0x2  }
0x81: {  	s8 =	sadd.s32 $0x1, s8;
	s9 =	sadd.s32 $0x4E20, s9  }
0x82: {  	[tilespmem:s9], [sflag:s8] =	stream.indirect.gather [hbm4b:s4+s20], $0x40, s6, s20, $0xb8;
	[tilespmem:$0x1C760] =	vst v63  }
.LBB2_10:
0x83: {  	v2 =	vld [tilespmem:s0+$0x0];
	_ =	sdelay $0x7  }
0x84: {  	[tilespmem:v2+s21+$0x0] =	vst.idx.add.f32.msk $0xffff, v1  }
0x85: {  	v2 =	vld [tilespmem:s0+$0x10];
	_ =	sdelay $0x7  }
0x86: {  	[tilespmem:v2+s21+$0x0] =	vst.idx.add.f32.msk $0xffff, v1  }
0x87: {  	v2 =	vld [tilespmem:s0+$0x20];
	_ =	sdelay $0x7  }
0x88: {  	[tilespmem:v2+s21+$0x0] =	vst.idx.add.f32.msk $0xffff, v1  }
0x89: {  	v2 =	vld [tilespmem:s0+$0x30];
	_ =	sdelay $0x7  }
0x8a: {  	[tilespmem:v2+s21+$0x0] =	vst.idx.add.f32.msk $0xffff, v1  }
0x8b: {  	v2 =	vld [tilespmem:s0+$0x40];
	_ =	sdelay $0x6  }
0x8c: {  	s7 =	sand.u32 $0x7, s7;
	s1 =	sadd.s32 $0x1, s1  }
0x8d: {  	s8 =	sadd.s32 $0x1, s7;
	s9 =	smul.u32 $0x5000, s7;
	p0 =	sne.s32 s1, $0x84;
	[tilespmem:v2+s21+$0x0] =	vst.idx.add.f32.msk $0xffff, v1  }
.Ltmp5:
0x8e: {  	_ =	swait.ge [sflag:s8], $0x1400;
	(pc) =	sbr.rel @!p0 .LBB2_11-.Ltmp5, $4  }
0x8f: {  	s9 =	sshrl.u32 s9, $0x2;
	[sflag:s8] =	ssyncset.done $0x0  }
0x90: {  	s7 =	sadd.s32 $0x9, s7;
	s9 =	sadd.s32 $0x4E20, s9;
	[sflag:s8] =	ssyncadd.s32 $0xFFFFEC00  }
0x91: {  	[spmem:s2] =	stream.indirect.scatter.add.f32 [tilespmem:s9], [sflag:s7], $0x40, s0, s20, $0xb8;
	[tilespmem:$0x1C760] =	vst v63  }
0x92: {  	s6 =	sadd.s32 $0x50, s6;
	s0 =	sadd.s32 $0x50, s0  }
.LBB2_6:
0x93: {  	s7 =	sadd.s32 $0xFFFFFFF8, s1  }
0x94: {  	p0 =	sgt.u32 s7, $0x74  }
.Ltmp6:
0x95: {  	_ = 	snop;
	(pc) =	sbr.rel @!p0 .LBB2_7-.Ltmp6, $2  }
0x96: {  	_ =	sdelay $0x2  }
0x97: {  	s8 =	sand.u32 $0x7, s1;
	s7 =	sadd.s32 $0xFFFFFFF9, s1  }
0x98: {  	p0 =	sgt.u32 s7, $0x75  }
.Ltmp7:
0x99: {  	_ = 	snop;
	(pc) =	sbr.rel @p0 .LBB2_10-.Ltmp7, $4  }
.Ltmp8:
0x9a: {  	_ = 	snop;
	(pc) =	sbr.rel @!p0 .LBB2_9-.Ltmp8, $4  }
0x9b: {  	_ = 	snop  }
0x9c: {  	_ = 	snop  }
0x9d: {  	_ = 	snop  }
0x9e: {  	_ = 	snop  }
.LBB2_12:
0x9f: {  	_ =	sfence.sel $0x180000  }
0xa0: {  	[bflag:$0x0] =	sbarrier.arrive $0xFFFF  }
0xa1: {  	_ =	strace $0x90000047  }
0xa2: {  	s0 =	stileid.u32;
	[bflag:$0x2] =	sbarrier.arrive $0xFFFF  }
0xa3: {  	p0 =	sne.s32 s0, $0x0;
	s0 =	rddreg [dreg:$0x2]  }
0xa4: {  	s0 =	sadd.s32 @!p0 $0x100000, s0  }
0xa5: {  	[sflag:s0] =	ssyncadd.tile.s32 @!p0 $0x1;
	_ =	shalt  }
.Lfunc_end2:
_tile_overlayer_lowered:
.L_overlay_start_2:
0xa6: {  	(tag) =	ssettag $0x2  }
0xa7: {  	s0 =	rddreg [dreg:$0x0];
	s2 =	stileid.u32  }
0xa8: {  	s1 =	rddreg [dreg:$0x1];
	p0 =	sne.s32 s2, $0x0  }
0xa9: {  	s3 =	rddreg [dreg:$0x2];
	[bflag:$0x3] =	sbarrier.arrive $0xFFFF;
	s2 =	simm.s32 @!p0 $0x1C11  }
0xaa: {  	[timem:s3], [sflag:s2] =	dma.local @!p0 [hbm:s0], s1  }
0xab: {  	s0 =	simm.s32 @!p0 $0x11  }
0xac: {  	_ =	swait.ge @!p0 [sflag:s0], s1  }
0xad: {  	s1 =	ssub.s32 @!p0 $0x0, s1;
	[sflag:s0] =	ssyncset.done @!p0 $0x0  }
0xae: {  	[sflag:s0] =	ssyncadd.s32 @!p0 s1  }
0xaf: {  	[bflag:$0x3] =	sbarrier.arrive $0xFFFF  }
0xb0: {  	_ =	shalt  }

</sc_bundles>
